<compile_context>
chip_gen: v7x
topology: tpu7x:2x2x1
jax: 0.10.2.dev20260603
libtpu: 0.0.44.dev20260713+nightly
codegen_flags: <defaults>
</compile_context>

<pallas_src>
import math

import jax
import jax.numpy as jnp
import numpy as np
from jax import lax
from jax.experimental import pallas as pl
from jax.experimental.pallas import tpu as pltpu
from jax.experimental.pallas import tpu_sc as plsc

_B, _C, _H, _W = 8, 96, 56, 56
_K = 9
_HR, _WR = 7, 7
_N = _H * _W
_NR = _HR * _WR
_GROUPS = 4
_BIG = 3.0e38

_NC, _NS, _L = 2, 16, 16
_NW = _NC * _NS

_HB = _B // 2
_WPI = _NW // _HB
_NPW = _N // _WPI
_NPWP = -(-_NPW // _L) * _L


def _pos_embed_np(c, h, w):
    d = c // 2
    pe = np.zeros((c, h, w), dtype=np.float32)
    div = np.exp(np.arange(0.0, d, 2) * -(math.log(10000.0) / d))
    pos_w = np.arange(0.0, w)[:, None]
    pos_h = np.arange(0.0, h)[:, None]
    pe[0:d:2, :, :] = np.sin(pos_w * div).T[:, None, :]
    pe[1:d:2, :, :] = np.cos(pos_w * div).T[:, None, :]
    pe[d::2, :, :] = np.sin(pos_h * div).T[:, :, None]
    pe[d + 1::2, :, :] = np.cos(pos_h * div).T[:, :, None]
    return pe


def _constants():
    pos = _pos_embed_np(_C, _H, _W)
    pos_red = pos.reshape(_C, _HR, _H // _HR, _WR, _W // _WR).mean(axis=(2, 4))
    rel = 2.0 * (pos.reshape(_C, -1).T @ pos_red.reshape(_C, -1)) / _C
    relT = np.ascontiguousarray(rel.T).astype(np.float32)
    hh = np.arange(_H)[:, None]
    ww = np.arange(_W)[None, :]
    blk = (hh // (_H // _HR)) * _WR + (ww // (_W // _WR))
    pool = (blk.reshape(_N, 1) == np.arange(_NR)[None, :]).astype(np.float32) / 64.0
    return relT, pool


_RELT_NP, _POOL_NP = _constants()


def _tc1_body(x_ref, w1_ref, b1_ref, relT_ref, pool_ref,
              h_ref, yT_ref, idx_ref):
    x = x_ref[0]
    h = jnp.dot(w1_ref[...], x,
                preferred_element_type=jnp.float32) + b1_ref[...]
    h_ref[0] = h

    y = jnp.dot(h, pool_ref[...], preferred_element_type=jnp.float32)
    yr = y.astype(jnp.bfloat16).reshape(_C // 2, 2, _NR)
    ue = jax.lax.bitcast_convert_type(yr[:, 0, :], jnp.uint16).astype(jnp.uint32)
    uo = jax.lax.bitcast_convert_type(yr[:, 1, :], jnp.uint16).astype(jnp.uint32)
    yT_ref[0] = jax.lax.bitcast_convert_type((uo << 16) | ue, jnp.int32)

    nx = jnp.sqrt(jnp.sum(h * h, axis=0, keepdims=True))
    ny = jnp.sqrt(jnp.sum(y * y, axis=0, keepdims=True))
    ipT = jax.lax.dot_general(y, h, (((0,), (0,)), ((), ())),
                              preferred_element_type=jnp.float32)
    inv_x = 1.0 / (nx + 1e-12)
    inv_y = 1.0 / (ny + 1e-12)
    innerT = ipT * inv_x * inv_y.reshape(_NR, 1)
    sx = (nx * inv_x) ** 2
    sy = (ny * inv_y) ** 2
    distT = 2.0 * innerT - sx - sy.reshape(_NR, 1) + relT_ref[...]

    iota0 = jax.lax.broadcasted_iota(jnp.int32, (_NR, _N), 0)
    d = distT
    rows = []
    for _ in range(_K):
        cur = jnp.max(d, axis=0, keepdims=True)
        first = jnp.min(jnp.where(d >= cur, iota0, _NR), axis=0,
                        keepdims=True)
        rows.append(first)
        d = jnp.where(iota0 == first, -_BIG, d)
    idxmat = jnp.concatenate(rows, axis=0)
    pad = jnp.zeros((_K, _NPWP - _NPW), jnp.int32)
    for q in range(_WPI):
        idx_ref[0, q] = jnp.concatenate(
            [idxmat[:, q * _NPW:(q + 1) * _NPW], pad], axis=1)


def _sc_body(yT_hbm, idx_hbm, out_hbm, yT_v, idx_v, acc_v):
    wid = lax.axis_index("s") * _NC + lax.axis_index("c")
    b = wid // _WPI
    q = wid % _WPI

    pltpu.sync_copy(yT_hbm.at[b], yT_v)
    pltpu.sync_copy(idx_hbm.at[b, q], idx_v)

    cu = 8

    def grp_body(g, carry):
        base = g * _L
        ivs = [idx_v[k, pl.ds(base, _L)] for k in range(_K)]

        def c_body(cc, carry2):
            c0 = cc * cu
            for u in range(cu):
                cp = c0 + u
                csplat = jnp.full((_L,), 0, jnp.int32) + cp
                o = plsc.bitcast(plsc.load_gather(yT_v, [csplat, ivs[0]]),
                                 jnp.bfloat16)
                for k in range(1, _K):
                    o = jnp.maximum(o, plsc.bitcast(
                        plsc.load_gather(yT_v, [csplat, ivs[k]]),
                        jnp.bfloat16))
                ev, od = plsc.unpack(o, format=plsc.PackFormat.INTERLEAVED)
                acc_v[2 * cp, pl.ds(base, _L)] = ev
                acc_v[2 * cp + 1, pl.ds(base, _L)] = od
            return carry2

        return lax.fori_loop(0, (_C // 2) // cu, c_body, carry)

    lax.fori_loop(0, _NPWP // _L, grp_body, 0)
    pltpu.sync_copy(acc_v, out_hbm.at[b, q])


def _tc2_compute(h, acc_ref, x, mrw_ref, mrb_ref, mrg_ref, mrbeta_ref,
                 w2_ref, b2_ref):
    acc = jnp.concatenate(
        [acc_ref[0, q, :, :_NPW] for q in range(_WPI)], axis=1)
    cat = jnp.concatenate([h, acc - h], axis=0)
    g = jnp.dot(mrw_ref[...].astype(jnp.bfloat16), cat.astype(jnp.bfloat16),
                preferred_element_type=jnp.float32) + mrb_ref[...]

    rows = (2 * _C) // _GROUPS
    parts = []
    for gi in range(_GROUPS):
        sub = g[gi * rows:(gi + 1) * rows, :]
        m = jnp.mean(sub)
        dsub = sub - m
        v = jnp.mean(dsub * dsub)
        parts.append(dsub * jax.lax.rsqrt(v + 1e-5))
    gn = jnp.concatenate(parts, axis=0) * mrg_ref[...] + mrbeta_ref[...]
    act = jax.nn.gelu(gn)

    return (jnp.dot(w2_ref[...].astype(jnp.bfloat16),
                    act.astype(jnp.bfloat16),
                    preferred_element_type=jnp.float32)
            + b2_ref[...] + x)


def _tc2a_body(h_ref, acc_ref, x_ref, mrw_ref, mrb_ref, mrg_ref,
               mrbeta_ref, w2_ref, b2_ref, out_ref):
    out_ref[0] = _tc2_compute(h_ref[0], acc_ref, x_ref[0], mrw_ref, mrb_ref,
                              mrg_ref, mrbeta_ref, w2_ref, b2_ref)


def _tc2b_body(outa_ref, h_ref, acc_ref, x_ref, mrw_ref, mrb_ref, mrg_ref,
               mrbeta_ref, w2_ref, b2_ref, out_ref):
    b = pl.program_id(0)

    @pl.when(b < _HB)
    def _copy():
        out_ref[0] = outa_ref[0]

    @pl.when(b >= _HB)
    def _compute():
        out_ref[0] = _tc2_compute(h_ref[0], acc_ref, x_ref[0], mrw_ref,
                                  mrb_ref, mrg_ref, mrbeta_ref, w2_ref,
                                  b2_ref)


def kernel(x, fc1_w, fc1_b, fc1_g, fc1_beta, mr_w, mr_b, mr_g, mr_beta,
           fc2_w, fc2_b, fc2_g, fc2_beta):
    x3 = x.reshape(_B, _C, _N)
    w1 = fc1_g[:, None] * fc1_w
    b1 = (fc1_g * fc1_b + fc1_beta)[:, None]
    w2 = fc2_g[:, None] * fc2_w
    b2 = (fc2_g * fc2_b + fc2_beta)[:, None]
    relT = jnp.asarray(_RELT_NP)
    pool = jnp.asarray(_POOL_NP)

    full = lambda shape: pl.BlockSpec(shape, lambda b: (0,) * len(shape))

    def tc1(off):
        return pl.pallas_call(
            _tc1_body,
            grid=(_HB,),
            in_specs=[
                pl.BlockSpec((1, _C, _N), lambda b: (b + off, 0, 0)),
                full((_C, _C)), full((_C, 1)),
                full((_NR, _N)), full((_N, _NR)),
            ],
            out_specs=[
                pl.BlockSpec((1, _C, _N), lambda b: (b, 0, 0)),
                pl.BlockSpec((1, _C // 2, _NR), lambda b: (b, 0, 0)),
                pl.BlockSpec((1, _WPI, _K, _NPWP), lambda b: (b, 0, 0, 0)),
            ],
            out_shape=[
                jax.ShapeDtypeStruct((_HB, _C, _N), jnp.float32),
                jax.ShapeDtypeStruct((_HB, _C // 2, _NR), jnp.int32),
                jax.ShapeDtypeStruct((_HB, _WPI, _K, _NPWP), jnp.int32),
            ],
        )(x3, w1, b1, relT, pool)

    mesh = plsc.VectorSubcoreMesh(core_axis_name="c", subcore_axis_name="s")

    def sc(yT, idx):
        return pl.kernel(
            _sc_body, mesh=mesh,
            compiler_params=pltpu.CompilerParams(needs_layout_passes=False),
            out_type=jax.ShapeDtypeStruct((_HB, _WPI, _C, _NPWP),
                                          jnp.float32),
            scratch_types=[
                pltpu.VMEM((_C // 2, _NR), jnp.int32),
                pltpu.VMEM((_K, _NPWP), jnp.int32),
                pltpu.VMEM((_C, _NPWP), jnp.float32),
            ],
        )(yT, idx)

    h_a, yT_a, idx_a = tc1(0)
    h_b, yT_b, idx_b = tc1(_HB)
    acc_a = sc(yT_a, idx_a)
    acc_b = sc(yT_b, idx_b)

    w_specs = [full((2 * _C, 2 * _C)), full((2 * _C, 1)),
               full((2 * _C, 1)), full((2 * _C, 1)),
               full((_C, 2 * _C)), full((_C, 1))]
    w_args = (mr_w, mr_b[:, None], mr_g[:, None], mr_beta[:, None], w2, b2)

    out_a = pl.pallas_call(
        _tc2a_body,
        grid=(_HB,),
        in_specs=[
            pl.BlockSpec((1, _C, _N), lambda b: (b, 0, 0)),
            pl.BlockSpec((1, _WPI, _C, _NPWP), lambda b: (b, 0, 0, 0)),
            pl.BlockSpec((1, _C, _N), lambda b: (b, 0, 0)),
        ] + w_specs,
        out_specs=pl.BlockSpec((1, _C, _N), lambda b: (b, 0, 0)),
        out_shape=jax.ShapeDtypeStruct((_HB, _C, _N), jnp.float32),
    )(h_a, acc_a, x3, *w_args)

    out = pl.pallas_call(
        _tc2b_body,
        grid=(_B,),
        in_specs=[
            pl.BlockSpec((1, _C, _N),
                         lambda b: (jnp.minimum(b, _HB - 1), 0, 0)),
            pl.BlockSpec((1, _C, _N),
                         lambda b: (jnp.maximum(b - _HB, 0), 0, 0)),
            pl.BlockSpec((1, _WPI, _C, _NPWP),
                         lambda b: (jnp.maximum(b - _HB, 0), 0, 0, 0)),
            pl.BlockSpec((1, _C, _N), lambda b: (b, 0, 0)),
        ] + w_specs,
        out_specs=pl.BlockSpec((1, _C, _N), lambda b: (b, 0, 0)),
        out_shape=jax.ShapeDtypeStruct((_B, _C, _N), jnp.float32),
    )(out_a, h_b, acc_b, x3, *w_args)

    return out.reshape(_B, _C, _H, _W)

# --- scband reference (transcript-rebuilt; emitter-appended) ---
"""Pipeline reference for scband-grapher-66623532696232 (READ-ONLY COPY).

The authoritative reference and input builder live on the scoring server;
editing this copy changes nothing except your own understanding.
"""

import jax, jax.numpy as jnp
import numpy as np
import math

B, C, H, W = 8, 96, 56, 56
K = 9
HR, WR = 7, 7
N = H * W
NR = HR * WR
GN_GROUPS = 4

def make_pos_embed(c, h, w):
    d = c // 2
    pe = np.zeros((c, h, w), dtype=np.float32)
    div = np.exp(np.arange(0.0, d, 2) * -(math.log(10000.0) / d))
    pos_w = np.arange(0.0, w)[:, None]
    pos_h = np.arange(0.0, h)[:, None]
    pe[0:d:2, :, :] = np.sin(pos_w * div).T[:, None, :]
    pe[1:d:2, :, :] = np.cos(pos_w * div).T[:, None, :]
    pe[d::2, :, :] = np.sin(pos_h * div).T[:, :, None]
    pe[d + 1::2, :, :] = np.cos(pos_h * div).T[:, :, None]
    return pe

def conv1x1(x, w, b):
    return jnp.einsum('oc,bchw->bohw', w, x) + b[None, :, None, None]

def batched_index_select(feat, idx):
    # feat: (B, C, P); idx: (B, N, K) -> (B, C, N, K)
    Bb, Cc, P = feat.shape
    Nn, Kk = idx.shape[1], idx.shape[2]
    idx2 = jnp.broadcast_to(idx.reshape(Bb, 1, Nn * Kk), (Bb, Cc, Nn * Kk))
    return jnp.take_along_axis(feat, idx2, axis=2).reshape(Bb, Cc, Nn, Kk)

def group_norm(h, g, b, groups):
    Bb, Cc = h.shape[0], h.shape[1]
    hg = h.reshape(Bb, groups, Cc // groups, -1)
    mean = hg.mean(axis=(2, 3), keepdims=True)
    var = hg.var(axis=(2, 3), keepdims=True)
    hg = (hg - mean) / jnp.sqrt(var + 1e-5)
    hn = hg.reshape(h.shape)
    return hn * g[None, :, None, None] + b[None, :, None, None]

def setup_inputs(seed: int = 0):
    key = jax.random.key(seed)
    ks = jax.random.split(key, 16)
    def p(i, shape, scale=0.05):
        return jax.random.normal(ks[i], shape, dtype=jnp.float32) * scale
    return {
        'x': jax.random.normal(ks[0], (B, C, H, W), dtype=jnp.float32),
        'fc1_w': p(1, (C, C)), 'fc1_b': p(2, (C,)),
        'fc1_g': 1.0 + p(3, (C,)), 'fc1_beta': p(4, (C,)),
        'mr_w': p(5, (2 * C, 2 * C)), 'mr_b': p(6, (2 * C,)),
        'mr_g': 1.0 + p(7, (2 * C,)), 'mr_beta': p(8, (2 * C,)),
        'fc2_w': p(9, (C, 2 * C)), 'fc2_b': p(10, (C,)),
        'fc2_g': 1.0 + p(11, (C,)), 'fc2_beta': p(12, (C,)),
    }

def reference(x, fc1_w, fc1_b, fc1_g, fc1_beta, mr_w, mr_b, mr_g, mr_beta, fc2_w, fc2_b, fc2_g, fc2_beta):
    shortcut = x
    # fc1: 1x1 conv + BatchNorm (eval mode, running stats 0/1 -> affine only)
    h = conv1x1(x, fc1_w, fc1_b)
    h = fc1_g[None, :, None, None] * h + fc1_beta[None, :, None, None]
    # DyGraphConv2d: position embedding, spatial reduction to 7x7 (sr_ratio branch), relative pos
    pos = jnp.asarray(make_pos_embed(C, H, W))
    h_red = h.reshape(B, C, HR, H // HR, WR, W // WR).mean(axis=(3, 5))
    pos_red = pos.reshape(C, HR, H // HR, WR, W // WR).mean(axis=(2, 4))
    rel = 2.0 * (pos.reshape(C, -1).T @ pos_red.reshape(C, -1)) / C  # (N, NR)
    # DenseDilatedKnnGraph: normalized features, neg pairwise sq-dist + relative_pos, top-k
    xf = h.reshape(B, C, N).transpose(0, 2, 1)
    yf = h_red.reshape(B, C, NR).transpose(0, 2, 1)
    xn = xf / (jnp.linalg.norm(xf, axis=-1, keepdims=True) + 1e-12)
    yn = yf / (jnp.linalg.norm(yf, axis=-1, keepdims=True) + 1e-12)
    inner = jnp.einsum('bnc,bmc->bnm', xn, yn)
    dist = -((xn ** 2).sum(-1)[..., None] - 2.0 * inner + (yn ** 2).sum(-1)[:, None, :])
    dist = dist + rel[None, :, :]
    _, nn_idx = jax.lax.top_k(dist, K)  # (B, N, K), dilation=1
    center = jnp.broadcast_to(jnp.arange(N)[None, :, None], (B, N, K))
    # MRConv2d: max-relative aggregation via gathers
    x3 = h.reshape(B, C, N)
    y3 = h_red.reshape(B, C, NR)
    x_i = batched_index_select(x3, center)
    x_j = batched_index_select(y3, nn_idx)
    xjm = jnp.max(x_j - x_i, axis=-1, keepdims=True)  # (B, C, N, 1)
    cat = jnp.concatenate([h.reshape(B, C, N, 1), xjm], axis=1)  # (B, 2C, N, 1)
    # BasicConv(2C -> 2C): 1x1 conv + GroupNorm + GELU
    g = jnp.einsum('oc,bcnk->bonk', mr_w, cat) + mr_b[None, :, None, None]
    g = group_norm(g, mr_g, mr_beta, GN_GROUPS)
    g = jax.nn.gelu(g)
    g = g.reshape(B, 2 * C, H, W)
    # fc2: 1x1 conv + BN affine, then residual (DropPath identity at eval)
    out = conv1x1(g, fc2_w, fc2_b)
    out = fc2_g[None, :, None, None] * out + fc2_beta[None, :, None, None]
    return out + shortcut

if __name__ == "__main__":
    import jax
    _d = setup_inputs()
    print(jax.jit(kernel)(*tuple(_d.values())))

</pallas_src>

<mosaic_0001>
#map = affine_map<(d0, d1) -> (0, 0, 0)>
#map1 = affine_map<(d0, d1) -> (0, 0, 0, 0)>
module attributes {stable_mosaic.version = 14 : i64} {
  func.func @_sc_body(%arg0: i32, %arg1: i32, %arg2: memref<4x48x49xi32, #tpu.memory_space<hbm>>, %arg3: memref<4x8x9x400xi32, #tpu.memory_space<hbm>>, %arg4: memref<4x8x96x400xf32, #tpu.memory_space<hbm>>, %arg5: memref<48x49xi32, #tpu.memory_space<vmem>>, %arg6: memref<9x400xi32, #tpu.memory_space<vmem>>, %arg7: memref<96x400xf32, #tpu.memory_space<vmem>>) attributes {dimension_semantics = [#tpu.dimension_semantics<core_parallel>, #tpu.dimension_semantics<subcore_parallel>], iteration_bounds = array<i64: 2, 16>, scalar_prefetch = 0 : i64, scratch_operands = 3 : i64, tpu.core_type = #tpu.core_type<sc_vector_subcore>, window_params = [{transform_indices = #map}, {transform_indices = #map1}, {transform_indices = #map1}]} {
    %mul3A = arith.constant 2 : i32
    %mul3A_0 = arith.muli %arg1, %mul3A : i32
    %add3A = arith.addi %mul3A_0, %arg0 : i32
    %jit3A = arith.constant 8 : i32
    %div3A = arith.divsi %add3A, %jit3A : i32
    %sign3A = arith.constant 0 : i32
    %sign3A_1 = arith.cmpi sgt, %add3A, %sign3A : i32
    %sign3A_2 = arith.extui %sign3A_1 : i1 to i32
    %sign3A_3 = arith.constant 0 : i32
    %sign3A_4 = arith.cmpi slt, %add3A, %sign3A_3 : i32
    %sign3A_5 = arith.extui %sign3A_4 : i1 to i32
    %sign3A_6 = arith.subi %sign3A_2, %sign3A_5 : i32
    %sign3A_7 = arith.constant 0 : i32
    %sign3A_8 = arith.cmpi sgt, %jit3A, %sign3A_7 : i32
    %sign3A_9 = arith.extui %sign3A_8 : i1 to i32
    %sign3A_10 = arith.constant 0 : i32
    %sign3A_11 = arith.cmpi slt, %jit3A, %sign3A_10 : i32
    %sign3A_12 = arith.extui %sign3A_11 : i1 to i32
    %sign3A_13 = arith.subi %sign3A_9, %sign3A_12 : i32
    %ne3A = arith.cmpi ne, %sign3A_6, %sign3A_13 : i32
    %rem3A = arith.remsi %add3A, %jit3A : i32
    %ne3A_14 = arith.constant 0 : i32
    %ne3A_15 = arith.cmpi ne, %rem3A, %ne3A_14 : i32
    %and3A = arith.andi %ne3A, %ne3A_15 : i1
    %sub3A = arith.constant 1 : i32
    %sub3A_16 = arith.subi %div3A, %sub3A : i32
    %select_n3A = arith.select %and3A, %sub3A_16, %div3A : i32
    %jit3A_17 = arith.constant 8 : i32
    %eq3A = arith.constant 0 : i32
    %eq3A_18 = arith.cmpi eq, %jit3A_17, %eq3A : i32
    %jit3A_19 = arith.constant 1 : i32
    %select_n3A_20 = arith.select %eq3A_18, %jit3A_19, %jit3A_17 : i32
    %rem3A_21 = arith.remsi %add3A, %select_n3A_20 : i32
    %ne3A_22 = arith.constant 0 : i32
    %ne3A_23 = arith.cmpi ne, %rem3A_21, %ne3A_22 : i32
    %lt3A = arith.constant 0 : i32
    %lt3A_24 = arith.cmpi slt, %rem3A_21, %lt3A : i32
    %lt3A_25 = arith.constant 0 : i32
    %lt3A_26 = arith.cmpi slt, %select_n3A_20, %lt3A_25 : i32
    %ne3A_27 = arith.xori %lt3A_24, %lt3A_26 : i1
    %and3A_28 = arith.andi %ne3A_27, %ne3A_23 : i1
    %add3A_29 = arith.addi %rem3A_21, %select_n3A_20 : i32
    %select_n3A_30 = arith.select %and3A_28, %add3A_29, %rem3A_21 : i32
    "tpu.region"() ({
      %run_scoped3A = tpu.sem_alloc : memref<!tpu.dma_semaphore, #tpu.memory_space<semaphore_mem>>
      %dma_start3A = arith.constant 0 : i32
      %dma_start3A_36 = arith.constant 0 : i32
      %dma_start3A_37 = tpu.memref_slice %arg2[%select_n3A, %dma_start3A, %dma_start3A_36] : memref<4x48x49xi32, #tpu.memory_space<hbm>> -> memref<1x48x49xi32, #tpu.memory_space<hbm>>
      %dma_start3A_38 = tpu.memref_squeeze %dma_start3A_37 : memref<1x48x49xi32, #tpu.memory_space<hbm>> -> memref<48x49xi32, #tpu.memory_space<hbm>>
      %dma_start3A_39 = arith.constant 0 : i32
      %dma_start3A_40 = arith.constant 0 : i32
      %dma_start3A_41 = tpu.memref_slice %arg2[%select_n3A, %dma_start3A_39, %dma_start3A_40] : memref<4x48x49xi32, #tpu.memory_space<hbm>> -> memref<1x48x49xi32, #tpu.memory_space<hbm>>
      %dma_start3A_42 = tpu.memref_squeeze %dma_start3A_41 : memref<1x48x49xi32, #tpu.memory_space<hbm>> -> memref<48x49xi32, #tpu.memory_space<hbm>>
      tpu.enqueue_dma source(%dma_start3A_42 : memref<48x49xi32, #tpu.memory_space<hbm>>) target(%arg5 : memref<48x49xi32, #tpu.memory_space<vmem>>) target_semaphore(%run_scoped3A : memref<!tpu.dma_semaphore, #tpu.memory_space<semaphore_mem>>)
      %dma_wait3A = arith.constant 0 : i32
      %dma_wait3A_43 = arith.constant 0 : i32
      %dma_wait3A_44 = tpu.memref_slice %arg2[%select_n3A, %dma_wait3A, %dma_wait3A_43] : memref<4x48x49xi32, #tpu.memory_space<hbm>> -> memref<1x48x49xi32, #tpu.memory_space<hbm>>
      %dma_wait3A_45 = tpu.memref_squeeze %dma_wait3A_44 : memref<1x48x49xi32, #tpu.memory_space<hbm>> -> memref<48x49xi32, #tpu.memory_space<hbm>>
      %dma_wait3A_46 = arith.constant 0 : i32
      %dma_wait3A_47 = arith.constant 0 : i32
      %dma_wait3A_48 = tpu.memref_slice %arg2[%select_n3A, %dma_wait3A_46, %dma_wait3A_47] : memref<4x48x49xi32, #tpu.memory_space<hbm>> -> memref<1x48x49xi32, #tpu.memory_space<hbm>>
      %dma_wait3A_49 = tpu.memref_squeeze %dma_wait3A_48 : memref<1x48x49xi32, #tpu.memory_space<hbm>> -> memref<48x49xi32, #tpu.memory_space<hbm>>
      tpu.wait_dma2 semaphore(%run_scoped3A : memref<!tpu.dma_semaphore, #tpu.memory_space<semaphore_mem>>) src(%dma_wait3A_49 : memref<48x49xi32, #tpu.memory_space<hbm>>) dst(%arg5 : memref<48x49xi32, #tpu.memory_space<vmem>>)
      tpu.yield
    }) : () -> ()
    "tpu.region"() ({
      %run_scoped3A = tpu.sem_alloc : memref<!tpu.dma_semaphore, #tpu.memory_space<semaphore_mem>>
      %dma_start3A = arith.constant 0 : i32
      %dma_start3A_36 = arith.constant 0 : i32
      %dma_start3A_37 = tpu.memref_slice %arg3[%select_n3A, %select_n3A_30, %dma_start3A, %dma_start3A_36] : memref<4x8x9x400xi32, #tpu.memory_space<hbm>> -> memref<1x1x9x400xi32, #tpu.memory_space<hbm>>
      %dma_start3A_38 = tpu.memref_squeeze %dma_start3A_37 : memref<1x1x9x400xi32, #tpu.memory_space<hbm>> -> memref<9x400xi32, #tpu.memory_space<hbm>>
      %dma_start3A_39 = arith.constant 0 : i32
      %dma_start3A_40 = arith.constant 0 : i32
      %dma_start3A_41 = tpu.memref_slice %arg3[%select_n3A, %select_n3A_30, %dma_start3A_39, %dma_start3A_40] : memref<4x8x9x400xi32, #tpu.memory_space<hbm>> -> memref<1x1x9x400xi32, #tpu.memory_space<hbm>>
      %dma_start3A_42 = tpu.memref_squeeze %dma_start3A_41 : memref<1x1x9x400xi32, #tpu.memory_space<hbm>> -> memref<9x400xi32, #tpu.memory_space<hbm>>
      tpu.enqueue_dma source(%dma_start3A_42 : memref<9x400xi32, #tpu.memory_space<hbm>>) target(%arg6 : memref<9x400xi32, #tpu.memory_space<vmem>>) target_semaphore(%run_scoped3A : memref<!tpu.dma_semaphore, #tpu.memory_space<semaphore_mem>>)
      %dma_wait3A = arith.constant 0 : i32
      %dma_wait3A_43 = arith.constant 0 : i32
      %dma_wait3A_44 = tpu.memref_slice %arg3[%select_n3A, %select_n3A_30, %dma_wait3A, %dma_wait3A_43] : memref<4x8x9x400xi32, #tpu.memory_space<hbm>> -> memref<1x1x9x400xi32, #tpu.memory_space<hbm>>
      %dma_wait3A_45 = tpu.memref_squeeze %dma_wait3A_44 : memref<1x1x9x400xi32, #tpu.memory_space<hbm>> -> memref<9x400xi32, #tpu.memory_space<hbm>>
      %dma_wait3A_46 = arith.constant 0 : i32
      %dma_wait3A_47 = arith.constant 0 : i32
      %dma_wait3A_48 = tpu.memref_slice %arg3[%select_n3A, %select_n3A_30, %dma_wait3A_46, %dma_wait3A_47] : memref<4x8x9x400xi32, #tpu.memory_space<hbm>> -> memref<1x1x9x400xi32, #tpu.memory_space<hbm>>
      %dma_wait3A_49 = tpu.memref_squeeze %dma_wait3A_48 : memref<1x1x9x400xi32, #tpu.memory_space<hbm>> -> memref<9x400xi32, #tpu.memory_space<hbm>>
      tpu.wait_dma2 semaphore(%run_scoped3A : memref<!tpu.dma_semaphore, #tpu.memory_space<semaphore_mem>>) src(%dma_wait3A_49 : memref<9x400xi32, #tpu.memory_space<hbm>>) dst(%arg6 : memref<9x400xi32, #tpu.memory_space<vmem>>)
      tpu.yield
    }) : () -> ()
    %scan3A = arith.constant 0 : i32
    %scan3A_31 = arith.constant 0 : i32
    %scan3A_32 = arith.constant 25 : i32
    %scan3A_33 = arith.addi %scan3A_31, %scan3A_32 : i32
    %scan3A_34 = arith.constant 1 : i32
    scf.for %scan3A_36 = %scan3A_31 to %scan3A_33 step %scan3A_34  : i32 {
      %mul3A_37 = arith.constant 16 : i32
      %mul3A_38 = arith.muli %scan3A_36, %mul3A_37 : i32
      %get3A = arith.constant 0 : i32
      %get3A_39 = arith.index_cast %get3A : i32 to index
      %get3A_40 = arith.index_cast %mul3A_38 : i32 to index
      %get3A_41 = tpu.vector_load %arg6[%get3A_39, %get3A_40] {strides = array<i32>} : memref<9x400xi32, #tpu.memory_space<vmem>>, vector<16xi32>,
      %get3A_42 = arith.constant 1 : i32
      %get3A_43 = arith.index_cast %get3A_42 : i32 to index
      %get3A_44 = arith.index_cast %mul3A_38 : i32 to index
      %get3A_45 = tpu.vector_load %arg6[%get3A_43, %get3A_44] {strides = array<i32>} : memref<9x400xi32, #tpu.memory_space<vmem>>, vector<16xi32>,
      %get3A_46 = arith.constant 2 : i32
      %get3A_47 = arith.index_cast %get3A_46 : i32 to index
      %get3A_48 = arith.index_cast %mul3A_38 : i32 to index
      %get3A_49 = tpu.vector_load %arg6[%get3A_47, %get3A_48] {strides = array<i32>} : memref<9x400xi32, #tpu.memory_space<vmem>>, vector<16xi32>,
      %get3A_50 = arith.constant 3 : i32
      %get3A_51 = arith.index_cast %get3A_50 : i32 to index
      %get3A_52 = arith.index_cast %mul3A_38 : i32 to index
      %get3A_53 = tpu.vector_load %arg6[%get3A_51, %get3A_52] {strides = array<i32>} : memref<9x400xi32, #tpu.memory_space<vmem>>, vector<16xi32>,
      %get3A_54 = arith.constant 4 : i32
      %get3A_55 = arith.index_cast %get3A_54 : i32 to index
      %get3A_56 = arith.index_cast %mul3A_38 : i32 to index
      %get3A_57 = tpu.vector_load %arg6[%get3A_55, %get3A_56] {strides = array<i32>} : memref<9x400xi32, #tpu.memory_space<vmem>>, vector<16xi32>,
      %get3A_58 = arith.constant 5 : i32
      %get3A_59 = arith.index_cast %get3A_58 : i32 to index
      %get3A_60 = arith.index_cast %mul3A_38 : i32 to index
      %get3A_61 = tpu.vector_load %arg6[%get3A_59, %get3A_60] {strides = array<i32>} : memref<9x400xi32, #tpu.memory_space<vmem>>, vector<16xi32>,
      %get3A_62 = arith.constant 6 : i32
      %get3A_63 = arith.index_cast %get3A_62 : i32 to index
      %get3A_64 = arith.index_cast %mul3A_38 : i32 to index
      %get3A_65 = tpu.vector_load %arg6[%get3A_63, %get3A_64] {strides = array<i32>} : memref<9x400xi32, #tpu.memory_space<vmem>>, vector<16xi32>,
      %get3A_66 = arith.constant 7 : i32
      %get3A_67 = arith.index_cast %get3A_66 : i32 to index
      %get3A_68 = arith.index_cast %mul3A_38 : i32 to index
      %get3A_69 = tpu.vector_load %arg6[%get3A_67, %get3A_68] {strides = array<i32>} : memref<9x400xi32, #tpu.memory_space<vmem>>, vector<16xi32>,
      %get3A_70 = arith.constant 8 : i32
      %get3A_71 = arith.index_cast %get3A_70 : i32 to index
      %get3A_72 = arith.index_cast %mul3A_38 : i32 to index
      %get3A_73 = tpu.vector_load %arg6[%get3A_71, %get3A_72] {strides = array<i32>} : memref<9x400xi32, #tpu.memory_space<vmem>>, vector<16xi32>,
      %scan3A_74 = arith.constant 0 : i32
      %scan3A_75 = arith.constant 6 : i32
      %scan3A_76 = arith.addi %scan3A_74, %scan3A_75 : i32
      %scan3A_77 = arith.constant 1 : i32
      scf.for %scan3A_79 = %scan3A_74 to %scan3A_76 step %scan3A_77  : i32 {
        %mul3A_80 = arith.constant 8 : i32
        %mul3A_81 = arith.muli %scan3A_79, %mul3A_80 : i32
        %add3A_82 = arith.constant 0 : i32
        %add3A_83 = arith.addi %mul3A_81, %add3A_82 : i32
        %broadcast_in_dim3A = arith.constant 0 : i32
        %broadcast_in_dim3A_84 = vector.broadcast %broadcast_in_dim3A : i32 to vector<16xi32>
        %add3A_85 = vector.broadcast %add3A_83 : i32 to vector<16xi32>
        %add3A_86 = arith.addi %broadcast_in_dim3A_84, %add3A_85 : vector<16xi32>
        %gather3A = tpu.vector_load_idx %arg5[%add3A_86, %get3A_41] : memref<48x49xi32, #tpu.memory_space<vmem>>[vector<16xi32>, vector<16xi32>], vector<16xi32>,
        %bitcast3A = vector.bitcast %gather3A : vector<16xi32> to vector<32xbf16>
        %gather3A_87 = tpu.vector_load_idx %arg5[%add3A_86, %get3A_45] : memref<48x49xi32, #tpu.memory_space<vmem>>[vector<16xi32>, vector<16xi32>], vector<16xi32>,
        %bitcast3A_88 = vector.bitcast %gather3A_87 : vector<16xi32> to vector<32xbf16>
        %max3A = arith.maximumf %bitcast3A, %bitcast3A_88 : vector<32xbf16>
        %gather3A_89 = tpu.vector_load_idx %arg5[%add3A_86, %get3A_49] : memref<48x49xi32, #tpu.memory_space<vmem>>[vector<16xi32>, vector<16xi32>], vector<16xi32>,
        %bitcast3A_90 = vector.bitcast %gather3A_89 : vector<16xi32> to vector<32xbf16>
        %max3A_91 = arith.maximumf %max3A, %bitcast3A_90 : vector<32xbf16>
        %gather3A_92 = tpu.vector_load_idx %arg5[%add3A_86, %get3A_53] : memref<48x49xi32, #tpu.memory_space<vmem>>[vector<16xi32>, vector<16xi32>], vector<16xi32>,
        %bitcast3A_93 = vector.bitcast %gather3A_92 : vector<16xi32> to vector<32xbf16>
        %max3A_94 = arith.maximumf %max3A_91, %bitcast3A_93 : vector<32xbf16>
        %gather3A_95 = tpu.vector_load_idx %arg5[%add3A_86, %get3A_57] : memref<48x49xi32, #tpu.memory_space<vmem>>[vector<16xi32>, vector<16xi32>], vector<16xi32>,
        %bitcast3A_96 = vector.bitcast %gather3A_95 : vector<16xi32> to vector<32xbf16>
        %max3A_97 = arith.maximumf %max3A_94, %bitcast3A_96 : vector<32xbf16>
        %gather3A_98 = tpu.vector_load_idx %arg5[%add3A_86, %get3A_61] : memref<48x49xi32, #tpu.memory_space<vmem>>[vector<16xi32>, vector<16xi32>], vector<16xi32>,
        %bitcast3A_99 = vector.bitcast %gather3A_98 : vector<16xi32> to vector<32xbf16>
        %max3A_100 = arith.maximumf %max3A_97, %bitcast3A_99 : vector<32xbf16>
        %gather3A_101 = tpu.vector_load_idx %arg5[%add3A_86, %get3A_65] : memref<48x49xi32, #tpu.memory_space<vmem>>[vector<16xi32>, vector<16xi32>], vector<16xi32>,
        %bitcast3A_102 = vector.bitcast %gather3A_101 : vector<16xi32> to vector<32xbf16>
        %max3A_103 = arith.maximumf %max3A_100, %bitcast3A_102 : vector<32xbf16>
        %gather3A_104 = tpu.vector_load_idx %arg5[%add3A_86, %get3A_69] : memref<48x49xi32, #tpu.memory_space<vmem>>[vector<16xi32>, vector<16xi32>], vector<16xi32>,
        %bitcast3A_105 = vector.bitcast %gather3A_104 : vector<16xi32> to vector<32xbf16>
        %max3A_106 = arith.maximumf %max3A_103, %bitcast3A_105 : vector<32xbf16>
        %gather3A_107 = tpu.vector_load_idx %arg5[%add3A_86, %get3A_73] : memref<48x49xi32, #tpu.memory_space<vmem>>[vector<16xi32>, vector<16xi32>], vector<16xi32>,
        %bitcast3A_108 = vector.bitcast %gather3A_107 : vector<16xi32> to vector<32xbf16>
        %max3A_109 = arith.maximumf %max3A_106, %bitcast3A_108 : vector<32xbf16>
        %unpack3A = tpu.unpack_subelements %max3A_109, 0 {pack_format = #tpu.pack_format<interleaved>} : vector<32xbf16> -> vector<16xf32>
        %unpack3A_110 = tpu.unpack_subelements %max3A_109, 1 {pack_format = #tpu.pack_format<interleaved>} : vector<32xbf16> -> vector<16xf32>
        %mul3A_111 = arith.constant 2 : i32
        %mul3A_112 = arith.muli %mul3A_111, %add3A_83 : i32
        %swap3A = arith.index_cast %mul3A_112 : i32 to index
        %swap3A_113 = arith.index_cast %mul3A_38 : i32 to index
        %swap3A_114 = tpu.vector_load %arg7[%swap3A, %swap3A_113] {strides = array<i32>} : memref<96x400xf32, #tpu.memory_space<vmem>>, vector<16xf32>,
        tpu.vector_store %arg7[%swap3A, %swap3A_113], %unpack3A {strides = array<i32>} : memref<96x400xf32, #tpu.memory_space<vmem>>, vector<16xf32>,
        %mul3A_115 = arith.constant 2 : i32
        %mul3A_116 = arith.muli %mul3A_115, %add3A_83 : i32
        %add3A_117 = arith.constant 1 : i32
        %add3A_118 = arith.addi %mul3A_116, %add3A_117 : i32
        %swap3A_119 = arith.index_cast %add3A_118 : i32 to index
        %swap3A_120 = arith.index_cast %mul3A_38 : i32 to index
        %swap3A_121 = tpu.vector_load %arg7[%swap3A_119, %swap3A_120] {strides = array<i32>} : memref<96x400xf32, #tpu.memory_space<vmem>>, vector<16xf32>,
        tpu.vector_store %arg7[%swap3A_119, %swap3A_120], %unpack3A_110 {strides = array<i32>} : memref<96x400xf32, #tpu.memory_space<vmem>>, vector<16xf32>,
        %add3A_122 = arith.constant 1 : i32
        %add3A_123 = arith.addi %mul3A_81, %add3A_122 : i32
        %broadcast_in_dim3A_124 = arith.constant 0 : i32
        %broadcast_in_dim3A_125 = vector.broadcast %broadcast_in_dim3A_124 : i32 to vector<16xi32>
        %add3A_126 = vector.broadcast %add3A_123 : i32 to vector<16xi32>
        %add3A_127 = arith.addi %broadcast_in_dim3A_125, %add3A_126 : vector<16xi32>
        %gather3A_128 = tpu.vector_load_idx %arg5[%add3A_127, %get3A_41] : memref<48x49xi32, #tpu.memory_space<vmem>>[vector<16xi32>, vector<16xi32>], vector<16xi32>,
        %bitcast3A_129 = vector.bitcast %gather3A_128 : vector<16xi32> to vector<32xbf16>
        %gather3A_130 = tpu.vector_load_idx %arg5[%add3A_127, %get3A_45] : memref<48x49xi32, #tpu.memory_space<vmem>>[vector<16xi32>, vector<16xi32>], vector<16xi32>,
        %bitcast3A_131 = vector.bitcast %gather3A_130 : vector<16xi32> to vector<32xbf16>
        %max3A_132 = arith.maximumf %bitcast3A_129, %bitcast3A_131 : vector<32xbf16>
        %gather3A_133 = tpu.vector_load_idx %arg5[%add3A_127, %get3A_49] : memref<48x49xi32, #tpu.memory_space<vmem>>[vector<16xi32>, vector<16xi32>], vector<16xi32>,
        %bitcast3A_134 = vector.bitcast %gather3A_133 : vector<16xi32> to vector<32xbf16>
        %max3A_135 = arith.maximumf %max3A_132, %bitcast3A_134 : vector<32xbf16>
        %gather3A_136 = tpu.vector_load_idx %arg5[%add3A_127, %get3A_53] : memref<48x49xi32, #tpu.memory_space<vmem>>[vector<16xi32>, vector<16xi32>], vector<16xi32>,
        %bitcast3A_137 = vector.bitcast %gather3A_136 : vector<16xi32> to vector<32xbf16>
        %max3A_138 = arith.maximumf %max3A_135, %bitcast3A_137 : vector<32xbf16>
        %gather3A_139 = tpu.vector_load_idx %arg5[%add3A_127, %get3A_57] : memref<48x49xi32, #tpu.memory_space<vmem>>[vector<16xi32>, vector<16xi32>], vector<16xi32>,
        %bitcast3A_140 = vector.bitcast %gather3A_139 : vector<16xi32> to vector<32xbf16>
        %max3A_141 = arith.maximumf %max3A_138, %bitcast3A_140 : vector<32xbf16>
        %gather3A_142 = tpu.vector_load_idx %arg5[%add3A_127, %get3A_61] : memref<48x49xi32, #tpu.memory_space<vmem>>[vector<16xi32>, vector<16xi32>], vector<16xi32>,
        %bitcast3A_143 = vector.bitcast %gather3A_142 : vector<16xi32> to vector<32xbf16>
        %max3A_144 = arith.maximumf %max3A_141, %bitcast3A_143 : vector<32xbf16>
        %gather3A_145 = tpu.vector_load_idx %arg5[%add3A_127, %get3A_65] : memref<48x49xi32, #tpu.memory_space<vmem>>[vector<16xi32>, vector<16xi32>], vector<16xi32>,
        %bitcast3A_146 = vector.bitcast %gather3A_145 : vector<16xi32> to vector<32xbf16>
        %max3A_147 = arith.maximumf %max3A_144, %bitcast3A_146 : vector<32xbf16>
        %gather3A_148 = tpu.vector_load_idx %arg5[%add3A_127, %get3A_69] : memref<48x49xi32, #tpu.memory_space<vmem>>[vector<16xi32>, vector<16xi32>], vector<16xi32>,
        %bitcast3A_149 = vector.bitcast %gather3A_148 : vector<16xi32> to vector<32xbf16>
        %max3A_150 = arith.maximumf %max3A_147, %bitcast3A_149 : vector<32xbf16>
        %gather3A_151 = tpu.vector_load_idx %arg5[%add3A_127, %get3A_73] : memref<48x49xi32, #tpu.memory_space<vmem>>[vector<16xi32>, vector<16xi32>], vector<16xi32>,
        %bitcast3A_152 = vector.bitcast %gather3A_151 : vector<16xi32> to vector<32xbf16>
        %max3A_153 = arith.maximumf %max3A_150, %bitcast3A_152 : vector<32xbf16>
        %unpack3A_154 = tpu.unpack_subelements %max3A_153, 0 {pack_format = #tpu.pack_format<interleaved>} : vector<32xbf16> -> vector<16xf32>
        %unpack3A_155 = tpu.unpack_subelements %max3A_153, 1 {pack_format = #tpu.pack_format<interleaved>} : vector<32xbf16> -> vector<16xf32>
        %mul3A_156 = arith.constant 2 : i32
        %mul3A_157 = arith.muli %mul3A_156, %add3A_123 : i32
        %swap3A_158 = arith.index_cast %mul3A_157 : i32 to index
        %swap3A_159 = arith.index_cast %mul3A_38 : i32 to index
        %swap3A_160 = tpu.vector_load %arg7[%swap3A_158, %swap3A_159] {strides = array<i32>} : memref<96x400xf32, #tpu.memory_space<vmem>>, vector<16xf32>,
        tpu.vector_store %arg7[%swap3A_158, %swap3A_159], %unpack3A_154 {strides = array<i32>} : memref<96x400xf32, #tpu.memory_space<vmem>>, vector<16xf32>,
        %mul3A_161 = arith.constant 2 : i32
        %mul3A_162 = arith.muli %mul3A_161, %add3A_123 : i32
        %add3A_163 = arith.constant 1 : i32
        %add3A_164 = arith.addi %mul3A_162, %add3A_163 : i32
        %swap3A_165 = arith.index_cast %add3A_164 : i32 to index
        %swap3A_166 = arith.index_cast %mul3A_38 : i32 to index
        %swap3A_167 = tpu.vector_load %arg7[%swap3A_165, %swap3A_166] {strides = array<i32>} : memref<96x400xf32, #tpu.memory_space<vmem>>, vector<16xf32>,
        tpu.vector_store %arg7[%swap3A_165, %swap3A_166], %unpack3A_155 {strides = array<i32>} : memref<96x400xf32, #tpu.memory_space<vmem>>, vector<16xf32>,
        %add3A_168 = arith.constant 2 : i32
        %add3A_169 = arith.addi %mul3A_81, %add3A_168 : i32
        %broadcast_in_dim3A_170 = arith.constant 0 : i32
        %broadcast_in_dim3A_171 = vector.broadcast %broadcast_in_dim3A_170 : i32 to vector<16xi32>
        %add3A_172 = vector.broadcast %add3A_169 : i32 to vector<16xi32>
        %add3A_173 = arith.addi %broadcast_in_dim3A_171, %add3A_172 : vector<16xi32>
        %gather3A_174 = tpu.vector_load_idx %arg5[%add3A_173, %get3A_41] : memref<48x49xi32, #tpu.memory_space<vmem>>[vector<16xi32>, vector<16xi32>], vector<16xi32>,
        %bitcast3A_175 = vector.bitcast %gather3A_174 : vector<16xi32> to vector<32xbf16>
        %gather3A_176 = tpu.vector_load_idx %arg5[%add3A_173, %get3A_45] : memref<48x49xi32, #tpu.memory_space<vmem>>[vector<16xi32>, vector<16xi32>], vector<16xi32>,
        %bitcast3A_177 = vector.bitcast %gather3A_176 : vector<16xi32> to vector<32xbf16>
        %max3A_178 = arith.maximumf %bitcast3A_175, %bitcast3A_177 : vector<32xbf16>
        %gather3A_179 = tpu.vector_load_idx %arg5[%add3A_173, %get3A_49] : memref<48x49xi32, #tpu.memory_space<vmem>>[vector<16xi32>, vector<16xi32>], vector<16xi32>,
        %bitcast3A_180 = vector.bitcast %gather3A_179 : vector<16xi32> to vector<32xbf16>
        %max3A_181 = arith.maximumf %max3A_178, %bitcast3A_180 : vector<32xbf16>
        %gather3A_182 = tpu.vector_load_idx %arg5[%add3A_173, %get3A_53] : memref<48x49xi32, #tpu.memory_space<vmem>>[vector<16xi32>, vector<16xi32>], vector<16xi32>,
        %bitcast3A_183 = vector.bitcast %gather3A_182 : vector<16xi32> to vector<32xbf16>
        %max3A_184 = arith.maximumf %max3A_181, %bitcast3A_183 : vector<32xbf16>
        %gather3A_185 = tpu.vector_load_idx %arg5[%add3A_173, %get3A_57] : memref<48x49xi32, #tpu.memory_space<vmem>>[vector<16xi32>, vector<16xi32>], vector<16xi32>,
        %bitcast3A_186 = vector.bitcast %gather3A_185 : vector<16xi32> to vector<32xbf16>
        %max3A_187 = arith.maximumf %max3A_184, %bitcast3A_186 : vector<32xbf16>
        %gather3A_188 = tpu.vector_load_idx %arg5[%add3A_173, %get3A_61] : memref<48x49xi32, #tpu.memory_space<vmem>>[vector<16xi32>, vector<16xi32>], vector<16xi32>,
        %bitcast3A_189 = vector.bitcast %gather3A_188 : vector<16xi32> to vector<32xbf16>
        %max3A_190 = arith.maximumf %max3A_187, %bitcast3A_189 : vector<32xbf16>
        %gather3A_191 = tpu.vector_load_idx %arg5[%add3A_173, %get3A_65] : memref<48x49xi32, #tpu.memory_space<vmem>>[vector<16xi32>, vector<16xi32>], vector<16xi32>,
        %bitcast3A_192 = vector.bitcast %gather3A_191 : vector<16xi32> to vector<32xbf16>
        %max3A_193 = arith.maximumf %max3A_190, %bitcast3A_192 : vector<32xbf16>
        %gather3A_194 = tpu.vector_load_idx %arg5[%add3A_173, %get3A_69] : memref<48x49xi32, #tpu.memory_space<vmem>>[vector<16xi32>, vector<16xi32>], vector<16xi32>,
        %bitcast3A_195 = vector.bitcast %gather3A_194 : vector<16xi32> to vector<32xbf16>
        %max3A_196 = arith.maximumf %max3A_193, %bitcast3A_195 : vector<32xbf16>
        %gather3A_197 = tpu.vector_load_idx %arg5[%add3A_173, %get3A_73] : memref<48x49xi32, #tpu.memory_space<vmem>>[vector<16xi32>, vector<16xi32>], vector<16xi32>,
        %bitcast3A_198 = vector.bitcast %gather3A_197 : vector<16xi32> to vector<32xbf16>
        %max3A_199 = arith.maximumf %max3A_196, %bitcast3A_198 : vector<32xbf16>
        %unpack3A_200 = tpu.unpack_subelements %max3A_199, 0 {pack_format = #tpu.pack_format<interleaved>} : vector<32xbf16> -> vector<16xf32>
        %unpack3A_201 = tpu.unpack_subelements %max3A_199, 1 {pack_format = #tpu.pack_format<interleaved>} : vector<32xbf16> -> vector<16xf32>
        %mul3A_202 = arith.constant 2 : i32
        %mul3A_203 = arith.muli %mul3A_202, %add3A_169 : i32
        %swap3A_204 = arith.index_cast %mul3A_203 : i32 to index
        %swap3A_205 = arith.index_cast %mul3A_38 : i32 to index
        %swap3A_206 = tpu.vector_load %arg7[%swap3A_204, %swap3A_205] {strides = array<i32>} : memref<96x400xf32, #tpu.memory_space<vmem>>, vector<16xf32>,
        tpu.vector_store %arg7[%swap3A_204, %swap3A_205], %unpack3A_200 {strides = array<i32>} : memref<96x400xf32, #tpu.memory_space<vmem>>, vector<16xf32>,
        %mul3A_207 = arith.constant 2 : i32
        %mul3A_208 = arith.muli %mul3A_207, %add3A_169 : i32
        %add3A_209 = arith.constant 1 : i32
        %add3A_210 = arith.addi %mul3A_208, %add3A_209 : i32
        %swap3A_211 = arith.index_cast %add3A_210 : i32 to index
        %swap3A_212 = arith.index_cast %mul3A_38 : i32 to index
        %swap3A_213 = tpu.vector_load %arg7[%swap3A_211, %swap3A_212] {strides = array<i32>} : memref<96x400xf32, #tpu.memory_space<vmem>>, vector<16xf32>,
        tpu.vector_store %arg7[%swap3A_211, %swap3A_212], %unpack3A_201 {strides = array<i32>} : memref<96x400xf32, #tpu.memory_space<vmem>>, vector<16xf32>,
        %add3A_214 = arith.constant 3 : i32
        %add3A_215 = arith.addi %mul3A_81, %add3A_214 : i32
        %broadcast_in_dim3A_216 = arith.constant 0 : i32
        %broadcast_in_dim3A_217 = vector.broadcast %broadcast_in_dim3A_216 : i32 to vector<16xi32>
        %add3A_218 = vector.broadcast %add3A_215 : i32 to vector<16xi32>
        %add3A_219 = arith.addi %broadcast_in_dim3A_217, %add3A_218 : vector<16xi32>
        %gather3A_220 = tpu.vector_load_idx %arg5[%add3A_219, %get3A_41] : memref<48x49xi32, #tpu.memory_space<vmem>>[vector<16xi32>, vector<16xi32>], vector<16xi32>,
        %bitcast3A_221 = vector.bitcast %gather3A_220 : vector<16xi32> to vector<32xbf16>
        %gather3A_222 = tpu.vector_load_idx %arg5[%add3A_219, %get3A_45] : memref<48x49xi32, #tpu.memory_space<vmem>>[vector<16xi32>, vector<16xi32>], vector<16xi32>,
        %bitcast3A_223 = vector.bitcast %gather3A_222 : vector<16xi32> to vector<32xbf16>
        %max3A_224 = arith.maximumf %bitcast3A_221, %bitcast3A_223 : vector<32xbf16>
        %gather3A_225 = tpu.vector_load_idx %arg5[%add3A_219, %get3A_49] : memref<48x49xi32, #tpu.memory_space<vmem>>[vector<16xi32>, vector<16xi32>], vector<16xi32>,
        %bitcast3A_226 = vector.bitcast %gather3A_225 : vector<16xi32> to vector<32xbf16>
        %max3A_227 = arith.maximumf %max3A_224, %bitcast3A_226 : vector<32xbf16>
        %gather3A_228 = tpu.vector_load_idx %arg5[%add3A_219, %get3A_53] : memref<48x49xi32, #tpu.memory_space<vmem>>[vector<16xi32>, vector<16xi32>], vector<16xi32>,
        %bitcast3A_229 = vector.bitcast %gather3A_228 : vector<16xi32> to vector<32xbf16>
        %max3A_230 = arith.maximumf %max3A_227, %bitcast3A_229 : vector<32xbf16>
        %gather3A_231 = tpu.vector_load_idx %arg5[%add3A_219, %get3A_57] : memref<48x49xi32, #tpu.memory_space<vmem>>[vector<16xi32>, vector<16xi32>], vector<16xi32>,
        %bitcast3A_232 = vector.bitcast %gather3A_231 : vector<16xi32> to vector<32xbf16>
        %max3A_233 = arith.maximumf %max3A_230, %bitcast3A_232 : vector<32xbf16>
        %gather3A_234 = tpu.vector_load_idx %arg5[%add3A_219, %get3A_61] : memref<48x49xi32, #tpu.memory_space<vmem>>[vector<16xi32>, vector<16xi32>], vector<16xi32>,
        %bitcast3A_235 = vector.bitcast %gather3A_234 : vector<16xi32> to vector<32xbf16>
        %max3A_236 = arith.maximumf %max3A_233, %bitcast3A_235 : vector<32xbf16>
        %gather3A_237 = tpu.vector_load_idx %arg5[%add3A_219, %get3A_65] : memref<48x49xi32, #tpu.memory_space<vmem>>[vector<16xi32>, vector<16xi32>], vector<16xi32>,
        %bitcast3A_238 = vector.bitcast %gather3A_237 : vector<16xi32> to vector<32xbf16>
        %max3A_239 = arith.maximumf %max3A_236, %bitcast3A_238 : vector<32xbf16>
        %gather3A_240 = tpu.vector_load_idx %arg5[%add3A_219, %get3A_69] : memref<48x49xi32, #tpu.memory_space<vmem>>[vector<16xi32>, vector<16xi32>], vector<16xi32>,
        %bitcast3A_241 = vector.bitcast %gather3A_240 : vector<16xi32> to vector<32xbf16>
        %max3A_242 = arith.maximumf %max3A_239, %bitcast3A_241 : vector<32xbf16>
        %gather3A_243 = tpu.vector_load_idx %arg5[%add3A_219, %get3A_73] : memref<48x49xi32, #tpu.memory_space<vmem>>[vector<16xi32>, vector<16xi32>], vector<16xi32>,
        %bitcast3A_244 = vector.bitcast %gather3A_243 : vector<16xi32> to vector<32xbf16>
        %max3A_245 = arith.maximumf %max3A_242, %bitcast3A_244 : vector<32xbf16>
        %unpack3A_246 = tpu.unpack_subelements %max3A_245, 0 {pack_format = #tpu.pack_format<interleaved>} : vector<32xbf16> -> vector<16xf32>
        %unpack3A_247 = tpu.unpack_subelements %max3A_245, 1 {pack_format = #tpu.pack_format<interleaved>} : vector<32xbf16> -> vector<16xf32>
        %mul3A_248 = arith.constant 2 : i32
        %mul3A_249 = arith.muli %mul3A_248, %add3A_215 : i32
        %swap3A_250 = arith.index_cast %mul3A_249 : i32 to index
        %swap3A_251 = arith.index_cast %mul3A_38 : i32 to index
        %swap3A_252 = tpu.vector_load %arg7[%swap3A_250, %swap3A_251] {strides = array<i32>} : memref<96x400xf32, #tpu.memory_space<vmem>>, vector<16xf32>,
        tpu.vector_store %arg7[%swap3A_250, %swap3A_251], %unpack3A_246 {strides = array<i32>} : memref<96x400xf32, #tpu.memory_space<vmem>>, vector<16xf32>,
        %mul3A_253 = arith.constant 2 : i32
        %mul3A_254 = arith.muli %mul3A_253, %add3A_215 : i32
        %add3A_255 = arith.constant 1 : i32
        %add3A_256 = arith.addi %mul3A_254, %add3A_255 : i32
        %swap3A_257 = arith.index_cast %add3A_256 : i32 to index
        %swap3A_258 = arith.index_cast %mul3A_38 : i32 to index
        %swap3A_259 = tpu.vector_load %arg7[%swap3A_257, %swap3A_258] {strides = array<i32>} : memref<96x400xf32, #tpu.memory_space<vmem>>, vector<16xf32>,
        tpu.vector_store %arg7[%swap3A_257, %swap3A_258], %unpack3A_247 {strides = array<i32>} : memref<96x400xf32, #tpu.memory_space<vmem>>, vector<16xf32>,
        %add3A_260 = arith.constant 4 : i32
        %add3A_261 = arith.addi %mul3A_81, %add3A_260 : i32
        %broadcast_in_dim3A_262 = arith.constant 0 : i32
        %broadcast_in_dim3A_263 = vector.broadcast %broadcast_in_dim3A_262 : i32 to vector<16xi32>
        %add3A_264 = vector.broadcast %add3A_261 : i32 to vector<16xi32>
        %add3A_265 = arith.addi %broadcast_in_dim3A_263, %add3A_264 : vector<16xi32>
        %gather3A_266 = tpu.vector_load_idx %arg5[%add3A_265, %get3A_41] : memref<48x49xi32, #tpu.memory_space<vmem>>[vector<16xi32>, vector<16xi32>], vector<16xi32>,
        %bitcast3A_267 = vector.bitcast %gather3A_266 : vector<16xi32> to vector<32xbf16>
        %gather3A_268 = tpu.vector_load_idx %arg5[%add3A_265, %get3A_45] : memref<48x49xi32, #tpu.memory_space<vmem>>[vector<16xi32>, vector<16xi32>], vector<16xi32>,
        %bitcast3A_269 = vector.bitcast %gather3A_268 : vector<16xi32> to vector<32xbf16>
        %max3A_270 = arith.maximumf %bitcast3A_267, %bitcast3A_269 : vector<32xbf16>
        %gather3A_271 = tpu.vector_load_idx %arg5[%add3A_265, %get3A_49] : memref<48x49xi32, #tpu.memory_space<vmem>>[vector<16xi32>, vector<16xi32>], vector<16xi32>,
        %bitcast3A_272 = vector.bitcast %gather3A_271 : vector<16xi32> to vector<32xbf16>
        %max3A_273 = arith.maximumf %max3A_270, %bitcast3A_272 : vector<32xbf16>
        %gather3A_274 = tpu.vector_load_idx %arg5[%add3A_265, %get3A_53] : memref<48x49xi32, #tpu.memory_space<vmem>>[vector<16xi32>, vector<16xi32>], vector<16xi32>,
        %bitcast3A_275 = vector.bitcast %gather3A_274 : vector<16xi32> to vector<32xbf16>
        %max3A_276 = arith.maximumf %max3A_273, %bitcast3A_275 : vector<32xbf16>
        %gather3A_277 = tpu.vector_load_idx %arg5[%add3A_265, %get3A_57] : memref<48x49xi32, #tpu.memory_space<vmem>>[vector<16xi32>, vector<16xi32>], vector<16xi32>,
        %bitcast3A_278 = vector.bitcast %gather3A_277 : vector<16xi32> to vector<32xbf16>
        %max3A_279 = arith.maximumf %max3A_276, %bitcast3A_278 : vector<32xbf16>
        %gather3A_280 = tpu.vector_load_idx %arg5[%add3A_265, %get3A_61] : memref<48x49xi32, #tpu.memory_space<vmem>>[vector<16xi32>, vector<16xi32>], vector<16xi32>,
        %bitcast3A_281 = vector.bitcast %gather3A_280 : vector<16xi32> to vector<32xbf16>
        %max3A_282 = arith.maximumf %max3A_279, %bitcast3A_281 : vector<32xbf16>
        %gather3A_283 = tpu.vector_load_idx %arg5[%add3A_265, %get3A_65] : memref<48x49xi32, #tpu.memory_space<vmem>>[vector<16xi32>, vector<16xi32>], vector<16xi32>,
        %bitcast3A_284 = vector.bitcast %gather3A_283 : vector<16xi32> to vector<32xbf16>
        %max3A_285 = arith.maximumf %max3A_282, %bitcast3A_284 : vector<32xbf16>
        %gather3A_286 = tpu.vector_load_idx %arg5[%add3A_265, %get3A_69] : memref<48x49xi32, #tpu.memory_space<vmem>>[vector<16xi32>, vector<16xi32>], vector<16xi32>,
        %bitcast3A_287 = vector.bitcast %gather3A_286 : vector<16xi32> to vector<32xbf16>
        %max3A_288 = arith.maximumf %max3A_285, %bitcast3A_287 : vector<32xbf16>
        %gather3A_289 = tpu.vector_load_idx %arg5[%add3A_265, %get3A_73] : memref<48x49xi32, #tpu.memory_space<vmem>>[vector<16xi32>, vector<16xi32>], vector<16xi32>,
        %bitcast3A_290 = vector.bitcast %gather3A_289 : vector<16xi32> to vector<32xbf16>
        %max3A_291 = arith.maximumf %max3A_288, %bitcast3A_290 : vector<32xbf16>
        %unpack3A_292 = tpu.unpack_subelements %max3A_291, 0 {pack_format = #tpu.pack_format<interleaved>} : vector<32xbf16> -> vector<16xf32>
        %unpack3A_293 = tpu.unpack_subelements %max3A_291, 1 {pack_format = #tpu.pack_format<interleaved>} : vector<32xbf16> -> vector<16xf32>
        %mul3A_294 = arith.constant 2 : i32
        %mul3A_295 = arith.muli %mul3A_294, %add3A_261 : i32
        %swap3A_296 = arith.index_cast %mul3A_295 : i32 to index
        %swap3A_297 = arith.index_cast %mul3A_38 : i32 to index
        %swap3A_298 = tpu.vector_load %arg7[%swap3A_296, %swap3A_297] {strides = array<i32>} : memref<96x400xf32, #tpu.memory_space<vmem>>, vector<16xf32>,
        tpu.vector_store %arg7[%swap3A_296, %swap3A_297], %unpack3A_292 {strides = array<i32>} : memref<96x400xf32, #tpu.memory_space<vmem>>, vector<16xf32>,
        %mul3A_299 = arith.constant 2 : i32
        %mul3A_300 = arith.muli %mul3A_299, %add3A_261 : i32
        %add3A_301 = arith.constant 1 : i32
        %add3A_302 = arith.addi %mul3A_300, %add3A_301 : i32
        %swap3A_303 = arith.index_cast %add3A_302 : i32 to index
        %swap3A_304 = arith.index_cast %mul3A_38 : i32 to index
        %swap3A_305 = tpu.vector_load %arg7[%swap3A_303, %swap3A_304] {strides = array<i32>} : memref<96x400xf32, #tpu.memory_space<vmem>>, vector<16xf32>,
        tpu.vector_store %arg7[%swap3A_303, %swap3A_304], %unpack3A_293 {strides = array<i32>} : memref<96x400xf32, #tpu.memory_space<vmem>>, vector<16xf32>,
        %add3A_306 = arith.constant 5 : i32
        %add3A_307 = arith.addi %mul3A_81, %add3A_306 : i32
        %broadcast_in_dim3A_308 = arith.constant 0 : i32
        %broadcast_in_dim3A_309 = vector.broadcast %broadcast_in_dim3A_308 : i32 to vector<16xi32>
        %add3A_310 = vector.broadcast %add3A_307 : i32 to vector<16xi32>
        %add3A_311 = arith.addi %broadcast_in_dim3A_309, %add3A_310 : vector<16xi32>
        %gather3A_312 = tpu.vector_load_idx %arg5[%add3A_311, %get3A_41] : memref<48x49xi32, #tpu.memory_space<vmem>>[vector<16xi32>, vector<16xi32>], vector<16xi32>,
        %bitcast3A_313 = vector.bitcast %gather3A_312 : vector<16xi32> to vector<32xbf16>
        %gather3A_314 = tpu.vector_load_idx %arg5[%add3A_311, %get3A_45] : memref<48x49xi32, #tpu.memory_space<vmem>>[vector<16xi32>, vector<16xi32>], vector<16xi32>,
        %bitcast3A_315 = vector.bitcast %gather3A_314 : vector<16xi32> to vector<32xbf16>
        %max3A_316 = arith.maximumf %bitcast3A_313, %bitcast3A_315 : vector<32xbf16>
        %gather3A_317 = tpu.vector_load_idx %arg5[%add3A_311, %get3A_49] : memref<48x49xi32, #tpu.memory_space<vmem>>[vector<16xi32>, vector<16xi32>], vector<16xi32>,
        %bitcast3A_318 = vector.bitcast %gather3A_317 : vector<16xi32> to vector<32xbf16>
        %max3A_319 = arith.maximumf %max3A_316, %bitcast3A_318 : vector<32xbf16>
        %gather3A_320 = tpu.vector_load_idx %arg5[%add3A_311, %get3A_53] : memref<48x49xi32, #tpu.memory_space<vmem>>[vector<16xi32>, vector<16xi32>], vector<16xi32>,
        %bitcast3A_321 = vector.bitcast %gather3A_320 : vector<16xi32> to vector<32xbf16>
        %max3A_322 = arith.maximumf %max3A_319, %bitcast3A_321 : vector<32xbf16>
        %gather3A_323 = tpu.vector_load_idx %arg5[%add3A_311, %get3A_57] : memref<48x49xi32, #tpu.memory_space<vmem>>[vector<16xi32>, vector<16xi32>], vector<16xi32>,
        %bitcast3A_324 = vector.bitcast %gather3A_323 : vector<16xi32> to vector<32xbf16>
        %max3A_325 = arith.maximumf %max3A_322, %bitcast3A_324 : vector<32xbf16>
        %gather3A_326 = tpu.vector_load_idx %arg5[%add3A_311, %get3A_61] : memref<48x49xi32, #tpu.memory_space<vmem>>[vector<16xi32>, vector<16xi32>], vector<16xi32>,
        %bitcast3A_327 = vector.bitcast %gather3A_326 : vector<16xi32> to vector<32xbf16>
        %max3A_328 = arith.maximumf %max3A_325, %bitcast3A_327 : vector<32xbf16>
        %gather3A_329 = tpu.vector_load_idx %arg5[%add3A_311, %get3A_65] : memref<48x49xi32, #tpu.memory_space<vmem>>[vector<16xi32>, vector<16xi32>], vector<16xi32>,
        %bitcast3A_330 = vector.bitcast %gather3A_329 : vector<16xi32> to vector<32xbf16>
        %max3A_331 = arith.maximumf %max3A_328, %bitcast3A_330 : vector<32xbf16>
        %gather3A_332 = tpu.vector_load_idx %arg5[%add3A_311, %get3A_69] : memref<48x49xi32, #tpu.memory_space<vmem>>[vector<16xi32>, vector<16xi32>], vector<16xi32>,
        %bitcast3A_333 = vector.bitcast %gather3A_332 : vector<16xi32> to vector<32xbf16>
        %max3A_334 = arith.maximumf %max3A_331, %bitcast3A_333 : vector<32xbf16>
        %gather3A_335 = tpu.vector_load_idx %arg5[%add3A_311, %get3A_73] : memref<48x49xi32, #tpu.memory_space<vmem>>[vector<16xi32>, vector<16xi32>], vector<16xi32>,
        %bitcast3A_336 = vector.bitcast %gather3A_335 : vector<16xi32> to vector<32xbf16>
        %max3A_337 = arith.maximumf %max3A_334, %bitcast3A_336 : vector<32xbf16>
        %unpack3A_338 = tpu.unpack_subelements %max3A_337, 0 {pack_format = #tpu.pack_format<interleaved>} : vector<32xbf16> -> vector<16xf32>
        %unpack3A_339 = tpu.unpack_subelements %max3A_337, 1 {pack_format = #tpu.pack_format<interleaved>} : vector<32xbf16> -> vector<16xf32>
        %mul3A_340 = arith.constant 2 : i32
        %mul3A_341 = arith.muli %mul3A_340, %add3A_307 : i32
        %swap3A_342 = arith.index_cast %mul3A_341 : i32 to index
        %swap3A_343 = arith.index_cast %mul3A_38 : i32 to index
        %swap3A_344 = tpu.vector_load %arg7[%swap3A_342, %swap3A_343] {strides = array<i32>} : memref<96x400xf32, #tpu.memory_space<vmem>>, vector<16xf32>,
        tpu.vector_store %arg7[%swap3A_342, %swap3A_343], %unpack3A_338 {strides = array<i32>} : memref<96x400xf32, #tpu.memory_space<vmem>>, vector<16xf32>,
        %mul3A_345 = arith.constant 2 : i32
        %mul3A_346 = arith.muli %mul3A_345, %add3A_307 : i32
        %add3A_347 = arith.constant 1 : i32
        %add3A_348 = arith.addi %mul3A_346, %add3A_347 : i32
        %swap3A_349 = arith.index_cast %add3A_348 : i32 to index
        %swap3A_350 = arith.index_cast %mul3A_38 : i32 to index
        %swap3A_351 = tpu.vector_load %arg7[%swap3A_349, %swap3A_350] {strides = array<i32>} : memref<96x400xf32, #tpu.memory_space<vmem>>, vector<16xf32>,
        tpu.vector_store %arg7[%swap3A_349, %swap3A_350], %unpack3A_339 {strides = array<i32>} : memref<96x400xf32, #tpu.memory_space<vmem>>, vector<16xf32>,
        %add3A_352 = arith.constant 6 : i32
        %add3A_353 = arith.addi %mul3A_81, %add3A_352 : i32
        %broadcast_in_dim3A_354 = arith.constant 0 : i32
        %broadcast_in_dim3A_355 = vector.broadcast %broadcast_in_dim3A_354 : i32 to vector<16xi32>
        %add3A_356 = vector.broadcast %add3A_353 : i32 to vector<16xi32>
        %add3A_357 = arith.addi %broadcast_in_dim3A_355, %add3A_356 : vector<16xi32>
        %gather3A_358 = tpu.vector_load_idx %arg5[%add3A_357, %get3A_41] : memref<48x49xi32, #tpu.memory_space<vmem>>[vector<16xi32>, vector<16xi32>], vector<16xi32>,
        %bitcast3A_359 = vector.bitcast %gather3A_358 : vector<16xi32> to vector<32xbf16>
        %gather3A_360 = tpu.vector_load_idx %arg5[%add3A_357, %get3A_45] : memref<48x49xi32, #tpu.memory_space<vmem>>[vector<16xi32>, vector<16xi32>], vector<16xi32>,
        %bitcast3A_361 = vector.bitcast %gather3A_360 : vector<16xi32> to vector<32xbf16>
        %max3A_362 = arith.maximumf %bitcast3A_359, %bitcast3A_361 : vector<32xbf16>
        %gather3A_363 = tpu.vector_load_idx %arg5[%add3A_357, %get3A_49] : memref<48x49xi32, #tpu.memory_space<vmem>>[vector<16xi32>, vector<16xi32>], vector<16xi32>,
        %bitcast3A_364 = vector.bitcast %gather3A_363 : vector<16xi32> to vector<32xbf16>
        %max3A_365 = arith.maximumf %max3A_362, %bitcast3A_364 : vector<32xbf16>
        %gather3A_366 = tpu.vector_load_idx %arg5[%add3A_357, %get3A_53] : memref<48x49xi32, #tpu.memory_space<vmem>>[vector<16xi32>, vector<16xi32>], vector<16xi32>,
        %bitcast3A_367 = vector.bitcast %gather3A_366 : vector<16xi32> to vector<32xbf16>
        %max3A_368 = arith.maximumf %max3A_365, %bitcast3A_367 : vector<32xbf16>
        %gather3A_369 = tpu.vector_load_idx %arg5[%add3A_357, %get3A_57] : memref<48x49xi32, #tpu.memory_space<vmem>>[vector<16xi32>, vector<16xi32>], vector<16xi32>,
        %bitcast3A_370 = vector.bitcast %gather3A_369 : vector<16xi32> to vector<32xbf16>
        %max3A_371 = arith.maximumf %max3A_368, %bitcast3A_370 : vector<32xbf16>
        %gather3A_372 = tpu.vector_load_idx %arg5[%add3A_357, %get3A_61] : memref<48x49xi32, #tpu.memory_space<vmem>>[vector<16xi32>, vector<16xi32>], vector<16xi32>,
        %bitcast3A_373 = vector.bitcast %gather3A_372 : vector<16xi32> to vector<32xbf16>
        %max3A_374 = arith.maximumf %max3A_371, %bitcast3A_373 : vector<32xbf16>
        %gather3A_375 = tpu.vector_load_idx %arg5[%add3A_357, %get3A_65] : memref<48x49xi32, #tpu.memory_space<vmem>>[vector<16xi32>, vector<16xi32>], vector<16xi32>,
        %bitcast3A_376 = vector.bitcast %gather3A_375 : vector<16xi32> to vector<32xbf16>
        %max3A_377 = arith.maximumf %max3A_374, %bitcast3A_376 : vector<32xbf16>
        %gather3A_378 = tpu.vector_load_idx %arg5[%add3A_357, %get3A_69] : memref<48x49xi32, #tpu.memory_space<vmem>>[vector<16xi32>, vector<16xi32>], vector<16xi32>,
        %bitcast3A_379 = vector.bitcast %gather3A_378 : vector<16xi32> to vector<32xbf16>
        %max3A_380 = arith.maximumf %max3A_377, %bitcast3A_379 : vector<32xbf16>
        %gather3A_381 = tpu.vector_load_idx %arg5[%add3A_357, %get3A_73] : memref<48x49xi32, #tpu.memory_space<vmem>>[vector<16xi32>, vector<16xi32>], vector<16xi32>,
        %bitcast3A_382 = vector.bitcast %gather3A_381 : vector<16xi32> to vector<32xbf16>
        %max3A_383 = arith.maximumf %max3A_380, %bitcast3A_382 : vector<32xbf16>
        %unpack3A_384 = tpu.unpack_subelements %max3A_383, 0 {pack_format = #tpu.pack_format<interleaved>} : vector<32xbf16> -> vector<16xf32>
        %unpack3A_385 = tpu.unpack_subelements %max3A_383, 1 {pack_format = #tpu.pack_format<interleaved>} : vector<32xbf16> -> vector<16xf32>
        %mul3A_386 = arith.constant 2 : i32
        %mul3A_387 = arith.muli %mul3A_386, %add3A_353 : i32
        %swap3A_388 = arith.index_cast %mul3A_387 : i32 to index
        %swap3A_389 = arith.index_cast %mul3A_38 : i32 to index
        %swap3A_390 = tpu.vector_load %arg7[%swap3A_388, %swap3A_389] {strides = array<i32>} : memref<96x400xf32, #tpu.memory_space<vmem>>, vector<16xf32>,
        tpu.vector_store %arg7[%swap3A_388, %swap3A_389], %unpack3A_384 {strides = array<i32>} : memref<96x400xf32, #tpu.memory_space<vmem>>, vector<16xf32>,
        %mul3A_391 = arith.constant 2 : i32
        %mul3A_392 = arith.muli %mul3A_391, %add3A_353 : i32
        %add3A_393 = arith.constant 1 : i32
        %add3A_394 = arith.addi %mul3A_392, %add3A_393 : i32
        %swap3A_395 = arith.index_cast %add3A_394 : i32 to index
        %swap3A_396 = arith.index_cast %mul3A_38 : i32 to index
        %swap3A_397 = tpu.vector_load %arg7[%swap3A_395, %swap3A_396] {strides = array<i32>} : memref<96x400xf32, #tpu.memory_space<vmem>>, vector<16xf32>,
        tpu.vector_store %arg7[%swap3A_395, %swap3A_396], %unpack3A_385 {strides = array<i32>} : memref<96x400xf32, #tpu.memory_space<vmem>>, vector<16xf32>,
        %add3A_398 = arith.constant 7 : i32
        %add3A_399 = arith.addi %mul3A_81, %add3A_398 : i32
        %broadcast_in_dim3A_400 = arith.constant 0 : i32
        %broadcast_in_dim3A_401 = vector.broadcast %broadcast_in_dim3A_400 : i32 to vector<16xi32>
        %add3A_402 = vector.broadcast %add3A_399 : i32 to vector<16xi32>
        %add3A_403 = arith.addi %broadcast_in_dim3A_401, %add3A_402 : vector<16xi32>
        %gather3A_404 = tpu.vector_load_idx %arg5[%add3A_403, %get3A_41] : memref<48x49xi32, #tpu.memory_space<vmem>>[vector<16xi32>, vector<16xi32>], vector<16xi32>,
        %bitcast3A_405 = vector.bitcast %gather3A_404 : vector<16xi32> to vector<32xbf16>
        %gather3A_406 = tpu.vector_load_idx %arg5[%add3A_403, %get3A_45] : memref<48x49xi32, #tpu.memory_space<vmem>>[vector<16xi32>, vector<16xi32>], vector<16xi32>,
        %bitcast3A_407 = vector.bitcast %gather3A_406 : vector<16xi32> to vector<32xbf16>
        %max3A_408 = arith.maximumf %bitcast3A_405, %bitcast3A_407 : vector<32xbf16>
        %gather3A_409 = tpu.vector_load_idx %arg5[%add3A_403, %get3A_49] : memref<48x49xi32, #tpu.memory_space<vmem>>[vector<16xi32>, vector<16xi32>], vector<16xi32>,
        %bitcast3A_410 = vector.bitcast %gather3A_409 : vector<16xi32> to vector<32xbf16>
        %max3A_411 = arith.maximumf %max3A_408, %bitcast3A_410 : vector<32xbf16>
        %gather3A_412 = tpu.vector_load_idx %arg5[%add3A_403, %get3A_53] : memref<48x49xi32, #tpu.memory_space<vmem>>[vector<16xi32>, vector<16xi32>], vector<16xi32>,
        %bitcast3A_413 = vector.bitcast %gather3A_412 : vector<16xi32> to vector<32xbf16>
        %max3A_414 = arith.maximumf %max3A_411, %bitcast3A_413 : vector<32xbf16>
        %gather3A_415 = tpu.vector_load_idx %arg5[%add3A_403, %get3A_57] : memref<48x49xi32, #tpu.memory_space<vmem>>[vector<16xi32>, vector<16xi32>], vector<16xi32>,
        %bitcast3A_416 = vector.bitcast %gather3A_415 : vector<16xi32> to vector<32xbf16>
        %max3A_417 = arith.maximumf %max3A_414, %bitcast3A_416 : vector<32xbf16>
        %gather3A_418 = tpu.vector_load_idx %arg5[%add3A_403, %get3A_61] : memref<48x49xi32, #tpu.memory_space<vmem>>[vector<16xi32>, vector<16xi32>], vector<16xi32>,
        %bitcast3A_419 = vector.bitcast %gather3A_418 : vector<16xi32> to vector<32xbf16>
        %max3A_420 = arith.maximumf %max3A_417, %bitcast3A_419 : vector<32xbf16>
        %gather3A_421 = tpu.vector_load_idx %arg5[%add3A_403, %get3A_65] : memref<48x49xi32, #tpu.memory_space<vmem>>[vector<16xi32>, vector<16xi32>], vector<16xi32>,
        %bitcast3A_422 = vector.bitcast %gather3A_421 : vector<16xi32> to vector<32xbf16>
        %max3A_423 = arith.maximumf %max3A_420, %bitcast3A_422 : vector<32xbf16>
        %gather3A_424 = tpu.vector_load_idx %arg5[%add3A_403, %get3A_69] : memref<48x49xi32, #tpu.memory_space<vmem>>[vector<16xi32>, vector<16xi32>], vector<16xi32>,
        %bitcast3A_425 = vector.bitcast %gather3A_424 : vector<16xi32> to vector<32xbf16>
        %max3A_426 = arith.maximumf %max3A_423, %bitcast3A_425 : vector<32xbf16>
        %gather3A_427 = tpu.vector_load_idx %arg5[%add3A_403, %get3A_73] : memref<48x49xi32, #tpu.memory_space<vmem>>[vector<16xi32>, vector<16xi32>], vector<16xi32>,
        %bitcast3A_428 = vector.bitcast %gather3A_427 : vector<16xi32> to vector<32xbf16>
        %max3A_429 = arith.maximumf %max3A_426, %bitcast3A_428 : vector<32xbf16>
        %unpack3A_430 = tpu.unpack_subelements %max3A_429, 0 {pack_format = #tpu.pack_format<interleaved>} : vector<32xbf16> -> vector<16xf32>
        %unpack3A_431 = tpu.unpack_subelements %max3A_429, 1 {pack_format = #tpu.pack_format<interleaved>} : vector<32xbf16> -> vector<16xf32>
        %mul3A_432 = arith.constant 2 : i32
        %mul3A_433 = arith.muli %mul3A_432, %add3A_399 : i32
        %swap3A_434 = arith.index_cast %mul3A_433 : i32 to index
        %swap3A_435 = arith.index_cast %mul3A_38 : i32 to index
        %swap3A_436 = tpu.vector_load %arg7[%swap3A_434, %swap3A_435] {strides = array<i32>} : memref<96x400xf32, #tpu.memory_space<vmem>>, vector<16xf32>,
        tpu.vector_store %arg7[%swap3A_434, %swap3A_435], %unpack3A_430 {strides = array<i32>} : memref<96x400xf32, #tpu.memory_space<vmem>>, vector<16xf32>,
        %mul3A_437 = arith.constant 2 : i32
        %mul3A_438 = arith.muli %mul3A_437, %add3A_399 : i32
        %add3A_439 = arith.constant 1 : i32
        %add3A_440 = arith.addi %mul3A_438, %add3A_439 : i32
        %swap3A_441 = arith.index_cast %add3A_440 : i32 to index
        %swap3A_442 = arith.index_cast %mul3A_38 : i32 to index
        %swap3A_443 = tpu.vector_load %arg7[%swap3A_441, %swap3A_442] {strides = array<i32>} : memref<96x400xf32, #tpu.memory_space<vmem>>, vector<16xf32>,
        tpu.vector_store %arg7[%swap3A_441, %swap3A_442], %unpack3A_431 {strides = array<i32>} : memref<96x400xf32, #tpu.memory_space<vmem>>, vector<16xf32>,
      }
      %scan3A_78 = arith.constant 6 : i32
    }
    %scan3A_35 = arith.constant 25 : i32
    "tpu.region"() ({
      %run_scoped3A = tpu.sem_alloc : memref<!tpu.dma_semaphore, #tpu.memory_space<semaphore_mem>>
      %dma_start3A = arith.constant 0 : i32
      %dma_start3A_36 = arith.constant 0 : i32
      %dma_start3A_37 = tpu.memref_slice %arg4[%select_n3A, %select_n3A_30, %dma_start3A, %dma_start3A_36] : memref<4x8x96x400xf32, #tpu.memory_space<hbm>> -> memref<1x1x96x400xf32, #tpu.memory_space<hbm>>
      %dma_start3A_38 = tpu.memref_squeeze %dma_start3A_37 : memref<1x1x96x400xf32, #tpu.memory_space<hbm>> -> memref<96x400xf32, #tpu.memory_space<hbm>>
      %dma_start3A_39 = arith.constant 0 : i32
      %dma_start3A_40 = arith.constant 0 : i32
      %dma_start3A_41 = tpu.memref_slice %arg4[%select_n3A, %select_n3A_30, %dma_start3A_39, %dma_start3A_40] : memref<4x8x96x400xf32, #tpu.memory_space<hbm>> -> memref<1x1x96x400xf32, #tpu.memory_space<hbm>>
      %dma_start3A_42 = tpu.memref_squeeze %dma_start3A_41 : memref<1x1x96x400xf32, #tpu.memory_space<hbm>> -> memref<96x400xf32, #tpu.memory_space<hbm>>
      tpu.enqueue_dma source(%arg7 : memref<96x400xf32, #tpu.memory_space<vmem>>) target(%dma_start3A_42 : memref<96x400xf32, #tpu.memory_space<hbm>>) target_semaphore(%run_scoped3A : memref<!tpu.dma_semaphore, #tpu.memory_space<semaphore_mem>>)
      %dma_wait3A = arith.constant 0 : i32
      %dma_wait3A_43 = arith.constant 0 : i32
      %dma_wait3A_44 = tpu.memref_slice %arg4[%select_n3A, %select_n3A_30, %dma_wait3A, %dma_wait3A_43] : memref<4x8x96x400xf32, #tpu.memory_space<hbm>> -> memref<1x1x96x400xf32, #tpu.memory_space<hbm>>
      %dma_wait3A_45 = tpu.memref_squeeze %dma_wait3A_44 : memref<1x1x96x400xf32, #tpu.memory_space<hbm>> -> memref<96x400xf32, #tpu.memory_space<hbm>>
      %dma_wait3A_46 = arith.constant 0 : i32
      %dma_wait3A_47 = arith.constant 0 : i32
      %dma_wait3A_48 = tpu.memref_slice %arg4[%select_n3A, %select_n3A_30, %dma_wait3A_46, %dma_wait3A_47] : memref<4x8x96x400xf32, #tpu.memory_space<hbm>> -> memref<1x1x96x400xf32, #tpu.memory_space<hbm>>
      %dma_wait3A_49 = tpu.memref_squeeze %dma_wait3A_48 : memref<1x1x96x400xf32, #tpu.memory_space<hbm>> -> memref<96x400xf32, #tpu.memory_space<hbm>>
      tpu.wait_dma2 semaphore(%run_scoped3A : memref<!tpu.dma_semaphore, #tpu.memory_space<semaphore_mem>>) src(%arg7 : memref<96x400xf32, #tpu.memory_space<vmem>>) dst(%dma_wait3A_49 : memref<96x400xf32, #tpu.memory_space<hbm>>)
      tpu.yield
    }) : () -> ()
    return
  }
}

#map = affine_map<(d0, d1) -> (0, 0, 0)>
#map1 = affine_map<(d0, d1) -> (0, 0, 0, 0)>
module attributes {stable_mosaic.version = 14 : i64} {
  func.func @_sc_body(%arg0: i32, %arg1: i32, %arg2: memref<4x48x49xi32, #tpu.memory_space<hbm>>, %arg3: memref<4x8x9x400xi32, #tpu.memory_space<hbm>>, %arg4: memref<4x8x96x400xf32, #tpu.memory_space<hbm>>, %arg5: memref<48x49xi32, #tpu.memory_space<vmem>>, %arg6: memref<9x400xi32, #tpu.memory_space<vmem>>, %arg7: memref<96x400xf32, #tpu.memory_space<vmem>>) attributes {dimension_semantics = [#tpu.dimension_semantics<core_parallel>, #tpu.dimension_semantics<subcore_parallel>], iteration_bounds = array<i64: 2, 16>, scalar_prefetch = 0 : i64, scratch_operands = 3 : i64, tpu.core_type = #tpu.core_type<sc_vector_subcore>, window_params = [{transform_indices = #map}, {transform_indices = #map1}, {transform_indices = #map1}]} {
    %mul3A = arith.constant 2 : i32
    %mul3A_0 = arith.muli %arg1, %mul3A : i32
    %add3A = arith.addi %mul3A_0, %arg0 : i32
    %jit3A = arith.constant 8 : i32
    %div3A = arith.divsi %add3A, %jit3A : i32
    %sign3A = arith.constant 0 : i32
    %sign3A_1 = arith.cmpi sgt, %add3A, %sign3A : i32
    %sign3A_2 = arith.extui %sign3A_1 : i1 to i32
    %sign3A_3 = arith.constant 0 : i32
    %sign3A_4 = arith.cmpi slt, %add3A, %sign3A_3 : i32
    %sign3A_5 = arith.extui %sign3A_4 : i1 to i32
    %sign3A_6 = arith.subi %sign3A_2, %sign3A_5 : i32
    %sign3A_7 = arith.constant 0 : i32
    %sign3A_8 = arith.cmpi sgt, %jit3A, %sign3A_7 : i32
    %sign3A_9 = arith.extui %sign3A_8 : i1 to i32
    %sign3A_10 = arith.constant 0 : i32
    %sign3A_11 = arith.cmpi slt, %jit3A, %sign3A_10 : i32
    %sign3A_12 = arith.extui %sign3A_11 : i1 to i32
    %sign3A_13 = arith.subi %sign3A_9, %sign3A_12 : i32
    %ne3A = arith.cmpi ne, %sign3A_6, %sign3A_13 : i32
    %rem3A = arith.remsi %add3A, %jit3A : i32
    %ne3A_14 = arith.constant 0 : i32
    %ne3A_15 = arith.cmpi ne, %rem3A, %ne3A_14 : i32
    %and3A = arith.andi %ne3A, %ne3A_15 : i1
    %sub3A = arith.constant 1 : i32
    %sub3A_16 = arith.subi %div3A, %sub3A : i32
    %select_n3A = arith.select %and3A, %sub3A_16, %div3A : i32
    %jit3A_17 = arith.constant 8 : i32
    %eq3A = arith.constant 0 : i32
    %eq3A_18 = arith.cmpi eq, %jit3A_17, %eq3A : i32
    %jit3A_19 = arith.constant 1 : i32
    %select_n3A_20 = arith.select %eq3A_18, %jit3A_19, %jit3A_17 : i32
    %rem3A_21 = arith.remsi %add3A, %select_n3A_20 : i32
    %ne3A_22 = arith.constant 0 : i32
    %ne3A_23 = arith.cmpi ne, %rem3A_21, %ne3A_22 : i32
    %lt3A = arith.constant 0 : i32
    %lt3A_24 = arith.cmpi slt, %rem3A_21, %lt3A : i32
    %lt3A_25 = arith.constant 0 : i32
    %lt3A_26 = arith.cmpi slt, %select_n3A_20, %lt3A_25 : i32
    %ne3A_27 = arith.xori %lt3A_24, %lt3A_26 : i1
    %and3A_28 = arith.andi %ne3A_27, %ne3A_23 : i1
    %add3A_29 = arith.addi %rem3A_21, %select_n3A_20 : i32
    %select_n3A_30 = arith.select %and3A_28, %add3A_29, %rem3A_21 : i32
    "tpu.region"() ({
      %run_scoped3A = tpu.sem_alloc : memref<!tpu.dma_semaphore, #tpu.memory_space<semaphore_mem>>
      %dma_start3A = arith.constant 0 : i32
      %dma_start3A_36 = arith.constant 0 : i32
      %dma_start3A_37 = tpu.memref_slice %arg2[%select_n3A, %dma_start3A, %dma_start3A_36] : memref<4x48x49xi32, #tpu.memory_space<hbm>> -> memref<1x48x49xi32, #tpu.memory_space<hbm>>
      %dma_start3A_38 = tpu.memref_squeeze %dma_start3A_37 : memref<1x48x49xi32, #tpu.memory_space<hbm>> -> memref<48x49xi32, #tpu.memory_space<hbm>>
      %dma_start3A_39 = arith.constant 0 : i32
      %dma_start3A_40 = arith.constant 0 : i32
      %dma_start3A_41 = tpu.memref_slice %arg2[%select_n3A, %dma_start3A_39, %dma_start3A_40] : memref<4x48x49xi32, #tpu.memory_space<hbm>> -> memref<1x48x49xi32, #tpu.memory_space<hbm>>
      %dma_start3A_42 = tpu.memref_squeeze %dma_start3A_41 : memref<1x48x49xi32, #tpu.memory_space<hbm>> -> memref<48x49xi32, #tpu.memory_space<hbm>>
      tpu.enqueue_dma source(%dma_start3A_42 : memref<48x49xi32, #tpu.memory_space<hbm>>) target(%arg5 : memref<48x49xi32, #tpu.memory_space<vmem>>) target_semaphore(%run_scoped3A : memref<!tpu.dma_semaphore, #tpu.memory_space<semaphore_mem>>)
      %dma_wait3A = arith.constant 0 : i32
      %dma_wait3A_43 = arith.constant 0 : i32
      %dma_wait3A_44 = tpu.memref_slice %arg2[%select_n3A, %dma_wait3A, %dma_wait3A_43] : memref<4x48x49xi32, #tpu.memory_space<hbm>> -> memref<1x48x49xi32, #tpu.memory_space<hbm>>
      %dma_wait3A_45 = tpu.memref_squeeze %dma_wait3A_44 : memref<1x48x49xi32, #tpu.memory_space<hbm>> -> memref<48x49xi32, #tpu.memory_space<hbm>>
      %dma_wait3A_46 = arith.constant 0 : i32
      %dma_wait3A_47 = arith.constant 0 : i32
      %dma_wait3A_48 = tpu.memref_slice %arg2[%select_n3A, %dma_wait3A_46, %dma_wait3A_47] : memref<4x48x49xi32, #tpu.memory_space<hbm>> -> memref<1x48x49xi32, #tpu.memory_space<hbm>>
      %dma_wait3A_49 = tpu.memref_squeeze %dma_wait3A_48 : memref<1x48x49xi32, #tpu.memory_space<hbm>> -> memref<48x49xi32, #tpu.memory_space<hbm>>
      tpu.wait_dma2 semaphore(%run_scoped3A : memref<!tpu.dma_semaphore, #tpu.memory_space<semaphore_mem>>) src(%dma_wait3A_49 : memref<48x49xi32, #tpu.memory_space<hbm>>) dst(%arg5 : memref<48x49xi32, #tpu.memory_space<vmem>>)
      tpu.yield
    }) : () -> ()
    "tpu.region"() ({
      %run_scoped3A = tpu.sem_alloc : memref<!tpu.dma_semaphore, #tpu.memory_space<semaphore_mem>>
      %dma_start3A = arith.constant 0 : i32
      %dma_start3A_36 = arith.constant 0 : i32
      %dma_start3A_37 = tpu.memref_slice %arg3[%select_n3A, %select_n3A_30, %dma_start3A, %dma_start3A_36] : memref<4x8x9x400xi32, #tpu.memory_space<hbm>> -> memref<1x1x9x400xi32, #tpu.memory_space<hbm>>
      %dma_start3A_38 = tpu.memref_squeeze %dma_start3A_37 : memref<1x1x9x400xi32, #tpu.memory_space<hbm>> -> memref<9x400xi32, #tpu.memory_space<hbm>>
      %dma_start3A_39 = arith.constant 0 : i32
      %dma_start3A_40 = arith.constant 0 : i32
      %dma_start3A_41 = tpu.memref_slice %arg3[%select_n3A, %select_n3A_30, %dma_start3A_39, %dma_start3A_40] : memref<4x8x9x400xi32, #tpu.memory_space<hbm>> -> memref<1x1x9x400xi32, #tpu.memory_space<hbm>>
      %dma_start3A_42 = tpu.memref_squeeze %dma_start3A_41 : memref<1x1x9x400xi32, #tpu.memory_space<hbm>> -> memref<9x400xi32, #tpu.memory_space<hbm>>
      tpu.enqueue_dma source(%dma_start3A_42 : memref<9x400xi32, #tpu.memory_space<hbm>>) target(%arg6 : memref<9x400xi32, #tpu.memory_space<vmem>>) target_semaphore(%run_scoped3A : memref<!tpu.dma_semaphore, #tpu.memory_space<semaphore_mem>>)
      %dma_wait3A = arith.constant 0 : i32
      %dma_wait3A_43 = arith.constant 0 : i32
      %dma_wait3A_44 = tpu.memref_slice %arg3[%select_n3A, %select_n3A_30, %dma_wait3A, %dma_wait3A_43] : memref<4x8x9x400xi32, #tpu.memory_space<hbm>> -> memref<1x1x9x400xi32, #tpu.memory_space<hbm>>
      %dma_wait3A_45 = tpu.memref_squeeze %dma_wait3A_44 : memref<1x1x9x400xi32, #tpu.memory_space<hbm>> -> memref<9x400xi32, #tpu.memory_space<hbm>>
      %dma_wait3A_46 = arith.constant 0 : i32
      %dma_wait3A_47 = arith.constant 0 : i32
      %dma_wait3A_48 = tpu.memref_slice %arg3[%select_n3A, %select_n3A_30, %dma_wait3A_46, %dma_wait3A_47] : memref<4x8x9x400xi32, #tpu.memory_space<hbm>> -> memref<1x1x9x400xi32, #tpu.memory_space<hbm>>
      %dma_wait3A_49 = tpu.memref_squeeze %dma_wait3A_48 : memref<1x1x9x400xi32, #tpu.memory_space<hbm>> -> memref<9x400xi32, #tpu.memory_space<hbm>>
      tpu.wait_dma2 semaphore(%run_scoped3A : memref<!tpu.dma_semaphore, #tpu.memory_space<semaphore_mem>>) src(%dma_wait3A_49 : memref<9x400xi32, #tpu.memory_space<hbm>>) dst(%arg6 : memref<9x400xi32, #tpu.memory_space<vmem>>)
      tpu.yield
    }) : () -> ()
    %scan3A = arith.constant 0 : i32
    %scan3A_31 = arith.constant 0 : i32
    %scan3A_32 = arith.constant 25 : i32
    %scan3A_33 = arith.addi %scan3A_31, %scan3A_32 : i32
    %scan3A_34 = arith.constant 1 : i32
    scf.for %scan3A_36 = %scan3A_31 to %scan3A_33 step %scan3A_34  : i32 {
      %mul3A_37 = arith.constant 16 : i32
      %mul3A_38 = arith.muli %scan3A_36, %mul3A_37 : i32
      %get3A = arith.constant 0 : i32
      %get3A_39 = arith.index_cast %get3A : i32 to index
      %get3A_40 = arith.index_cast %mul3A_38 : i32 to index
      %get3A_41 = tpu.vector_load %arg6[%get3A_39, %get3A_40] {strides = array<i32>} : memref<9x400xi32, #tpu.memory_space<vmem>>, vector<16xi32>,
      %get3A_42 = arith.constant 1 : i32
      %get3A_43 = arith.index_cast %get3A_42 : i32 to index
      %get3A_44 = arith.index_cast %mul3A_38 : i32 to index
      %get3A_45 = tpu.vector_load %arg6[%get3A_43, %get3A_44] {strides = array<i32>} : memref<9x400xi32, #tpu.memory_space<vmem>>, vector<16xi32>,
      %get3A_46 = arith.constant 2 : i32
      %get3A_47 = arith.index_cast %get3A_46 : i32 to index
      %get3A_48 = arith.index_cast %mul3A_38 : i32 to index
      %get3A_49 = tpu.vector_load %arg6[%get3A_47, %get3A_48] {strides = array<i32>} : memref<9x400xi32, #tpu.memory_space<vmem>>, vector<16xi32>,
      %get3A_50 = arith.constant 3 : i32
      %get3A_51 = arith.index_cast %get3A_50 : i32 to index
      %get3A_52 = arith.index_cast %mul3A_38 : i32 to index
      %get3A_53 = tpu.vector_load %arg6[%get3A_51, %get3A_52] {strides = array<i32>} : memref<9x400xi32, #tpu.memory_space<vmem>>, vector<16xi32>,
      %get3A_54 = arith.constant 4 : i32
      %get3A_55 = arith.index_cast %get3A_54 : i32 to index
      %get3A_56 = arith.index_cast %mul3A_38 : i32 to index
      %get3A_57 = tpu.vector_load %arg6[%get3A_55, %get3A_56] {strides = array<i32>} : memref<9x400xi32, #tpu.memory_space<vmem>>, vector<16xi32>,
      %get3A_58 = arith.constant 5 : i32
      %get3A_59 = arith.index_cast %get3A_58 : i32 to index
      %get3A_60 = arith.index_cast %mul3A_38 : i32 to index
      %get3A_61 = tpu.vector_load %arg6[%get3A_59, %get3A_60] {strides = array<i32>} : memref<9x400xi32, #tpu.memory_space<vmem>>, vector<16xi32>,
      %get3A_62 = arith.constant 6 : i32
      %get3A_63 = arith.index_cast %get3A_62 : i32 to index
      %get3A_64 = arith.index_cast %mul3A_38 : i32 to index
      %get3A_65 = tpu.vector_load %arg6[%get3A_63, %get3A_64] {strides = array<i32>} : memref<9x400xi32, #tpu.memory_space<vmem>>, vector<16xi32>,
      %get3A_66 = arith.constant 7 : i32
      %get3A_67 = arith.index_cast %get3A_66 : i32 to index
      %get3A_68 = arith.index_cast %mul3A_38 : i32 to index
      %get3A_69 = tpu.vector_load %arg6[%get3A_67, %get3A_68] {strides = array<i32>} : memref<9x400xi32, #tpu.memory_space<vmem>>, vector<16xi32>,
      %get3A_70 = arith.constant 8 : i32
      %get3A_71 = arith.index_cast %get3A_70 : i32 to index
      %get3A_72 = arith.index_cast %mul3A_38 : i32 to index
      %get3A_73 = tpu.vector_load %arg6[%get3A_71, %get3A_72] {strides = array<i32>} : memref<9x400xi32, #tpu.memory_space<vmem>>, vector<16xi32>,
      %scan3A_74 = arith.constant 0 : i32
      %scan3A_75 = arith.constant 6 : i32
      %scan3A_76 = arith.addi %scan3A_74, %scan3A_75 : i32
      %scan3A_77 = arith.constant 1 : i32
      scf.for %scan3A_79 = %scan3A_74 to %scan3A_76 step %scan3A_77  : i32 {
        %mul3A_80 = arith.constant 8 : i32
        %mul3A_81 = arith.muli %scan3A_79, %mul3A_80 : i32
        %add3A_82 = arith.constant 0 : i32
        %add3A_83 = arith.addi %mul3A_81, %add3A_82 : i32
        %broadcast_in_dim3A = arith.constant 0 : i32
        %broadcast_in_dim3A_84 = vector.broadcast %broadcast_in_dim3A : i32 to vector<16xi32>
        %add3A_85 = vector.broadcast %add3A_83 : i32 to vector<16xi32>
        %add3A_86 = arith.addi %broadcast_in_dim3A_84, %add3A_85 : vector<16xi32>
        %gather3A = tpu.vector_load_idx %arg5[%add3A_86, %get3A_41] : memref<48x49xi32, #tpu.memory_space<vmem>>[vector<16xi32>, vector<16xi32>], vector<16xi32>,
        %bitcast3A = vector.bitcast %gather3A : vector<16xi32> to vector<32xbf16>
        %gather3A_87 = tpu.vector_load_idx %arg5[%add3A_86, %get3A_45] : memref<48x49xi32, #tpu.memory_space<vmem>>[vector<16xi32>, vector<16xi32>], vector<16xi32>,
        %bitcast3A_88 = vector.bitcast %gather3A_87 : vector<16xi32> to vector<32xbf16>
        %max3A = arith.maximumf %bitcast3A, %bitcast3A_88 : vector<32xbf16>
        %gather3A_89 = tpu.vector_load_idx %arg5[%add3A_86, %get3A_49] : memref<48x49xi32, #tpu.memory_space<vmem>>[vector<16xi32>, vector<16xi32>], vector<16xi32>,
        %bitcast3A_90 = vector.bitcast %gather3A_89 : vector<16xi32> to vector<32xbf16>
        %max3A_91 = arith.maximumf %max3A, %bitcast3A_90 : vector<32xbf16>
        %gather3A_92 = tpu.vector_load_idx %arg5[%add3A_86, %get3A_53] : memref<48x49xi32, #tpu.memory_space<vmem>>[vector<16xi32>, vector<16xi32>], vector<16xi32>,
        %bitcast3A_93 = vector.bitcast %gather3A_92 : vector<16xi32> to vector<32xbf16>
        %max3A_94 = arith.maximumf %max3A_91, %bitcast3A_93 : vector<32xbf16>
        %gather3A_95 = tpu.vector_load_idx %arg5[%add3A_86, %get3A_57] : memref<48x49xi32, #tpu.memory_space<vmem>>[vector<16xi32>, vector<16xi32>], vector<16xi32>,
        %bitcast3A_96 = vector.bitcast %gather3A_95 : vector<16xi32> to vector<32xbf16>
        %max3A_97 = arith.maximumf %max3A_94, %bitcast3A_96 : vector<32xbf16>
        %gather3A_98 = tpu.vector_load_idx %arg5[%add3A_86, %get3A_61] : memref<48x49xi32, #tpu.memory_space<vmem>>[vector<16xi32>, vector<16xi32>], vector<16xi32>,
        %bitcast3A_99 = vector.bitcast %gather3A_98 : vector<16xi32> to vector<32xbf16>
        %max3A_100 = arith.maximumf %max3A_97, %bitcast3A_99 : vector<32xbf16>
        %gather3A_101 = tpu.vector_load_idx %arg5[%add3A_86, %get3A_65] : memref<48x49xi32, #tpu.memory_space<vmem>>[vector<16xi32>, vector<16xi32>], vector<16xi32>,
        %bitcast3A_102 = vector.bitcast %gather3A_101 : vector<16xi32> to vector<32xbf16>
        %max3A_103 = arith.maximumf %max3A_100, %bitcast3A_102 : vector<32xbf16>
        %gather3A_104 = tpu.vector_load_idx %arg5[%add3A_86, %get3A_69] : memref<48x49xi32, #tpu.memory_space<vmem>>[vector<16xi32>, vector<16xi32>], vector<16xi32>,
        %bitcast3A_105 = vector.bitcast %gather3A_104 : vector<16xi32> to vector<32xbf16>
        %max3A_106 = arith.maximumf %max3A_103, %bitcast3A_105 : vector<32xbf16>
        %gather3A_107 = tpu.vector_load_idx %arg5[%add3A_86, %get3A_73] : memref<48x49xi32, #tpu.memory_space<vmem>>[vector<16xi32>, vector<16xi32>], vector<16xi32>,
        %bitcast3A_108 = vector.bitcast %gather3A_107 : vector<16xi32> to vector<32xbf16>
        %max3A_109 = arith.maximumf %max3A_106, %bitcast3A_108 : vector<32xbf16>
        %unpack3A = tpu.unpack_subelements %max3A_109, 0 {pack_format = #tpu.pack_format<interleaved>} : vector<32xbf16> -> vector<16xf32>
        %unpack3A_110 = tpu.unpack_subelements %max3A_109, 1 {pack_format = #tpu.pack_format<interleaved>} : vector<32xbf16> -> vector<16xf32>
        %mul3A_111 = arith.constant 2 : i32
        %mul3A_112 = arith.muli %mul3A_111, %add3A_83 : i32
        %swap3A = arith.index_cast %mul3A_112 : i32 to index
        %swap3A_113 = arith.index_cast %mul3A_38 : i32 to index
        %swap3A_114 = tpu.vector_load %arg7[%swap3A, %swap3A_113] {strides = array<i32>} : memref<96x400xf32, #tpu.memory_space<vmem>>, vector<16xf32>,
        tpu.vector_store %arg7[%swap3A, %swap3A_113], %unpack3A {strides = array<i32>} : memref<96x400xf32, #tpu.memory_space<vmem>>, vector<16xf32>,
        %mul3A_115 = arith.constant 2 : i32
        %mul3A_116 = arith.muli %mul3A_115, %add3A_83 : i32
        %add3A_117 = arith.constant 1 : i32
        %add3A_118 = arith.addi %mul3A_116, %add3A_117 : i32
        %swap3A_119 = arith.index_cast %add3A_118 : i32 to index
        %swap3A_120 = arith.index_cast %mul3A_38 : i32 to index
        %swap3A_121 = tpu.vector_load %arg7[%swap3A_119, %swap3A_120] {strides = array<i32>} : memref<96x400xf32, #tpu.memory_space<vmem>>, vector<16xf32>,
        tpu.vector_store %arg7[%swap3A_119, %swap3A_120], %unpack3A_110 {strides = array<i32>} : memref<96x400xf32, #tpu.memory_space<vmem>>, vector<16xf32>,
        %add3A_122 = arith.constant 1 : i32
        %add3A_123 = arith.addi %mul3A_81, %add3A_122 : i32
        %broadcast_in_dim3A_124 = arith.constant 0 : i32
        %broadcast_in_dim3A_125 = vector.broadcast %broadcast_in_dim3A_124 : i32 to vector<16xi32>
        %add3A_126 = vector.broadcast %add3A_123 : i32 to vector<16xi32>
        %add3A_127 = arith.addi %broadcast_in_dim3A_125, %add3A_126 : vector<16xi32>
        %gather3A_128 = tpu.vector_load_idx %arg5[%add3A_127, %get3A_41] : memref<48x49xi32, #tpu.memory_space<vmem>>[vector<16xi32>, vector<16xi32>], vector<16xi32>,
        %bitcast3A_129 = vector.bitcast %gather3A_128 : vector<16xi32> to vector<32xbf16>
        %gather3A_130 = tpu.vector_load_idx %arg5[%add3A_127, %get3A_45] : memref<48x49xi32, #tpu.memory_space<vmem>>[vector<16xi32>, vector<16xi32>], vector<16xi32>,
        %bitcast3A_131 = vector.bitcast %gather3A_130 : vector<16xi32> to vector<32xbf16>
        %max3A_132 = arith.maximumf %bitcast3A_129, %bitcast3A_131 : vector<32xbf16>
        %gather3A_133 = tpu.vector_load_idx %arg5[%add3A_127, %get3A_49] : memref<48x49xi32, #tpu.memory_space<vmem>>[vector<16xi32>, vector<16xi32>], vector<16xi32>,
        %bitcast3A_134 = vector.bitcast %gather3A_133 : vector<16xi32> to vector<32xbf16>
        %max3A_135 = arith.maximumf %max3A_132, %bitcast3A_134 : vector<32xbf16>
        %gather3A_136 = tpu.vector_load_idx %arg5[%add3A_127, %get3A_53] : memref<48x49xi32, #tpu.memory_space<vmem>>[vector<16xi32>, vector<16xi32>], vector<16xi32>,
        %bitcast3A_137 = vector.bitcast %gather3A_136 : vector<16xi32> to vector<32xbf16>
        %max3A_138 = arith.maximumf %max3A_135, %bitcast3A_137 : vector<32xbf16>
        %gather3A_139 = tpu.vector_load_idx %arg5[%add3A_127, %get3A_57] : memref<48x49xi32, #tpu.memory_space<vmem>>[vector<16xi32>, vector<16xi32>], vector<16xi32>,
        %bitcast3A_140 = vector.bitcast %gather3A_139 : vector<16xi32> to vector<32xbf16>
        %max3A_141 = arith.maximumf %max3A_138, %bitcast3A_140 : vector<32xbf16>
        %gather3A_142 = tpu.vector_load_idx %arg5[%add3A_127, %get3A_61] : memref<48x49xi32, #tpu.memory_space<vmem>>[vector<16xi32>, vector<16xi32>], vector<16xi32>,
        %bitcast3A_143 = vector.bitcast %gather3A_142 : vector<16xi32> to vector<32xbf16>
        %max3A_144 = arith.maximumf %max3A_141, %bitcast3A_143 : vector<32xbf16>
        %gather3A_145 = tpu.vector_load_idx %arg5[%add3A_127, %get3A_65] : memref<48x49xi32, #tpu.memory_space<vmem>>[vector<16xi32>, vector<16xi32>], vector<16xi32>,
        %bitcast3A_146 = vector.bitcast %gather3A_145 : vector<16xi32> to vector<32xbf16>
        %max3A_147 = arith.maximumf %max3A_144, %bitcast3A_146 : vector<32xbf16>
        %gather3A_148 = tpu.vector_load_idx %arg5[%add3A_127, %get3A_69] : memref<48x49xi32, #tpu.memory_space<vmem>>[vector<16xi32>, vector<16xi32>], vector<16xi32>,
        %bitcast3A_149 = vector.bitcast %gather3A_148 : vector<16xi32> to vector<32xbf16>
        %max3A_150 = arith.maximumf %max3A_147, %bitcast3A_149 : vector<32xbf16>
        %gather3A_151 = tpu.vector_load_idx %arg5[%add3A_127, %get3A_73] : memref<48x49xi32, #tpu.memory_space<vmem>>[vector<16xi32>, vector<16xi32>], vector<16xi32>,
        %bitcast3A_152 = vector.bitcast %gather3A_151 : vector<16xi32> to vector<32xbf16>
        %max3A_153 = arith.maximumf %max3A_150, %bitcast3A_152 : vector<32xbf16>
        %unpack3A_154 = tpu.unpack_subelements %max3A_153, 0 {pack_format = #tpu.pack_format<interleaved>} : vector<32xbf16> -> vector<16xf32>
        %unpack3A_155 = tpu.unpack_subelements %max3A_153, 1 {pack_format = #tpu.pack_format<interleaved>} : vector<32xbf16> -> vector<16xf32>
        %mul3A_156 = arith.constant 2 : i32
        %mul3A_157 = arith.muli %mul3A_156, %add3A_123 : i32
        %swap3A_158 = arith.index_cast %mul3A_157 : i32 to index
        %swap3A_159 = arith.index_cast %mul3A_38 : i32 to index
        %swap3A_160 = tpu.vector_load %arg7[%swap3A_158, %swap3A_159] {strides = array<i32>} : memref<96x400xf32, #tpu.memory_space<vmem>>, vector<16xf32>,
        tpu.vector_store %arg7[%swap3A_158, %swap3A_159], %unpack3A_154 {strides = array<i32>} : memref<96x400xf32, #tpu.memory_space<vmem>>, vector<16xf32>,
        %mul3A_161 = arith.constant 2 : i32
        %mul3A_162 = arith.muli %mul3A_161, %add3A_123 : i32
        %add3A_163 = arith.constant 1 : i32
        %add3A_164 = arith.addi %mul3A_162, %add3A_163 : i32
        %swap3A_165 = arith.index_cast %add3A_164 : i32 to index
        %swap3A_166 = arith.index_cast %mul3A_38 : i32 to index
        %swap3A_167 = tpu.vector_load %arg7[%swap3A_165, %swap3A_166] {strides = array<i32>} : memref<96x400xf32, #tpu.memory_space<vmem>>, vector<16xf32>,
        tpu.vector_store %arg7[%swap3A_165, %swap3A_166], %unpack3A_155 {strides = array<i32>} : memref<96x400xf32, #tpu.memory_space<vmem>>, vector<16xf32>,
        %add3A_168 = arith.constant 2 : i32
        %add3A_169 = arith.addi %mul3A_81, %add3A_168 : i32
        %broadcast_in_dim3A_170 = arith.constant 0 : i32
        %broadcast_in_dim3A_171 = vector.broadcast %broadcast_in_dim3A_170 : i32 to vector<16xi32>
        %add3A_172 = vector.broadcast %add3A_169 : i32 to vector<16xi32>
        %add3A_173 = arith.addi %broadcast_in_dim3A_171, %add3A_172 : vector<16xi32>
        %gather3A_174 = tpu.vector_load_idx %arg5[%add3A_173, %get3A_41] : memref<48x49xi32, #tpu.memory_space<vmem>>[vector<16xi32>, vector<16xi32>], vector<16xi32>,
        %bitcast3A_175 = vector.bitcast %gather3A_174 : vector<16xi32> to vector<32xbf16>
        %gather3A_176 = tpu.vector_load_idx %arg5[%add3A_173, %get3A_45] : memref<48x49xi32, #tpu.memory_space<vmem>>[vector<16xi32>, vector<16xi32>], vector<16xi32>,
        %bitcast3A_177 = vector.bitcast %gather3A_176 : vector<16xi32> to vector<32xbf16>
        %max3A_178 = arith.maximumf %bitcast3A_175, %bitcast3A_177 : vector<32xbf16>
        %gather3A_179 = tpu.vector_load_idx %arg5[%add3A_173, %get3A_49] : memref<48x49xi32, #tpu.memory_space<vmem>>[vector<16xi32>, vector<16xi32>], vector<16xi32>,
        %bitcast3A_180 = vector.bitcast %gather3A_179 : vector<16xi32> to vector<32xbf16>
        %max3A_181 = arith.maximumf %max3A_178, %bitcast3A_180 : vector<32xbf16>
        %gather3A_182 = tpu.vector_load_idx %arg5[%add3A_173, %get3A_53] : memref<48x49xi32, #tpu.memory_space<vmem>>[vector<16xi32>, vector<16xi32>], vector<16xi32>,
        %bitcast3A_183 = vector.bitcast %gather3A_182 : vector<16xi32> to vector<32xbf16>
        %max3A_184 = arith.maximumf %max3A_181, %bitcast3A_183 : vector<32xbf16>
        %gather3A_185 = tpu.vector_load_idx %arg5[%add3A_173, %get3A_57] : memref<48x49xi32, #tpu.memory_space<vmem>>[vector<16xi32>, vector<16xi32>], vector<16xi32>,
        %bitcast3A_186 = vector.bitcast %gather3A_185 : vector<16xi32> to vector<32xbf16>
        %max3A_187 = arith.maximumf %max3A_184, %bitcast3A_186 : vector<32xbf16>
        %gather3A_188 = tpu.vector_load_idx %arg5[%add3A_173, %get3A_61] : memref<48x49xi32, #tpu.memory_space<vmem>>[vector<16xi32>, vector<16xi32>], vector<16xi32>,
        %bitcast3A_189 = vector.bitcast %gather3A_188 : vector<16xi32> to vector<32xbf16>
        %max3A_190 = arith.maximumf %max3A_187, %bitcast3A_189 : vector<32xbf16>
        %gather3A_191 = tpu.vector_load_idx %arg5[%add3A_173, %get3A_65] : memref<48x49xi32, #tpu.memory_space<vmem>>[vector<16xi32>, vector<16xi32>], vector<16xi32>,
        %bitcast3A_192 = vector.bitcast %gather3A_191 : vector<16xi32> to vector<32xbf16>
        %max3A_193 = arith.maximumf %max3A_190, %bitcast3A_192 : vector<32xbf16>
        %gather3A_194 = tpu.vector_load_idx %arg5[%add3A_173, %get3A_69] : memref<48x49xi32, #tpu.memory_space<vmem>>[vector<16xi32>, vector<16xi32>], vector<16xi32>,
        %bitcast3A_195 = vector.bitcast %gather3A_194 : vector<16xi32> to vector<32xbf16>
        %max3A_196 = arith.maximumf %max3A_193, %bitcast3A_195 : vector<32xbf16>
        %gather3A_197 = tpu.vector_load_idx %arg5[%add3A_173, %get3A_73] : memref<48x49xi32, #tpu.memory_space<vmem>>[vector<16xi32>, vector<16xi32>], vector<16xi32>,
        %bitcast3A_198 = vector.bitcast %gather3A_197 : vector<16xi32> to vector<32xbf16>
        %max3A_199 = arith.maximumf %max3A_196, %bitcast3A_198 : vector<32xbf16>
        %unpack3A_200 = tpu.unpack_subelements %max3A_199, 0 {pack_format = #tpu.pack_format<interleaved>} : vector<32xbf16> -> vector<16xf32>
        %unpack3A_201 = tpu.unpack_subelements %max3A_199, 1 {pack_format = #tpu.pack_format<interleaved>} : vector<32xbf16> -> vector<16xf32>
        %mul3A_202 = arith.constant 2 : i32
        %mul3A_203 = arith.muli %mul3A_202, %add3A_169 : i32
        %swap3A_204 = arith.index_cast %mul3A_203 : i32 to index
        %swap3A_205 = arith.index_cast %mul3A_38 : i32 to index
        %swap3A_206 = tpu.vector_load %arg7[%swap3A_204, %swap3A_205] {strides = array<i32>} : memref<96x400xf32, #tpu.memory_space<vmem>>, vector<16xf32>,
        tpu.vector_store %arg7[%swap3A_204, %swap3A_205], %unpack3A_200 {strides = array<i32>} : memref<96x400xf32, #tpu.memory_space<vmem>>, vector<16xf32>,
        %mul3A_207 = arith.constant 2 : i32
        %mul3A_208 = arith.muli %mul3A_207, %add3A_169 : i32
        %add3A_209 = arith.constant 1 : i32
        %add3A_210 = arith.addi %mul3A_208, %add3A_209 : i32
        %swap3A_211 = arith.index_cast %add3A_210 : i32 to index
        %swap3A_212 = arith.index_cast %mul3A_38 : i32 to index
        %swap3A_213 = tpu.vector_load %arg7[%swap3A_211, %swap3A_212] {strides = array<i32>} : memref<96x400xf32, #tpu.memory_space<vmem>>, vector<16xf32>,
        tpu.vector_store %arg7[%swap3A_211, %swap3A_212], %unpack3A_201 {strides = array<i32>} : memref<96x400xf32, #tpu.memory_space<vmem>>, vector<16xf32>,
        %add3A_214 = arith.constant 3 : i32
        %add3A_215 = arith.addi %mul3A_81, %add3A_214 : i32
        %broadcast_in_dim3A_216 = arith.constant 0 : i32
        %broadcast_in_dim3A_217 = vector.broadcast %broadcast_in_dim3A_216 : i32 to vector<16xi32>
        %add3A_218 = vector.broadcast %add3A_215 : i32 to vector<16xi32>
        %add3A_219 = arith.addi %broadcast_in_dim3A_217, %add3A_218 : vector<16xi32>
        %gather3A_220 = tpu.vector_load_idx %arg5[%add3A_219, %get3A_41] : memref<48x49xi32, #tpu.memory_space<vmem>>[vector<16xi32>, vector<16xi32>], vector<16xi32>,
        %bitcast3A_221 = vector.bitcast %gather3A_220 : vector<16xi32> to vector<32xbf16>
        %gather3A_222 = tpu.vector_load_idx %arg5[%add3A_219, %get3A_45] : memref<48x49xi32, #tpu.memory_space<vmem>>[vector<16xi32>, vector<16xi32>], vector<16xi32>,
        %bitcast3A_223 = vector.bitcast %gather3A_222 : vector<16xi32> to vector<32xbf16>
        %max3A_224 = arith.maximumf %bitcast3A_221, %bitcast3A_223 : vector<32xbf16>
        %gather3A_225 = tpu.vector_load_idx %arg5[%add3A_219, %get3A_49] : memref<48x49xi32, #tpu.memory_space<vmem>>[vector<16xi32>, vector<16xi32>], vector<16xi32>,
        %bitcast3A_226 = vector.bitcast %gather3A_225 : vector<16xi32> to vector<32xbf16>
        %max3A_227 = arith.maximumf %max3A_224, %bitcast3A_226 : vector<32xbf16>
        %gather3A_228 = tpu.vector_load_idx %arg5[%add3A_219, %get3A_53] : memref<48x49xi32, #tpu.memory_space<vmem>>[vector<16xi32>, vector<16xi32>], vector<16xi32>,
        %bitcast3A_229 = vector.bitcast %gather3A_228 : vector<16xi32> to vector<32xbf16>
        %max3A_230 = arith.maximumf %max3A_227, %bitcast3A_229 : vector<32xbf16>
        %gather3A_231 = tpu.vector_load_idx %arg5[%add3A_219, %get3A_57] : memref<48x49xi32, #tpu.memory_space<vmem>>[vector<16xi32>, vector<16xi32>], vector<16xi32>,
        %bitcast3A_232 = vector.bitcast %gather3A_231 : vector<16xi32> to vector<32xbf16>
        %max3A_233 = arith.maximumf %max3A_230, %bitcast3A_232 : vector<32xbf16>
        %gather3A_234 = tpu.vector_load_idx %arg5[%add3A_219, %get3A_61] : memref<48x49xi32, #tpu.memory_space<vmem>>[vector<16xi32>, vector<16xi32>], vector<16xi32>,
        %bitcast3A_235 = vector.bitcast %gather3A_234 : vector<16xi32> to vector<32xbf16>
        %max3A_236 = arith.maximumf %max3A_233, %bitcast3A_235 : vector<32xbf16>
        %gather3A_237 = tpu.vector_load_idx %arg5[%add3A_219, %get3A_65] : memref<48x49xi32, #tpu.memory_space<vmem>>[vector<16xi32>, vector<16xi32>], vector<16xi32>,
        %bitcast3A_238 = vector.bitcast %gather3A_237 : vector<16xi32> to vector<32xbf16>
        %max3A_239 = arith.maximumf %max3A_236, %bitcast3A_238 : vector<32xbf16>
        %gather3A_240 = tpu.vector_load_idx %arg5[%add3A_219, %get3A_69] : memref<48x49xi32, #tpu.memory_space<vmem>>[vector<16xi32>, vector<16xi32>], vector<16xi32>,
        %bitcast3A_241 = vector.bitcast %gather3A_240 : vector<16xi32> to vector<32xbf16>
        %max3A_242 = arith.maximumf %max3A_239, %bitcast3A_241 : vector<32xbf16>
        %gather3A_243 = tpu.vector_load_idx %arg5[%add3A_219, %get3A_73] : memref<48x49xi32, #tpu.memory_space<vmem>>[vector<16xi32>, vector<16xi32>], vector<16xi32>,
        %bitcast3A_244 = vector.bitcast %gather3A_243 : vector<16xi32> to vector<32xbf16>
        %max3A_245 = arith.maximumf %max3A_242, %bitcast3A_244 : vector<32xbf16>
        %unpack3A_246 = tpu.unpack_subelements %max3A_245, 0 {pack_format = #tpu.pack_format<interleaved>} : vector<32xbf16> -> vector<16xf32>
        %unpack3A_247 = tpu.unpack_subelements %max3A_245, 1 {pack_format = #tpu.pack_format<interleaved>} : vector<32xbf16> -> vector<16xf32>
        %mul3A_248 = arith.constant 2 : i32
        %mul3A_249 = arith.muli %mul3A_248, %add3A_215 : i32
        %swap3A_250 = arith.index_cast %mul3A_249 : i32 to index
        %swap3A_251 = arith.index_cast %mul3A_38 : i32 to index
        %swap3A_252 = tpu.vector_load %arg7[%swap3A_250, %swap3A_251] {strides = array<i32>} : memref<96x400xf32, #tpu.memory_space<vmem>>, vector<16xf32>,
        tpu.vector_store %arg7[%swap3A_250, %swap3A_251], %unpack3A_246 {strides = array<i32>} : memref<96x400xf32, #tpu.memory_space<vmem>>, vector<16xf32>,
        %mul3A_253 = arith.constant 2 : i32
        %mul3A_254 = arith.muli %mul3A_253, %add3A_215 : i32
        %add3A_255 = arith.constant 1 : i32
        %add3A_256 = arith.addi %mul3A_254, %add3A_255 : i32
        %swap3A_257 = arith.index_cast %add3A_256 : i32 to index
        %swap3A_258 = arith.index_cast %mul3A_38 : i32 to index
        %swap3A_259 = tpu.vector_load %arg7[%swap3A_257, %swap3A_258] {strides = array<i32>} : memref<96x400xf32, #tpu.memory_space<vmem>>, vector<16xf32>,
        tpu.vector_store %arg7[%swap3A_257, %swap3A_258], %unpack3A_247 {strides = array<i32>} : memref<96x400xf32, #tpu.memory_space<vmem>>, vector<16xf32>,
        %add3A_260 = arith.constant 4 : i32
        %add3A_261 = arith.addi %mul3A_81, %add3A_260 : i32
        %broadcast_in_dim3A_262 = arith.constant 0 : i32
        %broadcast_in_dim3A_263 = vector.broadcast %broadcast_in_dim3A_262 : i32 to vector<16xi32>
        %add3A_264 = vector.broadcast %add3A_261 : i32 to vector<16xi32>
        %add3A_265 = arith.addi %broadcast_in_dim3A_263, %add3A_264 : vector<16xi32>
        %gather3A_266 = tpu.vector_load_idx %arg5[%add3A_265, %get3A_41] : memref<48x49xi32, #tpu.memory_space<vmem>>[vector<16xi32>, vector<16xi32>], vector<16xi32>,
        %bitcast3A_267 = vector.bitcast %gather3A_266 : vector<16xi32> to vector<32xbf16>
        %gather3A_268 = tpu.vector_load_idx %arg5[%add3A_265, %get3A_45] : memref<48x49xi32, #tpu.memory_space<vmem>>[vector<16xi32>, vector<16xi32>], vector<16xi32>,
        %bitcast3A_269 = vector.bitcast %gather3A_268 : vector<16xi32> to vector<32xbf16>
        %max3A_270 = arith.maximumf %bitcast3A_267, %bitcast3A_269 : vector<32xbf16>
        %gather3A_271 = tpu.vector_load_idx %arg5[%add3A_265, %get3A_49] : memref<48x49xi32, #tpu.memory_space<vmem>>[vector<16xi32>, vector<16xi32>], vector<16xi32>,
        %bitcast3A_272 = vector.bitcast %gather3A_271 : vector<16xi32> to vector<32xbf16>
        %max3A_273 = arith.maximumf %max3A_270, %bitcast3A_272 : vector<32xbf16>
        %gather3A_274 = tpu.vector_load_idx %arg5[%add3A_265, %get3A_53] : memref<48x49xi32, #tpu.memory_space<vmem>>[vector<16xi32>, vector<16xi32>], vector<16xi32>,
        %bitcast3A_275 = vector.bitcast %gather3A_274 : vector<16xi32> to vector<32xbf16>
        %max3A_276 = arith.maximumf %max3A_273, %bitcast3A_275 : vector<32xbf16>
        %gather3A_277 = tpu.vector_load_idx %arg5[%add3A_265, %get3A_57] : memref<48x49xi32, #tpu.memory_space<vmem>>[vector<16xi32>, vector<16xi32>], vector<16xi32>,
        %bitcast3A_278 = vector.bitcast %gather3A_277 : vector<16xi32> to vector<32xbf16>
        %max3A_279 = arith.maximumf %max3A_276, %bitcast3A_278 : vector<32xbf16>
        %gather3A_280 = tpu.vector_load_idx %arg5[%add3A_265, %get3A_61] : memref<48x49xi32, #tpu.memory_space<vmem>>[vector<16xi32>, vector<16xi32>], vector<16xi32>,
        %bitcast3A_281 = vector.bitcast %gather3A_280 : vector<16xi32> to vector<32xbf16>
        %max3A_282 = arith.maximumf %max3A_279, %bitcast3A_281 : vector<32xbf16>
        %gather3A_283 = tpu.vector_load_idx %arg5[%add3A_265, %get3A_65] : memref<48x49xi32, #tpu.memory_space<vmem>>[vector<16xi32>, vector<16xi32>], vector<16xi32>,
        %bitcast3A_284 = vector.bitcast %gather3A_283 : vector<16xi32> to vector<32xbf16>
        %max3A_285 = arith.maximumf %max3A_282, %bitcast3A_284 : vector<32xbf16>
        %gather3A_286 = tpu.vector_load_idx %arg5[%add3A_265, %get3A_69] : memref<48x49xi32, #tpu.memory_space<vmem>>[vector<16xi32>, vector<16xi32>], vector<16xi32>,
        %bitcast3A_287 = vector.bitcast %gather3A_286 : vector<16xi32> to vector<32xbf16>
        %max3A_288 = arith.maximumf %max3A_285, %bitcast3A_287 : vector<32xbf16>
        %gather3A_289 = tpu.vector_load_idx %arg5[%add3A_265, %get3A_73] : memref<48x49xi32, #tpu.memory_space<vmem>>[vector<16xi32>, vector<16xi32>], vector<16xi32>,
        %bitcast3A_290 = vector.bitcast %gather3A_289 : vector<16xi32> to vector<32xbf16>
        %max3A_291 = arith.maximumf %max3A_288, %bitcast3A_290 : vector<32xbf16>
        %unpack3A_292 = tpu.unpack_subelements %max3A_291, 0 {pack_format = #tpu.pack_format<interleaved>} : vector<32xbf16> -> vector<16xf32>
        %unpack3A_293 = tpu.unpack_subelements %max3A_291, 1 {pack_format = #tpu.pack_format<interleaved>} : vector<32xbf16> -> vector<16xf32>
        %mul3A_294 = arith.constant 2 : i32
        %mul3A_295 = arith.muli %mul3A_294, %add3A_261 : i32
        %swap3A_296 = arith.index_cast %mul3A_295 : i32 to index
        %swap3A_297 = arith.index_cast %mul3A_38 : i32 to index
        %swap3A_298 = tpu.vector_load %arg7[%swap3A_296, %swap3A_297] {strides = array<i32>} : memref<96x400xf32, #tpu.memory_space<vmem>>, vector<16xf32>,
        tpu.vector_store %arg7[%swap3A_296, %swap3A_297], %unpack3A_292 {strides = array<i32>} : memref<96x400xf32, #tpu.memory_space<vmem>>, vector<16xf32>,
        %mul3A_299 = arith.constant 2 : i32
        %mul3A_300 = arith.muli %mul3A_299, %add3A_261 : i32
        %add3A_301 = arith.constant 1 : i32
        %add3A_302 = arith.addi %mul3A_300, %add3A_301 : i32
        %swap3A_303 = arith.index_cast %add3A_302 : i32 to index
        %swap3A_304 = arith.index_cast %mul3A_38 : i32 to index
        %swap3A_305 = tpu.vector_load %arg7[%swap3A_303, %swap3A_304] {strides = array<i32>} : memref<96x400xf32, #tpu.memory_space<vmem>>, vector<16xf32>,
        tpu.vector_store %arg7[%swap3A_303, %swap3A_304], %unpack3A_293 {strides = array<i32>} : memref<96x400xf32, #tpu.memory_space<vmem>>, vector<16xf32>,
        %add3A_306 = arith.constant 5 : i32
        %add3A_307 = arith.addi %mul3A_81, %add3A_306 : i32
        %broadcast_in_dim3A_308 = arith.constant 0 : i32
        %broadcast_in_dim3A_309 = vector.broadcast %broadcast_in_dim3A_308 : i32 to vector<16xi32>
        %add3A_310 = vector.broadcast %add3A_307 : i32 to vector<16xi32>
        %add3A_311 = arith.addi %broadcast_in_dim3A_309, %add3A_310 : vector<16xi32>
        %gather3A_312 = tpu.vector_load_idx %arg5[%add3A_311, %get3A_41] : memref<48x49xi32, #tpu.memory_space<vmem>>[vector<16xi32>, vector<16xi32>], vector<16xi32>,
        %bitcast3A_313 = vector.bitcast %gather3A_312 : vector<16xi32> to vector<32xbf16>
        %gather3A_314 = tpu.vector_load_idx %arg5[%add3A_311, %get3A_45] : memref<48x49xi32, #tpu.memory_space<vmem>>[vector<16xi32>, vector<16xi32>], vector<16xi32>,
        %bitcast3A_315 = vector.bitcast %gather3A_314 : vector<16xi32> to vector<32xbf16>
        %max3A_316 = arith.maximumf %bitcast3A_313, %bitcast3A_315 : vector<32xbf16>
        %gather3A_317 = tpu.vector_load_idx %arg5[%add3A_311, %get3A_49] : memref<48x49xi32, #tpu.memory_space<vmem>>[vector<16xi32>, vector<16xi32>], vector<16xi32>,
        %bitcast3A_318 = vector.bitcast %gather3A_317 : vector<16xi32> to vector<32xbf16>
        %max3A_319 = arith.maximumf %max3A_316, %bitcast3A_318 : vector<32xbf16>
        %gather3A_320 = tpu.vector_load_idx %arg5[%add3A_311, %get3A_53] : memref<48x49xi32, #tpu.memory_space<vmem>>[vector<16xi32>, vector<16xi32>], vector<16xi32>,
        %bitcast3A_321 = vector.bitcast %gather3A_320 : vector<16xi32> to vector<32xbf16>
        %max3A_322 = arith.maximumf %max3A_319, %bitcast3A_321 : vector<32xbf16>
        %gather3A_323 = tpu.vector_load_idx %arg5[%add3A_311, %get3A_57] : memref<48x49xi32, #tpu.memory_space<vmem>>[vector<16xi32>, vector<16xi32>], vector<16xi32>,
        %bitcast3A_324 = vector.bitcast %gather3A_323 : vector<16xi32> to vector<32xbf16>
        %max3A_325 = arith.maximumf %max3A_322, %bitcast3A_324 : vector<32xbf16>
        %gather3A_326 = tpu.vector_load_idx %arg5[%add3A_311, %get3A_61] : memref<48x49xi32, #tpu.memory_space<vmem>>[vector<16xi32>, vector<16xi32>], vector<16xi32>,
        %bitcast3A_327 = vector.bitcast %gather3A_326 : vector<16xi32> to vector<32xbf16>
        %max3A_328 = arith.maximumf %max3A_325, %bitcast3A_327 : vector<32xbf16>
        %gather3A_329 = tpu.vector_load_idx %arg5[%add3A_311, %get3A_65] : memref<48x49xi32, #tpu.memory_space<vmem>>[vector<16xi32>, vector<16xi32>], vector<16xi32>,
        %bitcast3A_330 = vector.bitcast %gather3A_329 : vector<16xi32> to vector<32xbf16>
        %max3A_331 = arith.maximumf %max3A_328, %bitcast3A_330 : vector<32xbf16>
        %gather3A_332 = tpu.vector_load_idx %arg5[%add3A_311, %get3A_69] : memref<48x49xi32, #tpu.memory_space<vmem>>[vector<16xi32>, vector<16xi32>], vector<16xi32>,
        %bitcast3A_333 = vector.bitcast %gather3A_332 : vector<16xi32> to vector<32xbf16>
        %max3A_334 = arith.maximumf %max3A_331, %bitcast3A_333 : vector<32xbf16>
        %gather3A_335 = tpu.vector_load_idx %arg5[%add3A_311, %get3A_73] : memref<48x49xi32, #tpu.memory_space<vmem>>[vector<16xi32>, vector<16xi32>], vector<16xi32>,
        %bitcast3A_336 = vector.bitcast %gather3A_335 : vector<16xi32> to vector<32xbf16>
        %max3A_337 = arith.maximumf %max3A_334, %bitcast3A_336 : vector<32xbf16>
        %unpack3A_338 = tpu.unpack_subelements %max3A_337, 0 {pack_format = #tpu.pack_format<interleaved>} : vector<32xbf16> -> vector<16xf32>
        %unpack3A_339 = tpu.unpack_subelements %max3A_337, 1 {pack_format = #tpu.pack_format<interleaved>} : vector<32xbf16> -> vector<16xf32>
        %mul3A_340 = arith.constant 2 : i32
        %mul3A_341 = arith.muli %mul3A_340, %add3A_307 : i32
        %swap3A_342 = arith.index_cast %mul3A_341 : i32 to index
        %swap3A_343 = arith.index_cast %mul3A_38 : i32 to index
        %swap3A_344 = tpu.vector_load %arg7[%swap3A_342, %swap3A_343] {strides = array<i32>} : memref<96x400xf32, #tpu.memory_space<vmem>>, vector<16xf32>,
        tpu.vector_store %arg7[%swap3A_342, %swap3A_343], %unpack3A_338 {strides = array<i32>} : memref<96x400xf32, #tpu.memory_space<vmem>>, vector<16xf32>,
        %mul3A_345 = arith.constant 2 : i32
        %mul3A_346 = arith.muli %mul3A_345, %add3A_307 : i32
        %add3A_347 = arith.constant 1 : i32
        %add3A_348 = arith.addi %mul3A_346, %add3A_347 : i32
        %swap3A_349 = arith.index_cast %add3A_348 : i32 to index
        %swap3A_350 = arith.index_cast %mul3A_38 : i32 to index
        %swap3A_351 = tpu.vector_load %arg7[%swap3A_349, %swap3A_350] {strides = array<i32>} : memref<96x400xf32, #tpu.memory_space<vmem>>, vector<16xf32>,
        tpu.vector_store %arg7[%swap3A_349, %swap3A_350], %unpack3A_339 {strides = array<i32>} : memref<96x400xf32, #tpu.memory_space<vmem>>, vector<16xf32>,
        %add3A_352 = arith.constant 6 : i32
        %add3A_353 = arith.addi %mul3A_81, %add3A_352 : i32
        %broadcast_in_dim3A_354 = arith.constant 0 : i32
        %broadcast_in_dim3A_355 = vector.broadcast %broadcast_in_dim3A_354 : i32 to vector<16xi32>
        %add3A_356 = vector.broadcast %add3A_353 : i32 to vector<16xi32>
        %add3A_357 = arith.addi %broadcast_in_dim3A_355, %add3A_356 : vector<16xi32>
        %gather3A_358 = tpu.vector_load_idx %arg5[%add3A_357, %get3A_41] : memref<48x49xi32, #tpu.memory_space<vmem>>[vector<16xi32>, vector<16xi32>], vector<16xi32>,
        %bitcast3A_359 = vector.bitcast %gather3A_358 : vector<16xi32> to vector<32xbf16>
        %gather3A_360 = tpu.vector_load_idx %arg5[%add3A_357, %get3A_45] : memref<48x49xi32, #tpu.memory_space<vmem>>[vector<16xi32>, vector<16xi32>], vector<16xi32>,
        %bitcast3A_361 = vector.bitcast %gather3A_360 : vector<16xi32> to vector<32xbf16>
        %max3A_362 = arith.maximumf %bitcast3A_359, %bitcast3A_361 : vector<32xbf16>
        %gather3A_363 = tpu.vector_load_idx %arg5[%add3A_357, %get3A_49] : memref<48x49xi32, #tpu.memory_space<vmem>>[vector<16xi32>, vector<16xi32>], vector<16xi32>,
        %bitcast3A_364 = vector.bitcast %gather3A_363 : vector<16xi32> to vector<32xbf16>
        %max3A_365 = arith.maximumf %max3A_362, %bitcast3A_364 : vector<32xbf16>
        %gather3A_366 = tpu.vector_load_idx %arg5[%add3A_357, %get3A_53] : memref<48x49xi32, #tpu.memory_space<vmem>>[vector<16xi32>, vector<16xi32>], vector<16xi32>,
        %bitcast3A_367 = vector.bitcast %gather3A_366 : vector<16xi32> to vector<32xbf16>
        %max3A_368 = arith.maximumf %max3A_365, %bitcast3A_367 : vector<32xbf16>
        %gather3A_369 = tpu.vector_load_idx %arg5[%add3A_357, %get3A_57] : memref<48x49xi32, #tpu.memory_space<vmem>>[vector<16xi32>, vector<16xi32>], vector<16xi32>,
        %bitcast3A_370 = vector.bitcast %gather3A_369 : vector<16xi32> to vector<32xbf16>
        %max3A_371 = arith.maximumf %max3A_368, %bitcast3A_370 : vector<32xbf16>
        %gather3A_372 = tpu.vector_load_idx %arg5[%add3A_357, %get3A_61] : memref<48x49xi32, #tpu.memory_space<vmem>>[vector<16xi32>, vector<16xi32>], vector<16xi32>,
        %bitcast3A_373 = vector.bitcast %gather3A_372 : vector<16xi32> to vector<32xbf16>
        %max3A_374 = arith.maximumf %max3A_371, %bitcast3A_373 : vector<32xbf16>
        %gather3A_375 = tpu.vector_load_idx %arg5[%add3A_357, %get3A_65] : memref<48x49xi32, #tpu.memory_space<vmem>>[vector<16xi32>, vector<16xi32>], vector<16xi32>,
        %bitcast3A_376 = vector.bitcast %gather3A_375 : vector<16xi32> to vector<32xbf16>
        %max3A_377 = arith.maximumf %max3A_374, %bitcast3A_376 : vector<32xbf16>
        %gather3A_378 = tpu.vector_load_idx %arg5[%add3A_357, %get3A_69] : memref<48x49xi32, #tpu.memory_space<vmem>>[vector<16xi32>, vector<16xi32>], vector<16xi32>,
        %bitcast3A_379 = vector.bitcast %gather3A_378 : vector<16xi32> to vector<32xbf16>
        %max3A_380 = arith.maximumf %max3A_377, %bitcast3A_379 : vector<32xbf16>
        %gather3A_381 = tpu.vector_load_idx %arg5[%add3A_357, %get3A_73] : memref<48x49xi32, #tpu.memory_space<vmem>>[vector<16xi32>, vector<16xi32>], vector<16xi32>,
        %bitcast3A_382 = vector.bitcast %gather3A_381 : vector<16xi32> to vector<32xbf16>
        %max3A_383 = arith.maximumf %max3A_380, %bitcast3A_382 : vector<32xbf16>
        %unpack3A_384 = tpu.unpack_subelements %max3A_383, 0 {pack_format = #tpu.pack_format<interleaved>} : vector<32xbf16> -> vector<16xf32>
        %unpack3A_385 = tpu.unpack_subelements %max3A_383, 1 {pack_format = #tpu.pack_format<interleaved>} : vector<32xbf16> -> vector<16xf32>
        %mul3A_386 = arith.constant 2 : i32
        %mul3A_387 = arith.muli %mul3A_386, %add3A_353 : i32
        %swap3A_388 = arith.index_cast %mul3A_387 : i32 to index
        %swap3A_389 = arith.index_cast %mul3A_38 : i32 to index
        %swap3A_390 = tpu.vector_load %arg7[%swap3A_388, %swap3A_389] {strides = array<i32>} : memref<96x400xf32, #tpu.memory_space<vmem>>, vector<16xf32>,
        tpu.vector_store %arg7[%swap3A_388, %swap3A_389], %unpack3A_384 {strides = array<i32>} : memref<96x400xf32, #tpu.memory_space<vmem>>, vector<16xf32>,
        %mul3A_391 = arith.constant 2 : i32
        %mul3A_392 = arith.muli %mul3A_391, %add3A_353 : i32
        %add3A_393 = arith.constant 1 : i32
        %add3A_394 = arith.addi %mul3A_392, %add3A_393 : i32
        %swap3A_395 = arith.index_cast %add3A_394 : i32 to index
        %swap3A_396 = arith.index_cast %mul3A_38 : i32 to index
        %swap3A_397 = tpu.vector_load %arg7[%swap3A_395, %swap3A_396] {strides = array<i32>} : memref<96x400xf32, #tpu.memory_space<vmem>>, vector<16xf32>,
        tpu.vector_store %arg7[%swap3A_395, %swap3A_396], %unpack3A_385 {strides = array<i32>} : memref<96x400xf32, #tpu.memory_space<vmem>>, vector<16xf32>,
        %add3A_398 = arith.constant 7 : i32
        %add3A_399 = arith.addi %mul3A_81, %add3A_398 : i32
        %broadcast_in_dim3A_400 = arith.constant 0 : i32
        %broadcast_in_dim3A_401 = vector.broadcast %broadcast_in_dim3A_400 : i32 to vector<16xi32>
        %add3A_402 = vector.broadcast %add3A_399 : i32 to vector<16xi32>
        %add3A_403 = arith.addi %broadcast_in_dim3A_401, %add3A_402 : vector<16xi32>
        %gather3A_404 = tpu.vector_load_idx %arg5[%add3A_403, %get3A_41] : memref<48x49xi32, #tpu.memory_space<vmem>>[vector<16xi32>, vector<16xi32>], vector<16xi32>,
        %bitcast3A_405 = vector.bitcast %gather3A_404 : vector<16xi32> to vector<32xbf16>
        %gather3A_406 = tpu.vector_load_idx %arg5[%add3A_403, %get3A_45] : memref<48x49xi32, #tpu.memory_space<vmem>>[vector<16xi32>, vector<16xi32>], vector<16xi32>,
        %bitcast3A_407 = vector.bitcast %gather3A_406 : vector<16xi32> to vector<32xbf16>
        %max3A_408 = arith.maximumf %bitcast3A_405, %bitcast3A_407 : vector<32xbf16>
        %gather3A_409 = tpu.vector_load_idx %arg5[%add3A_403, %get3A_49] : memref<48x49xi32, #tpu.memory_space<vmem>>[vector<16xi32>, vector<16xi32>], vector<16xi32>,
        %bitcast3A_410 = vector.bitcast %gather3A_409 : vector<16xi32> to vector<32xbf16>
        %max3A_411 = arith.maximumf %max3A_408, %bitcast3A_410 : vector<32xbf16>
        %gather3A_412 = tpu.vector_load_idx %arg5[%add3A_403, %get3A_53] : memref<48x49xi32, #tpu.memory_space<vmem>>[vector<16xi32>, vector<16xi32>], vector<16xi32>,
        %bitcast3A_413 = vector.bitcast %gather3A_412 : vector<16xi32> to vector<32xbf16>
        %max3A_414 = arith.maximumf %max3A_411, %bitcast3A_413 : vector<32xbf16>
        %gather3A_415 = tpu.vector_load_idx %arg5[%add3A_403, %get3A_57] : memref<48x49xi32, #tpu.memory_space<vmem>>[vector<16xi32>, vector<16xi32>], vector<16xi32>,
        %bitcast3A_416 = vector.bitcast %gather3A_415 : vector<16xi32> to vector<32xbf16>
        %max3A_417 = arith.maximumf %max3A_414, %bitcast3A_416 : vector<32xbf16>
        %gather3A_418 = tpu.vector_load_idx %arg5[%add3A_403, %get3A_61] : memref<48x49xi32, #tpu.memory_space<vmem>>[vector<16xi32>, vector<16xi32>], vector<16xi32>,
        %bitcast3A_419 = vector.bitcast %gather3A_418 : vector<16xi32> to vector<32xbf16>
        %max3A_420 = arith.maximumf %max3A_417, %bitcast3A_419 : vector<32xbf16>
        %gather3A_421 = tpu.vector_load_idx %arg5[%add3A_403, %get3A_65] : memref<48x49xi32, #tpu.memory_space<vmem>>[vector<16xi32>, vector<16xi32>], vector<16xi32>,
        %bitcast3A_422 = vector.bitcast %gather3A_421 : vector<16xi32> to vector<32xbf16>
        %max3A_423 = arith.maximumf %max3A_420, %bitcast3A_422 : vector<32xbf16>
        %gather3A_424 = tpu.vector_load_idx %arg5[%add3A_403, %get3A_69] : memref<48x49xi32, #tpu.memory_space<vmem>>[vector<16xi32>, vector<16xi32>], vector<16xi32>,
        %bitcast3A_425 = vector.bitcast %gather3A_424 : vector<16xi32> to vector<32xbf16>
        %max3A_426 = arith.maximumf %max3A_423, %bitcast3A_425 : vector<32xbf16>
        %gather3A_427 = tpu.vector_load_idx %arg5[%add3A_403, %get3A_73] : memref<48x49xi32, #tpu.memory_space<vmem>>[vector<16xi32>, vector<16xi32>], vector<16xi32>,
        %bitcast3A_428 = vector.bitcast %gather3A_427 : vector<16xi32> to vector<32xbf16>
        %max3A_429 = arith.maximumf %max3A_426, %bitcast3A_428 : vector<32xbf16>
        %unpack3A_430 = tpu.unpack_subelements %max3A_429, 0 {pack_format = #tpu.pack_format<interleaved>} : vector<32xbf16> -> vector<16xf32>
        %unpack3A_431 = tpu.unpack_subelements %max3A_429, 1 {pack_format = #tpu.pack_format<interleaved>} : vector<32xbf16> -> vector<16xf32>
        %mul3A_432 = arith.constant 2 : i32
        %mul3A_433 = arith.muli %mul3A_432, %add3A_399 : i32
        %swap3A_434 = arith.index_cast %mul3A_433 : i32 to index
        %swap3A_435 = arith.index_cast %mul3A_38 : i32 to index
        %swap3A_436 = tpu.vector_load %arg7[%swap3A_434, %swap3A_435] {strides = array<i32>} : memref<96x400xf32, #tpu.memory_space<vmem>>, vector<16xf32>,
        tpu.vector_store %arg7[%swap3A_434, %swap3A_435], %unpack3A_430 {strides = array<i32>} : memref<96x400xf32, #tpu.memory_space<vmem>>, vector<16xf32>,
        %mul3A_437 = arith.constant 2 : i32
        %mul3A_438 = arith.muli %mul3A_437, %add3A_399 : i32
        %add3A_439 = arith.constant 1 : i32
        %add3A_440 = arith.addi %mul3A_438, %add3A_439 : i32
        %swap3A_441 = arith.index_cast %add3A_440 : i32 to index
        %swap3A_442 = arith.index_cast %mul3A_38 : i32 to index
        %swap3A_443 = tpu.vector_load %arg7[%swap3A_441, %swap3A_442] {strides = array<i32>} : memref<96x400xf32, #tpu.memory_space<vmem>>, vector<16xf32>,
        tpu.vector_store %arg7[%swap3A_441, %swap3A_442], %unpack3A_431 {strides = array<i32>} : memref<96x400xf32, #tpu.memory_space<vmem>>, vector<16xf32>,
      }
      %scan3A_78 = arith.constant 6 : i32
    }
    %scan3A_35 = arith.constant 25 : i32
    "tpu.region"() ({
      %run_scoped3A = tpu.sem_alloc : memref<!tpu.dma_semaphore, #tpu.memory_space<semaphore_mem>>
      %dma_start3A = arith.constant 0 : i32
      %dma_start3A_36 = arith.constant 0 : i32
      %dma_start3A_37 = tpu.memref_slice %arg4[%select_n3A, %select_n3A_30, %dma_start3A, %dma_start3A_36] : memref<4x8x96x400xf32, #tpu.memory_space<hbm>> -> memref<1x1x96x400xf32, #tpu.memory_space<hbm>>
      %dma_start3A_38 = tpu.memref_squeeze %dma_start3A_37 : memref<1x1x96x400xf32, #tpu.memory_space<hbm>> -> memref<96x400xf32, #tpu.memory_space<hbm>>
      %dma_start3A_39 = arith.constant 0 : i32
      %dma_start3A_40 = arith.constant 0 : i32
      %dma_start3A_41 = tpu.memref_slice %arg4[%select_n3A, %select_n3A_30, %dma_start3A_39, %dma_start3A_40] : memref<4x8x96x400xf32, #tpu.memory_space<hbm>> -> memref<1x1x96x400xf32, #tpu.memory_space<hbm>>
      %dma_start3A_42 = tpu.memref_squeeze %dma_start3A_41 : memref<1x1x96x400xf32, #tpu.memory_space<hbm>> -> memref<96x400xf32, #tpu.memory_space<hbm>>
      tpu.enqueue_dma source(%arg7 : memref<96x400xf32, #tpu.memory_space<vmem>>) target(%dma_start3A_42 : memref<96x400xf32, #tpu.memory_space<hbm>>) target_semaphore(%run_scoped3A : memref<!tpu.dma_semaphore, #tpu.memory_space<semaphore_mem>>)
      %dma_wait3A = arith.constant 0 : i32
      %dma_wait3A_43 = arith.constant 0 : i32
      %dma_wait3A_44 = tpu.memref_slice %arg4[%select_n3A, %select_n3A_30, %dma_wait3A, %dma_wait3A_43] : memref<4x8x96x400xf32, #tpu.memory_space<hbm>> -> memref<1x1x96x400xf32, #tpu.memory_space<hbm>>
      %dma_wait3A_45 = tpu.memref_squeeze %dma_wait3A_44 : memref<1x1x96x400xf32, #tpu.memory_space<hbm>> -> memref<96x400xf32, #tpu.memory_space<hbm>>
      %dma_wait3A_46 = arith.constant 0 : i32
      %dma_wait3A_47 = arith.constant 0 : i32
      %dma_wait3A_48 = tpu.memref_slice %arg4[%select_n3A, %select_n3A_30, %dma_wait3A_46, %dma_wait3A_47] : memref<4x8x96x400xf32, #tpu.memory_space<hbm>> -> memref<1x1x96x400xf32, #tpu.memory_space<hbm>>
      %dma_wait3A_49 = tpu.memref_squeeze %dma_wait3A_48 : memref<1x1x96x400xf32, #tpu.memory_space<hbm>> -> memref<96x400xf32, #tpu.memory_space<hbm>>
      tpu.wait_dma2 semaphore(%run_scoped3A : memref<!tpu.dma_semaphore, #tpu.memory_space<semaphore_mem>>) src(%arg7 : memref<96x400xf32, #tpu.memory_space<vmem>>) dst(%dma_wait3A_49 : memref<96x400xf32, #tpu.memory_space<hbm>>)
      tpu.yield
    }) : () -> ()
    return
  }
}

module attributes {stable_mosaic.version = 14 : i64} {
  func.func @_tc1_body(%arg0: i32, %arg1: memref<1x96x3136xf32, #tpu.memory_space<vmem>>, %arg2: memref<96x96xf32, #tpu.memory_space<vmem>>, %arg3: memref<96x1xf32, #tpu.memory_space<vmem>>, %arg4: memref<49x3136xf32, #tpu.memory_space<vmem>>, %arg5: memref<3136x49xf32, #tpu.memory_space<vmem>>, %arg6: memref<1x96x3136xf32, #tpu.memory_space<vmem>>, %arg7: memref<1x48x49xi32, #tpu.memory_space<vmem>>, %arg8: memref<1x8x9x400xi32, #tpu.memory_space<vmem>>) attributes {dimension_semantics = [#tpu.dimension_semantics<arbitrary>], iteration_bounds = array<i64: 4>, scalar_prefetch = 0 : i64, scratch_operands = 0 : i64, tpu.core_type = #tpu.core_type<tc>, window_params = [{transform_indices = @transform_0, window_bounds = array<i64: 1, 96, 3136>}, {pipeline_mode = #tpu.pipeline_mode<synchronous>, transform_indices = @transform_1, window_bounds = array<i64: 96, 96>}, {pipeline_mode = #tpu.pipeline_mode<synchronous>, transform_indices = @transform_2, window_bounds = array<i64: 96, 1>}, {pipeline_mode = #tpu.pipeline_mode<synchronous>, transform_indices = @transform_3, window_bounds = array<i64: 49, 3136>}, {pipeline_mode = #tpu.pipeline_mode<synchronous>, transform_indices = @transform_4, window_bounds = array<i64: 3136, 49>}, {transform_indices = @transform_5, window_bounds = array<i64: 1, 96, 3136>}, {transform_indices = @transform_6, window_bounds = array<i64: 1, 48, 49>}, {transform_indices = @transform_7, window_bounds = array<i64: 1, 8, 9, 400>}]} {
    %get3A = arith.constant 0 : index
    %get3A_0 = arith.constant 0 : index
    %get3A_1 = arith.constant 0 : index
    %get3A_2 = vector.load %arg1[%get3A, %get3A_0, %get3A_1] : memref<1x96x3136xf32, #tpu.memory_space<vmem>>, vector<1x96x3136xf32>
    %get3A_3 = vector.shape_cast %get3A_2 : vector<1x96x3136xf32> to vector<96x3136xf32>
    %get3A_4 = arith.constant 0 : index
    %get3A_5 = arith.constant 0 : index
    %get3A_6 = vector.load %arg2[%get3A_4, %get3A_5] : memref<96x96xf32, #tpu.memory_space<vmem>>, vector<96x96xf32>
    %dot_general3A = arith.constant dense<0.000000e+00> : vector<96x3136xf32>
    %dot_general3A_7 = tpu.matmul %get3A_6, %get3A_3, %dot_general3A {dimension_numbers = #tpu.dot_dimension_numbers<[1], [0], [0], [1], [0, 0, 1, 1], [], []>, transpose_lhs_hint = false} : vector<96x96xf32>, vector<96x3136xf32>, vector<96x3136xf32> -> vector<96x3136xf32>
    %get3A_8 = arith.constant 0 : index
    %get3A_9 = arith.constant 0 : index
    %get3A_10 = vector.load %arg3[%get3A_8, %get3A_9] : memref<96x1xf32, #tpu.memory_space<vmem>>, vector<96x1xf32>
    %add3A = vector.broadcast %get3A_10 : vector<96x1xf32> to vector<96x3136xf32>
    %add3A_11 = arith.addf %dot_general3A_7, %add3A : vector<96x3136xf32>
    %swap3A = arith.constant 0 : index
    %swap3A_12 = arith.constant 0 : index
    %swap3A_13 = arith.constant 0 : index
    %swap3A_14 = vector.load %arg6[%swap3A, %swap3A_12, %swap3A_13] : memref<1x96x3136xf32, #tpu.memory_space<vmem>>, vector<1x96x3136xf32>
    %swap3A_15 = vector.shape_cast %swap3A_14 : vector<1x96x3136xf32> to vector<96x3136xf32>
    %swap3A_16 = vector.shape_cast %add3A_11 : vector<96x3136xf32> to vector<1x96x3136xf32>
    tpu.vector_store %arg6[%swap3A, %swap3A_12, %swap3A_13], %swap3A_16 {strides = array<i32>} : memref<1x96x3136xf32, #tpu.memory_space<vmem>>, vector<1x96x3136xf32>,
    %get3A_17 = arith.constant 0 : index
    %get3A_18 = arith.constant 0 : index
    %get3A_19 = vector.load %arg5[%get3A_17, %get3A_18] : memref<3136x49xf32, #tpu.memory_space<vmem>>, vector<3136x49xf32>
    %dot_general3A_20 = arith.constant dense<0.000000e+00> : vector<96x49xf32>
    %dot_general3A_21 = tpu.matmul %add3A_11, %get3A_19, %dot_general3A_20 {dimension_numbers = #tpu.dot_dimension_numbers<[1], [0], [0], [1], [0, 0, 1, 1], [], []>, transpose_lhs_hint = false} : vector<96x3136xf32>, vector<3136x49xf32>, vector<96x49xf32> -> vector<96x49xf32>
    %convert_element_type3A = arith.truncf %dot_general3A_21 : vector<96x49xf32> to vector<96x49xbf16>
    %reshape3A = vector.shape_cast %convert_element_type3A : vector<96x49xbf16> to vector<48x2x49xbf16>
    %slice3A = vector.extract_strided_slice %reshape3A {offsets = [0, 0, 0], sizes = [48, 1, 49], strides = [1, 1, 1]} : vector<48x2x49xbf16> to vector<48x1x49xbf16>
    %squeeze3A = vector.shape_cast %slice3A : vector<48x1x49xbf16> to vector<48x49xbf16>
    %bitcast_convert_type3A = tpu.bitcast %squeeze3A : vector<48x49xbf16> -> vector<48x49xi16>
    %convert_element_type3A_22 = arith.extui %bitcast_convert_type3A : vector<48x49xi16> to vector<48x49xi32>
    %slice3A_23 = vector.extract_strided_slice %reshape3A {offsets = [0, 1, 0], sizes = [48, 1, 49], strides = [1, 1, 1]} : vector<48x2x49xbf16> to vector<48x1x49xbf16>
    %squeeze3A_24 = vector.shape_cast %slice3A_23 : vector<48x1x49xbf16> to vector<48x49xbf16>
    %bitcast_convert_type3A_25 = tpu.bitcast %squeeze3A_24 : vector<48x49xbf16> -> vector<48x49xi16>
    %convert_element_type3A_26 = arith.extui %bitcast_convert_type3A_25 : vector<48x49xi16> to vector<48x49xi32>
    %shift_left3A = arith.constant 16 : i32
    %shift_left3A_27 = vector.broadcast %shift_left3A : i32 to vector<48x49xi32>
    %shift_left3A_28 = arith.shli %convert_element_type3A_26, %shift_left3A_27 : vector<48x49xi32>
    %or3A = arith.ori %shift_left3A_28, %convert_element_type3A_22 : vector<48x49xi32>
    %bitcast_convert_type3A_29 = tpu.bitcast %or3A : vector<48x49xi32> -> vector<48x49xi32>
    %swap3A_30 = arith.constant 0 : index
    %swap3A_31 = arith.constant 0 : index
    %swap3A_32 = arith.constant 0 : index
    %swap3A_33 = vector.load %arg7[%swap3A_30, %swap3A_31, %swap3A_32] : memref<1x48x49xi32, #tpu.memory_space<vmem>>, vector<1x48x49xi32>
    %swap3A_34 = vector.shape_cast %swap3A_33 : vector<1x48x49xi32> to vector<48x49xi32>
    %swap3A_35 = vector.shape_cast %bitcast_convert_type3A_29 : vector<48x49xi32> to vector<1x48x49xi32>
    tpu.vector_store %arg7[%swap3A_30, %swap3A_31, %swap3A_32], %swap3A_35 {strides = array<i32>} : memref<1x48x49xi32, #tpu.memory_space<vmem>>, vector<1x48x49xi32>,
    %mul3A = arith.mulf %add3A_11, %add3A_11 : vector<96x3136xf32>
    %reduce_sum3A = arith.constant dense<0.000000e+00> : vector<3136xf32>
    %reduce_sum3A_36 = vector.multi_reduction <add>, %mul3A, %reduce_sum3A [0] : vector<96x3136xf32> to vector<3136xf32>
    %broadcast_in_dim3A = vector.shape_cast %reduce_sum3A_36 : vector<3136xf32> to vector<1x3136xf32>
    %sqrt3A = math.sqrt %broadcast_in_dim3A : vector<1x3136xf32>
    %mul3A_37 = arith.mulf %dot_general3A_21, %dot_general3A_21 : vector<96x49xf32>
    %reduce_sum3A_38 = arith.constant dense<0.000000e+00> : vector<49xf32>
    %reduce_sum3A_39 = vector.multi_reduction <add>, %mul3A_37, %reduce_sum3A_38 [0] : vector<96x49xf32> to vector<49xf32>
    %broadcast_in_dim3A_40 = vector.shape_cast %reduce_sum3A_39 : vector<49xf32> to vector<1x49xf32>
    %sqrt3A_41 = math.sqrt %broadcast_in_dim3A_40 : vector<1x49xf32>
    %dot_general3A_42 = arith.constant dense<0.000000e+00> : vector<49x3136xf32>
    %dot_general3A_43 = tpu.matmul %dot_general3A_21, %add3A_11, %dot_general3A_42 {dimension_numbers = #tpu.dot_dimension_numbers<[0], [0], [1], [1], [0, 1, 1, 1], [], []>, transpose_lhs_hint = false} : vector<96x49xf32>, vector<96x3136xf32>, vector<49x3136xf32> -> vector<49x3136xf32>
    %add3A_44 = arith.constant 9.99999996E-13 : f32
    %add3A_45 = vector.broadcast %add3A_44 : f32 to vector<1x3136xf32>
    %add3A_46 = arith.addf %sqrt3A, %add3A_45 : vector<1x3136xf32>
    %div3A = arith.constant 1.000000e+00 : f32
    %div3A_47 = vector.broadcast %div3A : f32 to vector<1x3136xf32>
    %div3A_48 = arith.divf %div3A_47, %add3A_46 : vector<1x3136xf32>
    %add3A_49 = arith.constant 9.99999996E-13 : f32
    %add3A_50 = vector.broadcast %add3A_49 : f32 to vector<1x49xf32>
    %add3A_51 = arith.addf %sqrt3A_41, %add3A_50 : vector<1x49xf32>
    %div3A_52 = arith.constant 1.000000e+00 : f32
    %div3A_53 = vector.broadcast %div3A_52 : f32 to vector<1x49xf32>
    %div3A_54 = arith.divf %div3A_53, %add3A_51 : vector<1x49xf32>
    %mul3A_55 = vector.broadcast %div3A_48 : vector<1x3136xf32> to vector<49x3136xf32>
    %mul3A_56 = arith.mulf %dot_general3A_43, %mul3A_55 : vector<49x3136xf32>
    %reshape3A_57 = vector.shape_cast %div3A_54 : vector<1x49xf32> to vector<49x1xf32>
    %mul3A_58 = vector.broadcast %reshape3A_57 : vector<49x1xf32> to vector<49x3136xf32>
    %mul3A_59 = arith.mulf %mul3A_56, %mul3A_58 : vector<49x3136xf32>
    %mul3A_60 = arith.mulf %sqrt3A, %div3A_48 : vector<1x3136xf32>
    %integer_pow3A = arith.mulf %mul3A_60, %mul3A_60 : vector<1x3136xf32>
    %mul3A_61 = arith.mulf %sqrt3A_41, %div3A_54 : vector<1x49xf32>
    %integer_pow3A_62 = arith.mulf %mul3A_61, %mul3A_61 : vector<1x49xf32>
    %mul3A_63 = arith.constant 2.000000e+00 : f32
    %mul3A_64 = vector.broadcast %mul3A_63 : f32 to vector<49x3136xf32>
    %mul3A_65 = arith.mulf %mul3A_64, %mul3A_59 : vector<49x3136xf32>
    %sub3A = vector.broadcast %integer_pow3A : vector<1x3136xf32> to vector<49x3136xf32>
    %sub3A_66 = arith.subf %mul3A_65, %sub3A : vector<49x3136xf32>
    %reshape3A_67 = vector.shape_cast %integer_pow3A_62 : vector<1x49xf32> to vector<49x1xf32>
    %sub3A_68 = vector.broadcast %reshape3A_67 : vector<49x1xf32> to vector<49x3136xf32>
    %sub3A_69 = arith.subf %sub3A_66, %sub3A_68 : vector<49x3136xf32>
    %get3A_70 = arith.constant 0 : index
    %get3A_71 = arith.constant 0 : index
    %get3A_72 = vector.load %arg4[%get3A_70, %get3A_71] : memref<49x3136xf32, #tpu.memory_space<vmem>>, vector<49x3136xf32>
    %add3A_73 = arith.addf %sub3A_69, %get3A_72 : vector<49x3136xf32>
    %iota3A = tpu.iota {dimensions = array<i32: 0>} : vector<49x3136xi32>
    %reduce_max3A = arith.constant dense<0xFF800000> : vector<3136xf32>
    %reduce_max3A_74 = vector.multi_reduction <maximumf>, %add3A_73, %reduce_max3A [0] : vector<49x3136xf32> to vector<3136xf32>
    %broadcast_in_dim3A_75 = vector.shape_cast %reduce_max3A_74 : vector<3136xf32> to vector<1x3136xf32>
    %ge3A = vector.broadcast %broadcast_in_dim3A_75 : vector<1x3136xf32> to vector<49x3136xf32>
    %ge3A_76 = arith.cmpf oge, %add3A_73, %ge3A : vector<49x3136xf32>
    %jit3A = arith.constant 49 : i32
    %broadcast_in_dim3A_77 = vector.broadcast %jit3A : i32 to vector<49x3136xi32>
    %select_n3A = arith.select %ge3A_76, %iota3A, %broadcast_in_dim3A_77 : vector<49x3136xi1>, vector<49x3136xi32>
    %reduce_min3A = arith.constant dense<2147483647> : vector<3136xi32>
    %reduce_min3A_78 = vector.multi_reduction <minsi>, %select_n3A, %reduce_min3A [0] : vector<49x3136xi32> to vector<3136xi32>
    %broadcast_in_dim3A_79 = vector.shape_cast %reduce_min3A_78 : vector<3136xi32> to vector<1x3136xi32>
    %eq3A = vector.broadcast %broadcast_in_dim3A_79 : vector<1x3136xi32> to vector<49x3136xi32>
    %eq3A_80 = arith.cmpi eq, %iota3A, %eq3A : vector<49x3136xi32>
    %jit3A_81 = arith.constant -3.000000e+38 : f32
    %broadcast_in_dim3A_82 = vector.broadcast %jit3A_81 : f32 to vector<49x3136xf32>
    %select_n3A_83 = arith.select %eq3A_80, %broadcast_in_dim3A_82, %add3A_73 : vector<49x3136xi1>, vector<49x3136xf32>
    %reduce_max3A_84 = arith.constant dense<0xFF800000> : vector<3136xf32>
    %reduce_max3A_85 = vector.multi_reduction <maximumf>, %select_n3A_83, %reduce_max3A_84 [0] : vector<49x3136xf32> to vector<3136xf32>
    %broadcast_in_dim3A_86 = vector.shape_cast %reduce_max3A_85 : vector<3136xf32> to vector<1x3136xf32>
    %ge3A_87 = vector.broadcast %broadcast_in_dim3A_86 : vector<1x3136xf32> to vector<49x3136xf32>
    %ge3A_88 = arith.cmpf oge, %select_n3A_83, %ge3A_87 : vector<49x3136xf32>
    %jit3A_89 = arith.constant 49 : i32
    %broadcast_in_dim3A_90 = vector.broadcast %jit3A_89 : i32 to vector<49x3136xi32>
    %select_n3A_91 = arith.select %ge3A_88, %iota3A, %broadcast_in_dim3A_90 : vector<49x3136xi1>, vector<49x3136xi32>
    %reduce_min3A_92 = arith.constant dense<2147483647> : vector<3136xi32>
    %reduce_min3A_93 = vector.multi_reduction <minsi>, %select_n3A_91, %reduce_min3A_92 [0] : vector<49x3136xi32> to vector<3136xi32>
    %broadcast_in_dim3A_94 = vector.shape_cast %reduce_min3A_93 : vector<3136xi32> to vector<1x3136xi32>
    %eq3A_95 = vector.broadcast %broadcast_in_dim3A_94 : vector<1x3136xi32> to vector<49x3136xi32>
    %eq3A_96 = arith.cmpi eq, %iota3A, %eq3A_95 : vector<49x3136xi32>
    %jit3A_97 = arith.constant -3.000000e+38 : f32
    %broadcast_in_dim3A_98 = vector.broadcast %jit3A_97 : f32 to vector<49x3136xf32>
    %select_n3A_99 = arith.select %eq3A_96, %broadcast_in_dim3A_98, %select_n3A_83 : vector<49x3136xi1>, vector<49x3136xf32>
    %reduce_max3A_100 = arith.constant dense<0xFF800000> : vector<3136xf32>
    %reduce_max3A_101 = vector.multi_reduction <maximumf>, %select_n3A_99, %reduce_max3A_100 [0] : vector<49x3136xf32> to vector<3136xf32>
    %broadcast_in_dim3A_102 = vector.shape_cast %reduce_max3A_101 : vector<3136xf32> to vector<1x3136xf32>
    %ge3A_103 = vector.broadcast %broadcast_in_dim3A_102 : vector<1x3136xf32> to vector<49x3136xf32>
    %ge3A_104 = arith.cmpf oge, %select_n3A_99, %ge3A_103 : vector<49x3136xf32>
    %jit3A_105 = arith.constant 49 : i32
    %broadcast_in_dim3A_106 = vector.broadcast %jit3A_105 : i32 to vector<49x3136xi32>
    %select_n3A_107 = arith.select %ge3A_104, %iota3A, %broadcast_in_dim3A_106 : vector<49x3136xi1>, vector<49x3136xi32>
    %reduce_min3A_108 = arith.constant dense<2147483647> : vector<3136xi32>
    %reduce_min3A_109 = vector.multi_reduction <minsi>, %select_n3A_107, %reduce_min3A_108 [0] : vector<49x3136xi32> to vector<3136xi32>
    %broadcast_in_dim3A_110 = vector.shape_cast %reduce_min3A_109 : vector<3136xi32> to vector<1x3136xi32>
    %eq3A_111 = vector.broadcast %broadcast_in_dim3A_110 : vector<1x3136xi32> to vector<49x3136xi32>
    %eq3A_112 = arith.cmpi eq, %iota3A, %eq3A_111 : vector<49x3136xi32>
    %jit3A_113 = arith.constant -3.000000e+38 : f32
    %broadcast_in_dim3A_114 = vector.broadcast %jit3A_113 : f32 to vector<49x3136xf32>
    %select_n3A_115 = arith.select %eq3A_112, %broadcast_in_dim3A_114, %select_n3A_99 : vector<49x3136xi1>, vector<49x3136xf32>
    %reduce_max3A_116 = arith.constant dense<0xFF800000> : vector<3136xf32>
    %reduce_max3A_117 = vector.multi_reduction <maximumf>, %select_n3A_115, %reduce_max3A_116 [0] : vector<49x3136xf32> to vector<3136xf32>
    %broadcast_in_dim3A_118 = vector.shape_cast %reduce_max3A_117 : vector<3136xf32> to vector<1x3136xf32>
    %ge3A_119 = vector.broadcast %broadcast_in_dim3A_118 : vector<1x3136xf32> to vector<49x3136xf32>
    %ge3A_120 = arith.cmpf oge, %select_n3A_115, %ge3A_119 : vector<49x3136xf32>
    %jit3A_121 = arith.constant 49 : i32
    %broadcast_in_dim3A_122 = vector.broadcast %jit3A_121 : i32 to vector<49x3136xi32>
    %select_n3A_123 = arith.select %ge3A_120, %iota3A, %broadcast_in_dim3A_122 : vector<49x3136xi1>, vector<49x3136xi32>
    %reduce_min3A_124 = arith.constant dense<2147483647> : vector<3136xi32>
    %reduce_min3A_125 = vector.multi_reduction <minsi>, %select_n3A_123, %reduce_min3A_124 [0] : vector<49x3136xi32> to vector<3136xi32>
    %broadcast_in_dim3A_126 = vector.shape_cast %reduce_min3A_125 : vector<3136xi32> to vector<1x3136xi32>
    %eq3A_127 = vector.broadcast %broadcast_in_dim3A_126 : vector<1x3136xi32> to vector<49x3136xi32>
    %eq3A_128 = arith.cmpi eq, %iota3A, %eq3A_127 : vector<49x3136xi32>
    %jit3A_129 = arith.constant -3.000000e+38 : f32
    %broadcast_in_dim3A_130 = vector.broadcast %jit3A_129 : f32 to vector<49x3136xf32>
    %select_n3A_131 = arith.select %eq3A_128, %broadcast_in_dim3A_130, %select_n3A_115 : vector<49x3136xi1>, vector<49x3136xf32>
    %reduce_max3A_132 = arith.constant dense<0xFF800000> : vector<3136xf32>
    %reduce_max3A_133 = vector.multi_reduction <maximumf>, %select_n3A_131, %reduce_max3A_132 [0] : vector<49x3136xf32> to vector<3136xf32>
    %broadcast_in_dim3A_134 = vector.shape_cast %reduce_max3A_133 : vector<3136xf32> to vector<1x3136xf32>
    %ge3A_135 = vector.broadcast %broadcast_in_dim3A_134 : vector<1x3136xf32> to vector<49x3136xf32>
    %ge3A_136 = arith.cmpf oge, %select_n3A_131, %ge3A_135 : vector<49x3136xf32>
    %jit3A_137 = arith.constant 49 : i32
    %broadcast_in_dim3A_138 = vector.broadcast %jit3A_137 : i32 to vector<49x3136xi32>
    %select_n3A_139 = arith.select %ge3A_136, %iota3A, %broadcast_in_dim3A_138 : vector<49x3136xi1>, vector<49x3136xi32>
    %reduce_min3A_140 = arith.constant dense<2147483647> : vector<3136xi32>
    %reduce_min3A_141 = vector.multi_reduction <minsi>, %select_n3A_139, %reduce_min3A_140 [0] : vector<49x3136xi32> to vector<3136xi32>
    %broadcast_in_dim3A_142 = vector.shape_cast %reduce_min3A_141 : vector<3136xi32> to vector<1x3136xi32>
    %eq3A_143 = vector.broadcast %broadcast_in_dim3A_142 : vector<1x3136xi32> to vector<49x3136xi32>
    %eq3A_144 = arith.cmpi eq, %iota3A, %eq3A_143 : vector<49x3136xi32>
    %jit3A_145 = arith.constant -3.000000e+38 : f32
    %broadcast_in_dim3A_146 = vector.broadcast %jit3A_145 : f32 to vector<49x3136xf32>
    %select_n3A_147 = arith.select %eq3A_144, %broadcast_in_dim3A_146, %select_n3A_131 : vector<49x3136xi1>, vector<49x3136xf32>
    %reduce_max3A_148 = arith.constant dense<0xFF800000> : vector<3136xf32>
    %reduce_max3A_149 = vector.multi_reduction <maximumf>, %select_n3A_147, %reduce_max3A_148 [0] : vector<49x3136xf32> to vector<3136xf32>
    %broadcast_in_dim3A_150 = vector.shape_cast %reduce_max3A_149 : vector<3136xf32> to vector<1x3136xf32>
    %ge3A_151 = vector.broadcast %broadcast_in_dim3A_150 : vector<1x3136xf32> to vector<49x3136xf32>
    %ge3A_152 = arith.cmpf oge, %select_n3A_147, %ge3A_151 : vector<49x3136xf32>
    %jit3A_153 = arith.constant 49 : i32
    %broadcast_in_dim3A_154 = vector.broadcast %jit3A_153 : i32 to vector<49x3136xi32>
    %select_n3A_155 = arith.select %ge3A_152, %iota3A, %broadcast_in_dim3A_154 : vector<49x3136xi1>, vector<49x3136xi32>
    %reduce_min3A_156 = arith.constant dense<2147483647> : vector<3136xi32>
    %reduce_min3A_157 = vector.multi_reduction <minsi>, %select_n3A_155, %reduce_min3A_156 [0] : vector<49x3136xi32> to vector<3136xi32>
    %broadcast_in_dim3A_158 = vector.shape_cast %reduce_min3A_157 : vector<3136xi32> to vector<1x3136xi32>
    %eq3A_159 = vector.broadcast %broadcast_in_dim3A_158 : vector<1x3136xi32> to vector<49x3136xi32>
    %eq3A_160 = arith.cmpi eq, %iota3A, %eq3A_159 : vector<49x3136xi32>
    %jit3A_161 = arith.constant -3.000000e+38 : f32
    %broadcast_in_dim3A_162 = vector.broadcast %jit3A_161 : f32 to vector<49x3136xf32>
    %select_n3A_163 = arith.select %eq3A_160, %broadcast_in_dim3A_162, %select_n3A_147 : vector<49x3136xi1>, vector<49x3136xf32>
    %reduce_max3A_164 = arith.constant dense<0xFF800000> : vector<3136xf32>
    %reduce_max3A_165 = vector.multi_reduction <maximumf>, %select_n3A_163, %reduce_max3A_164 [0] : vector<49x3136xf32> to vector<3136xf32>
    %broadcast_in_dim3A_166 = vector.shape_cast %reduce_max3A_165 : vector<3136xf32> to vector<1x3136xf32>
    %ge3A_167 = vector.broadcast %broadcast_in_dim3A_166 : vector<1x3136xf32> to vector<49x3136xf32>
    %ge3A_168 = arith.cmpf oge, %select_n3A_163, %ge3A_167 : vector<49x3136xf32>
    %jit3A_169 = arith.constant 49 : i32
    %broadcast_in_dim3A_170 = vector.broadcast %jit3A_169 : i32 to vector<49x3136xi32>
    %select_n3A_171 = arith.select %ge3A_168, %iota3A, %broadcast_in_dim3A_170 : vector<49x3136xi1>, vector<49x3136xi32>
    %reduce_min3A_172 = arith.constant dense<2147483647> : vector<3136xi32>
    %reduce_min3A_173 = vector.multi_reduction <minsi>, %select_n3A_171, %reduce_min3A_172 [0] : vector<49x3136xi32> to vector<3136xi32>
    %broadcast_in_dim3A_174 = vector.shape_cast %reduce_min3A_173 : vector<3136xi32> to vector<1x3136xi32>
    %eq3A_175 = vector.broadcast %broadcast_in_dim3A_174 : vector<1x3136xi32> to vector<49x3136xi32>
    %eq3A_176 = arith.cmpi eq, %iota3A, %eq3A_175 : vector<49x3136xi32>
    %jit3A_177 = arith.constant -3.000000e+38 : f32
    %broadcast_in_dim3A_178 = vector.broadcast %jit3A_177 : f32 to vector<49x3136xf32>
    %select_n3A_179 = arith.select %eq3A_176, %broadcast_in_dim3A_178, %select_n3A_163 : vector<49x3136xi1>, vector<49x3136xf32>
    %reduce_max3A_180 = arith.constant dense<0xFF800000> : vector<3136xf32>
    %reduce_max3A_181 = vector.multi_reduction <maximumf>, %select_n3A_179, %reduce_max3A_180 [0] : vector<49x3136xf32> to vector<3136xf32>
    %broadcast_in_dim3A_182 = vector.shape_cast %reduce_max3A_181 : vector<3136xf32> to vector<1x3136xf32>
    %ge3A_183 = vector.broadcast %broadcast_in_dim3A_182 : vector<1x3136xf32> to vector<49x3136xf32>
    %ge3A_184 = arith.cmpf oge, %select_n3A_179, %ge3A_183 : vector<49x3136xf32>
    %jit3A_185 = arith.constant 49 : i32
    %broadcast_in_dim3A_186 = vector.broadcast %jit3A_185 : i32 to vector<49x3136xi32>
    %select_n3A_187 = arith.select %ge3A_184, %iota3A, %broadcast_in_dim3A_186 : vector<49x3136xi1>, vector<49x3136xi32>
    %reduce_min3A_188 = arith.constant dense<2147483647> : vector<3136xi32>
    %reduce_min3A_189 = vector.multi_reduction <minsi>, %select_n3A_187, %reduce_min3A_188 [0] : vector<49x3136xi32> to vector<3136xi32>
    %broadcast_in_dim3A_190 = vector.shape_cast %reduce_min3A_189 : vector<3136xi32> to vector<1x3136xi32>
    %eq3A_191 = vector.broadcast %broadcast_in_dim3A_190 : vector<1x3136xi32> to vector<49x3136xi32>
    %eq3A_192 = arith.cmpi eq, %iota3A, %eq3A_191 : vector<49x3136xi32>
    %jit3A_193 = arith.constant -3.000000e+38 : f32
    %broadcast_in_dim3A_194 = vector.broadcast %jit3A_193 : f32 to vector<49x3136xf32>
    %select_n3A_195 = arith.select %eq3A_192, %broadcast_in_dim3A_194, %select_n3A_179 : vector<49x3136xi1>, vector<49x3136xf32>
    %reduce_max3A_196 = arith.constant dense<0xFF800000> : vector<3136xf32>
    %reduce_max3A_197 = vector.multi_reduction <maximumf>, %select_n3A_195, %reduce_max3A_196 [0] : vector<49x3136xf32> to vector<3136xf32>
    %broadcast_in_dim3A_198 = vector.shape_cast %reduce_max3A_197 : vector<3136xf32> to vector<1x3136xf32>
    %ge3A_199 = vector.broadcast %broadcast_in_dim3A_198 : vector<1x3136xf32> to vector<49x3136xf32>
    %ge3A_200 = arith.cmpf oge, %select_n3A_195, %ge3A_199 : vector<49x3136xf32>
    %jit3A_201 = arith.constant 49 : i32
    %broadcast_in_dim3A_202 = vector.broadcast %jit3A_201 : i32 to vector<49x3136xi32>
    %select_n3A_203 = arith.select %ge3A_200, %iota3A, %broadcast_in_dim3A_202 : vector<49x3136xi1>, vector<49x3136xi32>
    %reduce_min3A_204 = arith.constant dense<2147483647> : vector<3136xi32>
    %reduce_min3A_205 = vector.multi_reduction <minsi>, %select_n3A_203, %reduce_min3A_204 [0] : vector<49x3136xi32> to vector<3136xi32>
    %broadcast_in_dim3A_206 = vector.shape_cast %reduce_min3A_205 : vector<3136xi32> to vector<1x3136xi32>
    %concatenate3A = tpu.concatenate %broadcast_in_dim3A_79, %broadcast_in_dim3A_94, %broadcast_in_dim3A_110, %broadcast_in_dim3A_126, %broadcast_in_dim3A_142, %broadcast_in_dim3A_158, %broadcast_in_dim3A_174, %broadcast_in_dim3A_190, %broadcast_in_dim3A_206 in 0 : vector<1x3136xi32>, vector<1x3136xi32>, vector<1x3136xi32>, vector<1x3136xi32>, vector<1x3136xi32>, vector<1x3136xi32>, vector<1x3136xi32>, vector<1x3136xi32>, vector<1x3136xi32> -> vector<9x3136xi32>
    %broadcast_in_dim3A_207 = arith.constant 0 : i32
    %broadcast_in_dim3A_208 = vector.broadcast %broadcast_in_dim3A_207 : i32 to vector<9x8xi32>
    %slice3A_209 = vector.extract_strided_slice %concatenate3A {offsets = [0, 0], sizes = [9, 392], strides = [1, 1]} : vector<9x3136xi32> to vector<9x392xi32>
    %concatenate3A_210 = tpu.concatenate %slice3A_209, %broadcast_in_dim3A_208 in 1 : vector<9x392xi32>, vector<9x8xi32> -> vector<9x400xi32>
    %swap3A_211 = arith.constant 0 : index
    %swap3A_212 = arith.constant 0 : index
    %swap3A_213 = arith.constant 0 : index
    %swap3A_214 = arith.constant 0 : index
    %swap3A_215 = vector.load %arg8[%swap3A_211, %swap3A_212, %swap3A_213, %swap3A_214] : memref<1x8x9x400xi32, #tpu.memory_space<vmem>>, vector<1x1x9x400xi32>
    %swap3A_216 = vector.shape_cast %swap3A_215 : vector<1x1x9x400xi32> to vector<9x400xi32>
    %swap3A_217 = vector.shape_cast %concatenate3A_210 : vector<9x400xi32> to vector<1x1x9x400xi32>
    tpu.vector_store %arg8[%swap3A_211, %swap3A_212, %swap3A_213, %swap3A_214], %swap3A_217 {strides = array<i32>} : memref<1x8x9x400xi32, #tpu.memory_space<vmem>>, vector<1x1x9x400xi32>,
    %slice3A_218 = vector.extract_strided_slice %concatenate3A {offsets = [0, 392], sizes = [9, 392], strides = [1, 1]} : vector<9x3136xi32> to vector<9x392xi32>
    %concatenate3A_219 = tpu.concatenate %slice3A_218, %broadcast_in_dim3A_208 in 1 : vector<9x392xi32>, vector<9x8xi32> -> vector<9x400xi32>
    %swap3A_220 = arith.constant 0 : index
    %swap3A_221 = arith.constant 1 : index
    %swap3A_222 = arith.constant 0 : index
    %swap3A_223 = arith.constant 0 : index
    %swap3A_224 = vector.load %arg8[%swap3A_220, %swap3A_221, %swap3A_222, %swap3A_223] : memref<1x8x9x400xi32, #tpu.memory_space<vmem>>, vector<1x1x9x400xi32>
    %swap3A_225 = vector.shape_cast %swap3A_224 : vector<1x1x9x400xi32> to vector<9x400xi32>
    %swap3A_226 = vector.shape_cast %concatenate3A_219 : vector<9x400xi32> to vector<1x1x9x400xi32>
    tpu.vector_store %arg8[%swap3A_220, %swap3A_221, %swap3A_222, %swap3A_223], %swap3A_226 {strides = array<i32>} : memref<1x8x9x400xi32, #tpu.memory_space<vmem>>, vector<1x1x9x400xi32>,
    %slice3A_227 = vector.extract_strided_slice %concatenate3A {offsets = [0, 784], sizes = [9, 392], strides = [1, 1]} : vector<9x3136xi32> to vector<9x392xi32>
    %concatenate3A_228 = tpu.concatenate %slice3A_227, %broadcast_in_dim3A_208 in 1 : vector<9x392xi32>, vector<9x8xi32> -> vector<9x400xi32>
    %swap3A_229 = arith.constant 0 : index
    %swap3A_230 = arith.constant 2 : index
    %swap3A_231 = arith.constant 0 : index
    %swap3A_232 = arith.constant 0 : index
    %swap3A_233 = vector.load %arg8[%swap3A_229, %swap3A_230, %swap3A_231, %swap3A_232] : memref<1x8x9x400xi32, #tpu.memory_space<vmem>>, vector<1x1x9x400xi32>
    %swap3A_234 = vector.shape_cast %swap3A_233 : vector<1x1x9x400xi32> to vector<9x400xi32>
    %swap3A_235 = vector.shape_cast %concatenate3A_228 : vector<9x400xi32> to vector<1x1x9x400xi32>
    tpu.vector_store %arg8[%swap3A_229, %swap3A_230, %swap3A_231, %swap3A_232], %swap3A_235 {strides = array<i32>} : memref<1x8x9x400xi32, #tpu.memory_space<vmem>>, vector<1x1x9x400xi32>,
    %slice3A_236 = vector.extract_strided_slice %concatenate3A {offsets = [0, 1176], sizes = [9, 392], strides = [1, 1]} : vector<9x3136xi32> to vector<9x392xi32>
    %concatenate3A_237 = tpu.concatenate %slice3A_236, %broadcast_in_dim3A_208 in 1 : vector<9x392xi32>, vector<9x8xi32> -> vector<9x400xi32>
    %swap3A_238 = arith.constant 0 : index
    %swap3A_239 = arith.constant 3 : index
    %swap3A_240 = arith.constant 0 : index
    %swap3A_241 = arith.constant 0 : index
    %swap3A_242 = vector.load %arg8[%swap3A_238, %swap3A_239, %swap3A_240, %swap3A_241] : memref<1x8x9x400xi32, #tpu.memory_space<vmem>>, vector<1x1x9x400xi32>
    %swap3A_243 = vector.shape_cast %swap3A_242 : vector<1x1x9x400xi32> to vector<9x400xi32>
    %swap3A_244 = vector.shape_cast %concatenate3A_237 : vector<9x400xi32> to vector<1x1x9x400xi32>
    tpu.vector_store %arg8[%swap3A_238, %swap3A_239, %swap3A_240, %swap3A_241], %swap3A_244 {strides = array<i32>} : memref<1x8x9x400xi32, #tpu.memory_space<vmem>>, vector<1x1x9x400xi32>,
    %slice3A_245 = vector.extract_strided_slice %concatenate3A {offsets = [0, 1568], sizes = [9, 392], strides = [1, 1]} : vector<9x3136xi32> to vector<9x392xi32>
    %concatenate3A_246 = tpu.concatenate %slice3A_245, %broadcast_in_dim3A_208 in 1 : vector<9x392xi32>, vector<9x8xi32> -> vector<9x400xi32>
    %swap3A_247 = arith.constant 0 : index
    %swap3A_248 = arith.constant 4 : index
    %swap3A_249 = arith.constant 0 : index
    %swap3A_250 = arith.constant 0 : index
    %swap3A_251 = vector.load %arg8[%swap3A_247, %swap3A_248, %swap3A_249, %swap3A_250] : memref<1x8x9x400xi32, #tpu.memory_space<vmem>>, vector<1x1x9x400xi32>
    %swap3A_252 = vector.shape_cast %swap3A_251 : vector<1x1x9x400xi32> to vector<9x400xi32>
    %swap3A_253 = vector.shape_cast %concatenate3A_246 : vector<9x400xi32> to vector<1x1x9x400xi32>
    tpu.vector_store %arg8[%swap3A_247, %swap3A_248, %swap3A_249, %swap3A_250], %swap3A_253 {strides = array<i32>} : memref<1x8x9x400xi32, #tpu.memory_space<vmem>>, vector<1x1x9x400xi32>,
    %slice3A_254 = vector.extract_strided_slice %concatenate3A {offsets = [0, 1960], sizes = [9, 392], strides = [1, 1]} : vector<9x3136xi32> to vector<9x392xi32>
    %concatenate3A_255 = tpu.concatenate %slice3A_254, %broadcast_in_dim3A_208 in 1 : vector<9x392xi32>, vector<9x8xi32> -> vector<9x400xi32>
    %swap3A_256 = arith.constant 0 : index
    %swap3A_257 = arith.constant 5 : index
    %swap3A_258 = arith.constant 0 : index
    %swap3A_259 = arith.constant 0 : index
    %swap3A_260 = vector.load %arg8[%swap3A_256, %swap3A_257, %swap3A_258, %swap3A_259] : memref<1x8x9x400xi32, #tpu.memory_space<vmem>>, vector<1x1x9x400xi32>
    %swap3A_261 = vector.shape_cast %swap3A_260 : vector<1x1x9x400xi32> to vector<9x400xi32>
    %swap3A_262 = vector.shape_cast %concatenate3A_255 : vector<9x400xi32> to vector<1x1x9x400xi32>
    tpu.vector_store %arg8[%swap3A_256, %swap3A_257, %swap3A_258, %swap3A_259], %swap3A_262 {strides = array<i32>} : memref<1x8x9x400xi32, #tpu.memory_space<vmem>>, vector<1x1x9x400xi32>,
    %slice3A_263 = vector.extract_strided_slice %concatenate3A {offsets = [0, 2352], sizes = [9, 392], strides = [1, 1]} : vector<9x3136xi32> to vector<9x392xi32>
    %concatenate3A_264 = tpu.concatenate %slice3A_263, %broadcast_in_dim3A_208 in 1 : vector<9x392xi32>, vector<9x8xi32> -> vector<9x400xi32>
    %swap3A_265 = arith.constant 0 : index
    %swap3A_266 = arith.constant 6 : index
    %swap3A_267 = arith.constant 0 : index
    %swap3A_268 = arith.constant 0 : index
    %swap3A_269 = vector.load %arg8[%swap3A_265, %swap3A_266, %swap3A_267, %swap3A_268] : memref<1x8x9x400xi32, #tpu.memory_space<vmem>>, vector<1x1x9x400xi32>
    %swap3A_270 = vector.shape_cast %swap3A_269 : vector<1x1x9x400xi32> to vector<9x400xi32>
    %swap3A_271 = vector.shape_cast %concatenate3A_264 : vector<9x400xi32> to vector<1x1x9x400xi32>
    tpu.vector_store %arg8[%swap3A_265, %swap3A_266, %swap3A_267, %swap3A_268], %swap3A_271 {strides = array<i32>} : memref<1x8x9x400xi32, #tpu.memory_space<vmem>>, vector<1x1x9x400xi32>,
    %slice3A_272 = vector.extract_strided_slice %concatenate3A {offsets = [0, 2744], sizes = [9, 392], strides = [1, 1]} : vector<9x3136xi32> to vector<9x392xi32>
    %concatenate3A_273 = tpu.concatenate %slice3A_272, %broadcast_in_dim3A_208 in 1 : vector<9x392xi32>, vector<9x8xi32> -> vector<9x400xi32>
    %swap3A_274 = arith.constant 0 : index
    %swap3A_275 = arith.constant 7 : index
    %swap3A_276 = arith.constant 0 : index
    %swap3A_277 = arith.constant 0 : index
    %swap3A_278 = vector.load %arg8[%swap3A_274, %swap3A_275, %swap3A_276, %swap3A_277] : memref<1x8x9x400xi32, #tpu.memory_space<vmem>>, vector<1x1x9x400xi32>
    %swap3A_279 = vector.shape_cast %swap3A_278 : vector<1x1x9x400xi32> to vector<9x400xi32>
    %swap3A_280 = vector.shape_cast %concatenate3A_273 : vector<9x400xi32> to vector<1x1x9x400xi32>
    tpu.vector_store %arg8[%swap3A_274, %swap3A_275, %swap3A_276, %swap3A_277], %swap3A_280 {strides = array<i32>} : memref<1x8x9x400xi32, #tpu.memory_space<vmem>>, vector<1x1x9x400xi32>,
    return
  }
  func.func @transform_0(%arg0: i32) -> (i32, i32, i32) {
    %add3A = arith.constant 0 : i32
    %add3A_0 = arith.addi %arg0, %add3A : i32
    %c0_i32 = arith.constant 0 : i32
    %c0_i32_1 = arith.constant 0 : i32
    %c0_i32_2 = arith.constant 0 : i32
    return %add3A_0, %c0_i32, %c0_i32_1 : i32, i32, i32
  }
  func.func @transform_1(%arg0: i32) -> (i32, i32) {
    %c0_i32 = arith.constant 0 : i32
    %c0_i32_0 = arith.constant 0 : i32
    %c0_i32_1 = arith.constant 0 : i32
    return %c0_i32, %c0_i32_0 : i32, i32
  }
  func.func @transform_2(%arg0: i32) -> (i32, i32) {
    %c0_i32 = arith.constant 0 : i32
    %c0_i32_0 = arith.constant 0 : i32
    %c0_i32_1 = arith.constant 0 : i32
    return %c0_i32, %c0_i32_0 : i32, i32
  }
  func.func @transform_3(%arg0: i32) -> (i32, i32) {
    %c0_i32 = arith.constant 0 : i32
    %c0_i32_0 = arith.constant 0 : i32
    %c0_i32_1 = arith.constant 0 : i32
    return %c0_i32, %c0_i32_0 : i32, i32
  }
  func.func @transform_4(%arg0: i32) -> (i32, i32) {
    %c0_i32 = arith.constant 0 : i32
    %c0_i32_0 = arith.constant 0 : i32
    %c0_i32_1 = arith.constant 0 : i32
    return %c0_i32, %c0_i32_0 : i32, i32
  }
  func.func @transform_5(%arg0: i32) -> (i32, i32, i32) {
    %c0_i32 = arith.constant 0 : i32
    %c0_i32_0 = arith.constant 0 : i32
    %c0_i32_1 = arith.constant 0 : i32
    return %arg0, %c0_i32, %c0_i32_0 : i32, i32, i32
  }
  func.func @transform_6(%arg0: i32) -> (i32, i32, i32) {
    %c0_i32 = arith.constant 0 : i32
    %c0_i32_0 = arith.constant 0 : i32
    %c0_i32_1 = arith.constant 0 : i32
    return %arg0, %c0_i32, %c0_i32_0 : i32, i32, i32
  }
  func.func @transform_7(%arg0: i32) -> (i32, i32, i32, i32) {
    %c0_i32 = arith.constant 0 : i32
    %c0_i32_0 = arith.constant 0 : i32
    %c0_i32_1 = arith.constant 0 : i32
    %c0_i32_2 = arith.constant 0 : i32
    return %arg0, %c0_i32, %c0_i32_0, %c0_i32_1 : i32, i32, i32, i32
  }
}

module attributes {stable_mosaic.version = 14 : i64} {
  func.func @_tc2a_body(%arg0: i32, %arg1: memref<1x96x3136xf32, #tpu.memory_space<vmem>>, %arg2: memref<1x8x96x400xf32, #tpu.memory_space<vmem>>, %arg3: memref<1x96x3136xf32, #tpu.memory_space<vmem>>, %arg4: memref<192x192xf32, #tpu.memory_space<vmem>>, %arg5: memref<192x1xf32, #tpu.memory_space<vmem>>, %arg6: memref<192x1xf32, #tpu.memory_space<vmem>>, %arg7: memref<192x1xf32, #tpu.memory_space<vmem>>, %arg8: memref<96x192xf32, #tpu.memory_space<vmem>>, %arg9: memref<96x1xf32, #tpu.memory_space<vmem>>, %arg10: memref<1x96x3136xf32, #tpu.memory_space<vmem>>) attributes {dimension_semantics = [#tpu.dimension_semantics<arbitrary>], iteration_bounds = array<i64: 4>, scalar_prefetch = 0 : i64, scratch_operands = 0 : i64, tpu.core_type = #tpu.core_type<tc>, window_params = [{transform_indices = @transform_0, window_bounds = array<i64: 1, 96, 3136>}, {transform_indices = @transform_1, window_bounds = array<i64: 1, 8, 96, 400>}, {transform_indices = @transform_2, window_bounds = array<i64: 1, 96, 3136>}, {pipeline_mode = #tpu.pipeline_mode<synchronous>, transform_indices = @transform_3, window_bounds = array<i64: 192, 192>}, {pipeline_mode = #tpu.pipeline_mode<synchronous>, transform_indices = @transform_4, window_bounds = array<i64: 192, 1>}, {pipeline_mode = #tpu.pipeline_mode<synchronous>, transform_indices = @transform_5, window_bounds = array<i64: 192, 1>}, {pipeline_mode = #tpu.pipeline_mode<synchronous>, transform_indices = @transform_6, window_bounds = array<i64: 192, 1>}, {pipeline_mode = #tpu.pipeline_mode<synchronous>, transform_indices = @transform_7, window_bounds = array<i64: 96, 192>}, {pipeline_mode = #tpu.pipeline_mode<synchronous>, transform_indices = @transform_8, window_bounds = array<i64: 96, 1>}, {transform_indices = @transform_9, window_bounds = array<i64: 1, 96, 3136>}]} {
    %get3A = arith.constant 0 : index
    %get3A_0 = arith.constant 0 : index
    %get3A_1 = arith.constant 0 : index
    %get3A_2 = vector.load %arg1[%get3A, %get3A_0, %get3A_1] : memref<1x96x3136xf32, #tpu.memory_space<vmem>>, vector<1x96x3136xf32>
    %get3A_3 = vector.shape_cast %get3A_2 : vector<1x96x3136xf32> to vector<96x3136xf32>
    %get3A_4 = arith.constant 0 : index
    %get3A_5 = arith.constant 0 : index
    %get3A_6 = arith.constant 0 : index
    %get3A_7 = vector.load %arg3[%get3A_4, %get3A_5, %get3A_6] : memref<1x96x3136xf32, #tpu.memory_space<vmem>>, vector<1x96x3136xf32>
    %get3A_8 = vector.shape_cast %get3A_7 : vector<1x96x3136xf32> to vector<96x3136xf32>
    %get3A_9 = arith.constant 0 : index
    %get3A_10 = arith.constant 0 : index
    %get3A_11 = arith.constant 0 : index
    %get3A_12 = arith.constant 0 : index
    %get3A_13 = vector.load %arg2[%get3A_9, %get3A_10, %get3A_11, %get3A_12] : memref<1x8x96x400xf32, #tpu.memory_space<vmem>>, vector<1x1x96x392xf32>
    %get3A_14 = vector.shape_cast %get3A_13 : vector<1x1x96x392xf32> to vector<96x392xf32>
    %get3A_15 = arith.constant 0 : index
    %get3A_16 = arith.constant 1 : index
    %get3A_17 = arith.constant 0 : index
    %get3A_18 = arith.constant 0 : index
    %get3A_19 = vector.load %arg2[%get3A_15, %get3A_16, %get3A_17, %get3A_18] : memref<1x8x96x400xf32, #tpu.memory_space<vmem>>, vector<1x1x96x392xf32>
    %get3A_20 = vector.shape_cast %get3A_19 : vector<1x1x96x392xf32> to vector<96x392xf32>
    %get3A_21 = arith.constant 0 : index
    %get3A_22 = arith.constant 2 : index
    %get3A_23 = arith.constant 0 : index
    %get3A_24 = arith.constant 0 : index
    %get3A_25 = vector.load %arg2[%get3A_21, %get3A_22, %get3A_23, %get3A_24] : memref<1x8x96x400xf32, #tpu.memory_space<vmem>>, vector<1x1x96x392xf32>
    %get3A_26 = vector.shape_cast %get3A_25 : vector<1x1x96x392xf32> to vector<96x392xf32>
    %get3A_27 = arith.constant 0 : index
    %get3A_28 = arith.constant 3 : index
    %get3A_29 = arith.constant 0 : index
    %get3A_30 = arith.constant 0 : index
    %get3A_31 = vector.load %arg2[%get3A_27, %get3A_28, %get3A_29, %get3A_30] : memref<1x8x96x400xf32, #tpu.memory_space<vmem>>, vector<1x1x96x392xf32>
    %get3A_32 = vector.shape_cast %get3A_31 : vector<1x1x96x392xf32> to vector<96x392xf32>
    %get3A_33 = arith.constant 0 : index
    %get3A_34 = arith.constant 4 : index
    %get3A_35 = arith.constant 0 : index
    %get3A_36 = arith.constant 0 : index
    %get3A_37 = vector.load %arg2[%get3A_33, %get3A_34, %get3A_35, %get3A_36] : memref<1x8x96x400xf32, #tpu.memory_space<vmem>>, vector<1x1x96x392xf32>
    %get3A_38 = vector.shape_cast %get3A_37 : vector<1x1x96x392xf32> to vector<96x392xf32>
    %get3A_39 = arith.constant 0 : index
    %get3A_40 = arith.constant 5 : index
    %get3A_41 = arith.constant 0 : index
    %get3A_42 = arith.constant 0 : index
    %get3A_43 = vector.load %arg2[%get3A_39, %get3A_40, %get3A_41, %get3A_42] : memref<1x8x96x400xf32, #tpu.memory_space<vmem>>, vector<1x1x96x392xf32>
    %get3A_44 = vector.shape_cast %get3A_43 : vector<1x1x96x392xf32> to vector<96x392xf32>
    %get3A_45 = arith.constant 0 : index
    %get3A_46 = arith.constant 6 : index
    %get3A_47 = arith.constant 0 : index
    %get3A_48 = arith.constant 0 : index
    %get3A_49 = vector.load %arg2[%get3A_45, %get3A_46, %get3A_47, %get3A_48] : memref<1x8x96x400xf32, #tpu.memory_space<vmem>>, vector<1x1x96x392xf32>
    %get3A_50 = vector.shape_cast %get3A_49 : vector<1x1x96x392xf32> to vector<96x392xf32>
    %get3A_51 = arith.constant 0 : index
    %get3A_52 = arith.constant 7 : index
    %get3A_53 = arith.constant 0 : index
    %get3A_54 = arith.constant 0 : index
    %get3A_55 = vector.load %arg2[%get3A_51, %get3A_52, %get3A_53, %get3A_54] : memref<1x8x96x400xf32, #tpu.memory_space<vmem>>, vector<1x1x96x392xf32>
    %get3A_56 = vector.shape_cast %get3A_55 : vector<1x1x96x392xf32> to vector<96x392xf32>
    %concatenate3A = tpu.concatenate %get3A_14, %get3A_20, %get3A_26, %get3A_32, %get3A_38, %get3A_44, %get3A_50, %get3A_56 in 1 : vector<96x392xf32>, vector<96x392xf32>, vector<96x392xf32>, vector<96x392xf32>, vector<96x392xf32>, vector<96x392xf32>, vector<96x392xf32>, vector<96x392xf32> -> vector<96x3136xf32>
    %sub3A = arith.subf %concatenate3A, %get3A_3 : vector<96x3136xf32>
    %concatenate3A_57 = tpu.concatenate %get3A_3, %sub3A in 0 : vector<96x3136xf32>, vector<96x3136xf32> -> vector<192x3136xf32>
    %get3A_58 = arith.constant 0 : index
    %get3A_59 = arith.constant 0 : index
    %get3A_60 = vector.load %arg4[%get3A_58, %get3A_59] : memref<192x192xf32, #tpu.memory_space<vmem>>, vector<192x192xf32>
    %convert_element_type3A = arith.truncf %get3A_60 : vector<192x192xf32> to vector<192x192xbf16>
    %convert_element_type3A_61 = arith.truncf %concatenate3A_57 : vector<192x3136xf32> to vector<192x3136xbf16>
    %dot_general3A = arith.constant dense<0.000000e+00> : vector<192x3136xf32>
    %dot_general3A_62 = tpu.matmul %convert_element_type3A, %convert_element_type3A_61, %dot_general3A {dimension_numbers = #tpu.dot_dimension_numbers<[1], [0], [0], [1], [0, 0, 1, 1], [], []>, transpose_lhs_hint = false} : vector<192x192xbf16>, vector<192x3136xbf16>, vector<192x3136xf32> -> vector<192x3136xf32>
    %get3A_63 = arith.constant 0 : index
    %get3A_64 = arith.constant 0 : index
    %get3A_65 = vector.load %arg5[%get3A_63, %get3A_64] : memref<192x1xf32, #tpu.memory_space<vmem>>, vector<192x1xf32>
    %add3A = vector.broadcast %get3A_65 : vector<192x1xf32> to vector<192x3136xf32>
    %add3A_66 = arith.addf %dot_general3A_62, %add3A : vector<192x3136xf32>
    %slice3A = vector.extract_strided_slice %add3A_66 {offsets = [0, 0], sizes = [48, 3136], strides = [1, 1]} : vector<192x3136xf32> to vector<48x3136xf32>
    %reduce_sum3A = vector.shape_cast %slice3A : vector<48x3136xf32> to vector<1x48x3136xf32>
    %reduce_sum3A_67 = arith.constant dense<0.000000e+00> : vector<1xf32>
    %reduce_sum3A_68 = vector.multi_reduction <add>, %reduce_sum3A, %reduce_sum3A_67 [1, 2] : vector<1x48x3136xf32> to vector<1xf32>
    %reduce_sum3A_69 = vector.shape_cast %reduce_sum3A_68 : vector<1xf32> to vector<1x1x1xf32>
    %reduce_sum3A_70 = vector.extract %reduce_sum3A_69[0, 0, 0] : f32 from vector<1x1x1xf32>
    %div3A = arith.constant 1.505280e+05 : f32
    %div3A_71 = arith.divf %reduce_sum3A_70, %div3A : f32
    %sub3A_72 = vector.broadcast %div3A_71 : f32 to vector<48x3136xf32>
    %sub3A_73 = arith.subf %slice3A, %sub3A_72 : vector<48x3136xf32>
    %mul3A = arith.mulf %sub3A_73, %sub3A_73 : vector<48x3136xf32>
    %reduce_sum3A_74 = vector.shape_cast %mul3A : vector<48x3136xf32> to vector<1x48x3136xf32>
    %reduce_sum3A_75 = arith.constant dense<0.000000e+00> : vector<1xf32>
    %reduce_sum3A_76 = vector.multi_reduction <add>, %reduce_sum3A_74, %reduce_sum3A_75 [1, 2] : vector<1x48x3136xf32> to vector<1xf32>
    %reduce_sum3A_77 = vector.shape_cast %reduce_sum3A_76 : vector<1xf32> to vector<1x1x1xf32>
    %reduce_sum3A_78 = vector.extract %reduce_sum3A_77[0, 0, 0] : f32 from vector<1x1x1xf32>
    %div3A_79 = arith.constant 1.505280e+05 : f32
    %div3A_80 = arith.divf %reduce_sum3A_78, %div3A_79 : f32
    %add3A_81 = arith.constant 9.99999974E-6 : f32
    %add3A_82 = arith.addf %div3A_80, %add3A_81 : f32
    %rsqrt3A = math.rsqrt %add3A_82 : f32
    %mul3A_83 = vector.broadcast %rsqrt3A : f32 to vector<48x3136xf32>
    %mul3A_84 = arith.mulf %sub3A_73, %mul3A_83 : vector<48x3136xf32>
    %slice3A_85 = vector.extract_strided_slice %add3A_66 {offsets = [48, 0], sizes = [48, 3136], strides = [1, 1]} : vector<192x3136xf32> to vector<48x3136xf32>
    %reduce_sum3A_86 = vector.shape_cast %slice3A_85 : vector<48x3136xf32> to vector<1x48x3136xf32>
    %reduce_sum3A_87 = arith.constant dense<0.000000e+00> : vector<1xf32>
    %reduce_sum3A_88 = vector.multi_reduction <add>, %reduce_sum3A_86, %reduce_sum3A_87 [1, 2] : vector<1x48x3136xf32> to vector<1xf32>
    %reduce_sum3A_89 = vector.shape_cast %reduce_sum3A_88 : vector<1xf32> to vector<1x1x1xf32>
    %reduce_sum3A_90 = vector.extract %reduce_sum3A_89[0, 0, 0] : f32 from vector<1x1x1xf32>
    %div3A_91 = arith.constant 1.505280e+05 : f32
    %div3A_92 = arith.divf %reduce_sum3A_90, %div3A_91 : f32
    %sub3A_93 = vector.broadcast %div3A_92 : f32 to vector<48x3136xf32>
    %sub3A_94 = arith.subf %slice3A_85, %sub3A_93 : vector<48x3136xf32>
    %mul3A_95 = arith.mulf %sub3A_94, %sub3A_94 : vector<48x3136xf32>
    %reduce_sum3A_96 = vector.shape_cast %mul3A_95 : vector<48x3136xf32> to vector<1x48x3136xf32>
    %reduce_sum3A_97 = arith.constant dense<0.000000e+00> : vector<1xf32>
    %reduce_sum3A_98 = vector.multi_reduction <add>, %reduce_sum3A_96, %reduce_sum3A_97 [1, 2] : vector<1x48x3136xf32> to vector<1xf32>
    %reduce_sum3A_99 = vector.shape_cast %reduce_sum3A_98 : vector<1xf32> to vector<1x1x1xf32>
    %reduce_sum3A_100 = vector.extract %reduce_sum3A_99[0, 0, 0] : f32 from vector<1x1x1xf32>
    %div3A_101 = arith.constant 1.505280e+05 : f32
    %div3A_102 = arith.divf %reduce_sum3A_100, %div3A_101 : f32
    %add3A_103 = arith.constant 9.99999974E-6 : f32
    %add3A_104 = arith.addf %div3A_102, %add3A_103 : f32
    %rsqrt3A_105 = math.rsqrt %add3A_104 : f32
    %mul3A_106 = vector.broadcast %rsqrt3A_105 : f32 to vector<48x3136xf32>
    %mul3A_107 = arith.mulf %sub3A_94, %mul3A_106 : vector<48x3136xf32>
    %slice3A_108 = vector.extract_strided_slice %add3A_66 {offsets = [96, 0], sizes = [48, 3136], strides = [1, 1]} : vector<192x3136xf32> to vector<48x3136xf32>
    %reduce_sum3A_109 = vector.shape_cast %slice3A_108 : vector<48x3136xf32> to vector<1x48x3136xf32>
    %reduce_sum3A_110 = arith.constant dense<0.000000e+00> : vector<1xf32>
    %reduce_sum3A_111 = vector.multi_reduction <add>, %reduce_sum3A_109, %reduce_sum3A_110 [1, 2] : vector<1x48x3136xf32> to vector<1xf32>
    %reduce_sum3A_112 = vector.shape_cast %reduce_sum3A_111 : vector<1xf32> to vector<1x1x1xf32>
    %reduce_sum3A_113 = vector.extract %reduce_sum3A_112[0, 0, 0] : f32 from vector<1x1x1xf32>
    %div3A_114 = arith.constant 1.505280e+05 : f32
    %div3A_115 = arith.divf %reduce_sum3A_113, %div3A_114 : f32
    %sub3A_116 = vector.broadcast %div3A_115 : f32 to vector<48x3136xf32>
    %sub3A_117 = arith.subf %slice3A_108, %sub3A_116 : vector<48x3136xf32>
    %mul3A_118 = arith.mulf %sub3A_117, %sub3A_117 : vector<48x3136xf32>
    %reduce_sum3A_119 = vector.shape_cast %mul3A_118 : vector<48x3136xf32> to vector<1x48x3136xf32>
    %reduce_sum3A_120 = arith.constant dense<0.000000e+00> : vector<1xf32>
    %reduce_sum3A_121 = vector.multi_reduction <add>, %reduce_sum3A_119, %reduce_sum3A_120 [1, 2] : vector<1x48x3136xf32> to vector<1xf32>
    %reduce_sum3A_122 = vector.shape_cast %reduce_sum3A_121 : vector<1xf32> to vector<1x1x1xf32>
    %reduce_sum3A_123 = vector.extract %reduce_sum3A_122[0, 0, 0] : f32 from vector<1x1x1xf32>
    %div3A_124 = arith.constant 1.505280e+05 : f32
    %div3A_125 = arith.divf %reduce_sum3A_123, %div3A_124 : f32
    %add3A_126 = arith.constant 9.99999974E-6 : f32
    %add3A_127 = arith.addf %div3A_125, %add3A_126 : f32
    %rsqrt3A_128 = math.rsqrt %add3A_127 : f32
    %mul3A_129 = vector.broadcast %rsqrt3A_128 : f32 to vector<48x3136xf32>
    %mul3A_130 = arith.mulf %sub3A_117, %mul3A_129 : vector<48x3136xf32>
    %slice3A_131 = vector.extract_strided_slice %add3A_66 {offsets = [144, 0], sizes = [48, 3136], strides = [1, 1]} : vector<192x3136xf32> to vector<48x3136xf32>
    %reduce_sum3A_132 = vector.shape_cast %slice3A_131 : vector<48x3136xf32> to vector<1x48x3136xf32>
    %reduce_sum3A_133 = arith.constant dense<0.000000e+00> : vector<1xf32>
    %reduce_sum3A_134 = vector.multi_reduction <add>, %reduce_sum3A_132, %reduce_sum3A_133 [1, 2] : vector<1x48x3136xf32> to vector<1xf32>
    %reduce_sum3A_135 = vector.shape_cast %reduce_sum3A_134 : vector<1xf32> to vector<1x1x1xf32>
    %reduce_sum3A_136 = vector.extract %reduce_sum3A_135[0, 0, 0] : f32 from vector<1x1x1xf32>
    %div3A_137 = arith.constant 1.505280e+05 : f32
    %div3A_138 = arith.divf %reduce_sum3A_136, %div3A_137 : f32
    %sub3A_139 = vector.broadcast %div3A_138 : f32 to vector<48x3136xf32>
    %sub3A_140 = arith.subf %slice3A_131, %sub3A_139 : vector<48x3136xf32>
    %mul3A_141 = arith.mulf %sub3A_140, %sub3A_140 : vector<48x3136xf32>
    %reduce_sum3A_142 = vector.shape_cast %mul3A_141 : vector<48x3136xf32> to vector<1x48x3136xf32>
    %reduce_sum3A_143 = arith.constant dense<0.000000e+00> : vector<1xf32>
    %reduce_sum3A_144 = vector.multi_reduction <add>, %reduce_sum3A_142, %reduce_sum3A_143 [1, 2] : vector<1x48x3136xf32> to vector<1xf32>
    %reduce_sum3A_145 = vector.shape_cast %reduce_sum3A_144 : vector<1xf32> to vector<1x1x1xf32>
    %reduce_sum3A_146 = vector.extract %reduce_sum3A_145[0, 0, 0] : f32 from vector<1x1x1xf32>
    %div3A_147 = arith.constant 1.505280e+05 : f32
    %div3A_148 = arith.divf %reduce_sum3A_146, %div3A_147 : f32
    %add3A_149 = arith.constant 9.99999974E-6 : f32
    %add3A_150 = arith.addf %div3A_148, %add3A_149 : f32
    %rsqrt3A_151 = math.rsqrt %add3A_150 : f32
    %mul3A_152 = vector.broadcast %rsqrt3A_151 : f32 to vector<48x3136xf32>
    %mul3A_153 = arith.mulf %sub3A_140, %mul3A_152 : vector<48x3136xf32>
    %concatenate3A_154 = tpu.concatenate %mul3A_84, %mul3A_107, %mul3A_130, %mul3A_153 in 0 : vector<48x3136xf32>, vector<48x3136xf32>, vector<48x3136xf32>, vector<48x3136xf32> -> vector<192x3136xf32>
    %get3A_155 = arith.constant 0 : index
    %get3A_156 = arith.constant 0 : index
    %get3A_157 = vector.load %arg6[%get3A_155, %get3A_156] : memref<192x1xf32, #tpu.memory_space<vmem>>, vector<192x1xf32>
    %mul3A_158 = vector.broadcast %get3A_157 : vector<192x1xf32> to vector<192x3136xf32>
    %mul3A_159 = arith.mulf %concatenate3A_154, %mul3A_158 : vector<192x3136xf32>
    %get3A_160 = arith.constant 0 : index
    %get3A_161 = arith.constant 0 : index
    %get3A_162 = vector.load %arg7[%get3A_160, %get3A_161] : memref<192x1xf32, #tpu.memory_space<vmem>>, vector<192x1xf32>
    %add3A_163 = vector.broadcast %get3A_162 : vector<192x1xf32> to vector<192x3136xf32>
    %add3A_164 = arith.addf %mul3A_159, %add3A_163 : vector<192x3136xf32>
    %integer_pow3A = arith.mulf %add3A_164, %add3A_164 : vector<192x3136xf32>
    %integer_pow3A_165 = arith.mulf %add3A_164, %integer_pow3A : vector<192x3136xf32>
    %mul3A_166 = arith.constant 4.471500e-02 : f32
    %mul3A_167 = vector.broadcast %mul3A_166 : f32 to vector<192x3136xf32>
    %mul3A_168 = arith.mulf %mul3A_167, %integer_pow3A_165 : vector<192x3136xf32>
    %add3A_169 = arith.addf %add3A_164, %mul3A_168 : vector<192x3136xf32>
    %mul3A_170 = arith.constant 0.797884583 : f32
    %mul3A_171 = vector.broadcast %mul3A_170 : f32 to vector<192x3136xf32>
    %mul3A_172 = arith.mulf %mul3A_171, %add3A_169 : vector<192x3136xf32>
    %tanh3A = math.tanh %mul3A_172 : vector<192x3136xf32>
    %add3A_173 = arith.constant 1.000000e+00 : f32
    %add3A_174 = vector.broadcast %add3A_173 : f32 to vector<192x3136xf32>
    %add3A_175 = arith.addf %add3A_174, %tanh3A : vector<192x3136xf32>
    %mul3A_176 = arith.constant 5.000000e-01 : f32
    %mul3A_177 = vector.broadcast %mul3A_176 : f32 to vector<192x3136xf32>
    %mul3A_178 = arith.mulf %mul3A_177, %add3A_175 : vector<192x3136xf32>
    %mul3A_179 = arith.mulf %add3A_164, %mul3A_178 : vector<192x3136xf32>
    %get3A_180 = arith.constant 0 : index
    %get3A_181 = arith.constant 0 : index
    %get3A_182 = vector.load %arg8[%get3A_180, %get3A_181] : memref<96x192xf32, #tpu.memory_space<vmem>>, vector<96x192xf32>
    %convert_element_type3A_183 = arith.truncf %get3A_182 : vector<96x192xf32> to vector<96x192xbf16>
    %convert_element_type3A_184 = arith.truncf %mul3A_179 : vector<192x3136xf32> to vector<192x3136xbf16>
    %dot_general3A_185 = arith.constant dense<0.000000e+00> : vector<96x3136xf32>
    %dot_general3A_186 = tpu.matmul %convert_element_type3A_183, %convert_element_type3A_184, %dot_general3A_185 {dimension_numbers = #tpu.dot_dimension_numbers<[1], [0], [0], [1], [0, 0, 1, 1], [], []>, transpose_lhs_hint = false} : vector<96x192xbf16>, vector<192x3136xbf16>, vector<96x3136xf32> -> vector<96x3136xf32>
    %get3A_187 = arith.constant 0 : index
    %get3A_188 = arith.constant 0 : index
    %get3A_189 = vector.load %arg9[%get3A_187, %get3A_188] : memref<96x1xf32, #tpu.memory_space<vmem>>, vector<96x1xf32>
    %add3A_190 = vector.broadcast %get3A_189 : vector<96x1xf32> to vector<96x3136xf32>
    %add3A_191 = arith.addf %dot_general3A_186, %add3A_190 : vector<96x3136xf32>
    %add3A_192 = arith.addf %add3A_191, %get3A_8 : vector<96x3136xf32>
    %swap3A = arith.constant 0 : index
    %swap3A_193 = arith.constant 0 : index
    %swap3A_194 = arith.constant 0 : index
    %swap3A_195 = vector.load %arg10[%swap3A, %swap3A_193, %swap3A_194] : memref<1x96x3136xf32, #tpu.memory_space<vmem>>, vector<1x96x3136xf32>
    %swap3A_196 = vector.shape_cast %swap3A_195 : vector<1x96x3136xf32> to vector<96x3136xf32>
    %swap3A_197 = vector.shape_cast %add3A_192 : vector<96x3136xf32> to vector<1x96x3136xf32>
    tpu.vector_store %arg10[%swap3A, %swap3A_193, %swap3A_194], %swap3A_197 {strides = array<i32>} : memref<1x96x3136xf32, #tpu.memory_space<vmem>>, vector<1x96x3136xf32>,
    return
  }
  func.func @transform_0(%arg0: i32) -> (i32, i32, i32) {
    %c0_i32 = arith.constant 0 : i32
    %c0_i32_0 = arith.constant 0 : i32
    %c0_i32_1 = arith.constant 0 : i32
    return %arg0, %c0_i32, %c0_i32_0 : i32, i32, i32
  }
  func.func @transform_1(%arg0: i32) -> (i32, i32, i32, i32) {
    %c0_i32 = arith.constant 0 : i32
    %c0_i32_0 = arith.constant 0 : i32
    %c0_i32_1 = arith.constant 0 : i32
    %c0_i32_2 = arith.constant 0 : i32
    return %arg0, %c0_i32, %c0_i32_0, %c0_i32_1 : i32, i32, i32, i32
  }
  func.func @transform_2(%arg0: i32) -> (i32, i32, i32) {
    %c0_i32 = arith.constant 0 : i32
    %c0_i32_0 = arith.constant 0 : i32
    %c0_i32_1 = arith.constant 0 : i32
    return %arg0, %c0_i32, %c0_i32_0 : i32, i32, i32
  }
  func.func @transform_3(%arg0: i32) -> (i32, i32) {
    %c0_i32 = arith.constant 0 : i32
    %c0_i32_0 = arith.constant 0 : i32
    %c0_i32_1 = arith.constant 0 : i32
    return %c0_i32, %c0_i32_0 : i32, i32
  }
  func.func @transform_4(%arg0: i32) -> (i32, i32) {
    %c0_i32 = arith.constant 0 : i32
    %c0_i32_0 = arith.constant 0 : i32
    %c0_i32_1 = arith.constant 0 : i32
    return %c0_i32, %c0_i32_0 : i32, i32
  }
  func.func @transform_5(%arg0: i32) -> (i32, i32) {
    %c0_i32 = arith.constant 0 : i32
    %c0_i32_0 = arith.constant 0 : i32
    %c0_i32_1 = arith.constant 0 : i32
    return %c0_i32, %c0_i32_0 : i32, i32
  }
  func.func @transform_6(%arg0: i32) -> (i32, i32) {
    %c0_i32 = arith.constant 0 : i32
    %c0_i32_0 = arith.constant 0 : i32
    %c0_i32_1 = arith.constant 0 : i32
    return %c0_i32, %c0_i32_0 : i32, i32
  }
  func.func @transform_7(%arg0: i32) -> (i32, i32) {
    %c0_i32 = arith.constant 0 : i32
    %c0_i32_0 = arith.constant 0 : i32
    %c0_i32_1 = arith.constant 0 : i32
    return %c0_i32, %c0_i32_0 : i32, i32
  }
  func.func @transform_8(%arg0: i32) -> (i32, i32) {
    %c0_i32 = arith.constant 0 : i32
    %c0_i32_0 = arith.constant 0 : i32
    %c0_i32_1 = arith.constant 0 : i32
    return %c0_i32, %c0_i32_0 : i32, i32
  }
  func.func @transform_9(%arg0: i32) -> (i32, i32, i32) {
    %c0_i32 = arith.constant 0 : i32
    %c0_i32_0 = arith.constant 0 : i32
    %c0_i32_1 = arith.constant 0 : i32
    return %arg0, %c0_i32, %c0_i32_0 : i32, i32, i32
  }
}

module attributes {stable_mosaic.version = 14 : i64} {
  func.func @_tc1_body(%arg0: i32, %arg1: memref<1x96x3136xf32, #tpu.memory_space<vmem>>, %arg2: memref<96x96xf32, #tpu.memory_space<vmem>>, %arg3: memref<96x1xf32, #tpu.memory_space<vmem>>, %arg4: memref<49x3136xf32, #tpu.memory_space<vmem>>, %arg5: memref<3136x49xf32, #tpu.memory_space<vmem>>, %arg6: memref<1x96x3136xf32, #tpu.memory_space<vmem>>, %arg7: memref<1x48x49xi32, #tpu.memory_space<vmem>>, %arg8: memref<1x8x9x400xi32, #tpu.memory_space<vmem>>) attributes {dimension_semantics = [#tpu.dimension_semantics<arbitrary>], iteration_bounds = array<i64: 4>, scalar_prefetch = 0 : i64, scratch_operands = 0 : i64, tpu.core_type = #tpu.core_type<tc>, window_params = [{transform_indices = @transform_0, window_bounds = array<i64: 1, 96, 3136>}, {pipeline_mode = #tpu.pipeline_mode<synchronous>, transform_indices = @transform_1, window_bounds = array<i64: 96, 96>}, {pipeline_mode = #tpu.pipeline_mode<synchronous>, transform_indices = @transform_2, window_bounds = array<i64: 96, 1>}, {pipeline_mode = #tpu.pipeline_mode<synchronous>, transform_indices = @transform_3, window_bounds = array<i64: 49, 3136>}, {pipeline_mode = #tpu.pipeline_mode<synchronous>, transform_indices = @transform_4, window_bounds = array<i64: 3136, 49>}, {transform_indices = @transform_5, window_bounds = array<i64: 1, 96, 3136>}, {transform_indices = @transform_6, window_bounds = array<i64: 1, 48, 49>}, {transform_indices = @transform_7, window_bounds = array<i64: 1, 8, 9, 400>}]} {
    %get3A = arith.constant 0 : index
    %get3A_0 = arith.constant 0 : index
    %get3A_1 = arith.constant 0 : index
    %get3A_2 = vector.load %arg1[%get3A, %get3A_0, %get3A_1] : memref<1x96x3136xf32, #tpu.memory_space<vmem>>, vector<1x96x3136xf32>
    %get3A_3 = vector.shape_cast %get3A_2 : vector<1x96x3136xf32> to vector<96x3136xf32>
    %get3A_4 = arith.constant 0 : index
    %get3A_5 = arith.constant 0 : index
    %get3A_6 = vector.load %arg2[%get3A_4, %get3A_5] : memref<96x96xf32, #tpu.memory_space<vmem>>, vector<96x96xf32>
    %dot_general3A = arith.constant dense<0.000000e+00> : vector<96x3136xf32>
    %dot_general3A_7 = tpu.matmul %get3A_6, %get3A_3, %dot_general3A {dimension_numbers = #tpu.dot_dimension_numbers<[1], [0], [0], [1], [0, 0, 1, 1], [], []>, transpose_lhs_hint = false} : vector<96x96xf32>, vector<96x3136xf32>, vector<96x3136xf32> -> vector<96x3136xf32>
    %get3A_8 = arith.constant 0 : index
    %get3A_9 = arith.constant 0 : index
    %get3A_10 = vector.load %arg3[%get3A_8, %get3A_9] : memref<96x1xf32, #tpu.memory_space<vmem>>, vector<96x1xf32>
    %add3A = vector.broadcast %get3A_10 : vector<96x1xf32> to vector<96x3136xf32>
    %add3A_11 = arith.addf %dot_general3A_7, %add3A : vector<96x3136xf32>
    %swap3A = arith.constant 0 : index
    %swap3A_12 = arith.constant 0 : index
    %swap3A_13 = arith.constant 0 : index
    %swap3A_14 = vector.load %arg6[%swap3A, %swap3A_12, %swap3A_13] : memref<1x96x3136xf32, #tpu.memory_space<vmem>>, vector<1x96x3136xf32>
    %swap3A_15 = vector.shape_cast %swap3A_14 : vector<1x96x3136xf32> to vector<96x3136xf32>
    %swap3A_16 = vector.shape_cast %add3A_11 : vector<96x3136xf32> to vector<1x96x3136xf32>
    tpu.vector_store %arg6[%swap3A, %swap3A_12, %swap3A_13], %swap3A_16 {strides = array<i32>} : memref<1x96x3136xf32, #tpu.memory_space<vmem>>, vector<1x96x3136xf32>,
    %get3A_17 = arith.constant 0 : index
    %get3A_18 = arith.constant 0 : index
    %get3A_19 = vector.load %arg5[%get3A_17, %get3A_18] : memref<3136x49xf32, #tpu.memory_space<vmem>>, vector<3136x49xf32>
    %dot_general3A_20 = arith.constant dense<0.000000e+00> : vector<96x49xf32>
    %dot_general3A_21 = tpu.matmul %add3A_11, %get3A_19, %dot_general3A_20 {dimension_numbers = #tpu.dot_dimension_numbers<[1], [0], [0], [1], [0, 0, 1, 1], [], []>, transpose_lhs_hint = false} : vector<96x3136xf32>, vector<3136x49xf32>, vector<96x49xf32> -> vector<96x49xf32>
    %convert_element_type3A = arith.truncf %dot_general3A_21 : vector<96x49xf32> to vector<96x49xbf16>
    %reshape3A = vector.shape_cast %convert_element_type3A : vector<96x49xbf16> to vector<48x2x49xbf16>
    %slice3A = vector.extract_strided_slice %reshape3A {offsets = [0, 0, 0], sizes = [48, 1, 49], strides = [1, 1, 1]} : vector<48x2x49xbf16> to vector<48x1x49xbf16>
    %squeeze3A = vector.shape_cast %slice3A : vector<48x1x49xbf16> to vector<48x49xbf16>
    %bitcast_convert_type3A = tpu.bitcast %squeeze3A : vector<48x49xbf16> -> vector<48x49xi16>
    %convert_element_type3A_22 = arith.extui %bitcast_convert_type3A : vector<48x49xi16> to vector<48x49xi32>
    %slice3A_23 = vector.extract_strided_slice %reshape3A {offsets = [0, 1, 0], sizes = [48, 1, 49], strides = [1, 1, 1]} : vector<48x2x49xbf16> to vector<48x1x49xbf16>
    %squeeze3A_24 = vector.shape_cast %slice3A_23 : vector<48x1x49xbf16> to vector<48x49xbf16>
    %bitcast_convert_type3A_25 = tpu.bitcast %squeeze3A_24 : vector<48x49xbf16> -> vector<48x49xi16>
    %convert_element_type3A_26 = arith.extui %bitcast_convert_type3A_25 : vector<48x49xi16> to vector<48x49xi32>
    %shift_left3A = arith.constant 16 : i32
    %shift_left3A_27 = vector.broadcast %shift_left3A : i32 to vector<48x49xi32>
    %shift_left3A_28 = arith.shli %convert_element_type3A_26, %shift_left3A_27 : vector<48x49xi32>
    %or3A = arith.ori %shift_left3A_28, %convert_element_type3A_22 : vector<48x49xi32>
    %bitcast_convert_type3A_29 = tpu.bitcast %or3A : vector<48x49xi32> -> vector<48x49xi32>
    %swap3A_30 = arith.constant 0 : index
    %swap3A_31 = arith.constant 0 : index
    %swap3A_32 = arith.constant 0 : index
    %swap3A_33 = vector.load %arg7[%swap3A_30, %swap3A_31, %swap3A_32] : memref<1x48x49xi32, #tpu.memory_space<vmem>>, vector<1x48x49xi32>
    %swap3A_34 = vector.shape_cast %swap3A_33 : vector<1x48x49xi32> to vector<48x49xi32>
    %swap3A_35 = vector.shape_cast %bitcast_convert_type3A_29 : vector<48x49xi32> to vector<1x48x49xi32>
    tpu.vector_store %arg7[%swap3A_30, %swap3A_31, %swap3A_32], %swap3A_35 {strides = array<i32>} : memref<1x48x49xi32, #tpu.memory_space<vmem>>, vector<1x48x49xi32>,
    %mul3A = arith.mulf %add3A_11, %add3A_11 : vector<96x3136xf32>
    %reduce_sum3A = arith.constant dense<0.000000e+00> : vector<3136xf32>
    %reduce_sum3A_36 = vector.multi_reduction <add>, %mul3A, %reduce_sum3A [0] : vector<96x3136xf32> to vector<3136xf32>
    %broadcast_in_dim3A = vector.shape_cast %reduce_sum3A_36 : vector<3136xf32> to vector<1x3136xf32>
    %sqrt3A = math.sqrt %broadcast_in_dim3A : vector<1x3136xf32>
    %mul3A_37 = arith.mulf %dot_general3A_21, %dot_general3A_21 : vector<96x49xf32>
    %reduce_sum3A_38 = arith.constant dense<0.000000e+00> : vector<49xf32>
    %reduce_sum3A_39 = vector.multi_reduction <add>, %mul3A_37, %reduce_sum3A_38 [0] : vector<96x49xf32> to vector<49xf32>
    %broadcast_in_dim3A_40 = vector.shape_cast %reduce_sum3A_39 : vector<49xf32> to vector<1x49xf32>
    %sqrt3A_41 = math.sqrt %broadcast_in_dim3A_40 : vector<1x49xf32>
    %dot_general3A_42 = arith.constant dense<0.000000e+00> : vector<49x3136xf32>
    %dot_general3A_43 = tpu.matmul %dot_general3A_21, %add3A_11, %dot_general3A_42 {dimension_numbers = #tpu.dot_dimension_numbers<[0], [0], [1], [1], [0, 1, 1, 1], [], []>, transpose_lhs_hint = false} : vector<96x49xf32>, vector<96x3136xf32>, vector<49x3136xf32> -> vector<49x3136xf32>
    %add3A_44 = arith.constant 9.99999996E-13 : f32
    %add3A_45 = vector.broadcast %add3A_44 : f32 to vector<1x3136xf32>
    %add3A_46 = arith.addf %sqrt3A, %add3A_45 : vector<1x3136xf32>
    %div3A = arith.constant 1.000000e+00 : f32
    %div3A_47 = vector.broadcast %div3A : f32 to vector<1x3136xf32>
    %div3A_48 = arith.divf %div3A_47, %add3A_46 : vector<1x3136xf32>
    %add3A_49 = arith.constant 9.99999996E-13 : f32
    %add3A_50 = vector.broadcast %add3A_49 : f32 to vector<1x49xf32>
    %add3A_51 = arith.addf %sqrt3A_41, %add3A_50 : vector<1x49xf32>
    %div3A_52 = arith.constant 1.000000e+00 : f32
    %div3A_53 = vector.broadcast %div3A_52 : f32 to vector<1x49xf32>
    %div3A_54 = arith.divf %div3A_53, %add3A_51 : vector<1x49xf32>
    %mul3A_55 = vector.broadcast %div3A_48 : vector<1x3136xf32> to vector<49x3136xf32>
    %mul3A_56 = arith.mulf %dot_general3A_43, %mul3A_55 : vector<49x3136xf32>
    %reshape3A_57 = vector.shape_cast %div3A_54 : vector<1x49xf32> to vector<49x1xf32>
    %mul3A_58 = vector.broadcast %reshape3A_57 : vector<49x1xf32> to vector<49x3136xf32>
    %mul3A_59 = arith.mulf %mul3A_56, %mul3A_58 : vector<49x3136xf32>
    %mul3A_60 = arith.mulf %sqrt3A, %div3A_48 : vector<1x3136xf32>
    %integer_pow3A = arith.mulf %mul3A_60, %mul3A_60 : vector<1x3136xf32>
    %mul3A_61 = arith.mulf %sqrt3A_41, %div3A_54 : vector<1x49xf32>
    %integer_pow3A_62 = arith.mulf %mul3A_61, %mul3A_61 : vector<1x49xf32>
    %mul3A_63 = arith.constant 2.000000e+00 : f32
    %mul3A_64 = vector.broadcast %mul3A_63 : f32 to vector<49x3136xf32>
    %mul3A_65 = arith.mulf %mul3A_64, %mul3A_59 : vector<49x3136xf32>
    %sub3A = vector.broadcast %integer_pow3A : vector<1x3136xf32> to vector<49x3136xf32>
    %sub3A_66 = arith.subf %mul3A_65, %sub3A : vector<49x3136xf32>
    %reshape3A_67 = vector.shape_cast %integer_pow3A_62 : vector<1x49xf32> to vector<49x1xf32>
    %sub3A_68 = vector.broadcast %reshape3A_67 : vector<49x1xf32> to vector<49x3136xf32>
    %sub3A_69 = arith.subf %sub3A_66, %sub3A_68 : vector<49x3136xf32>
    %get3A_70 = arith.constant 0 : index
    %get3A_71 = arith.constant 0 : index
    %get3A_72 = vector.load %arg4[%get3A_70, %get3A_71] : memref<49x3136xf32, #tpu.memory_space<vmem>>, vector<49x3136xf32>
    %add3A_73 = arith.addf %sub3A_69, %get3A_72 : vector<49x3136xf32>
    %iota3A = tpu.iota {dimensions = array<i32: 0>} : vector<49x3136xi32>
    %reduce_max3A = arith.constant dense<0xFF800000> : vector<3136xf32>
    %reduce_max3A_74 = vector.multi_reduction <maximumf>, %add3A_73, %reduce_max3A [0] : vector<49x3136xf32> to vector<3136xf32>
    %broadcast_in_dim3A_75 = vector.shape_cast %reduce_max3A_74 : vector<3136xf32> to vector<1x3136xf32>
    %ge3A = vector.broadcast %broadcast_in_dim3A_75 : vector<1x3136xf32> to vector<49x3136xf32>
    %ge3A_76 = arith.cmpf oge, %add3A_73, %ge3A : vector<49x3136xf32>
    %jit3A = arith.constant 49 : i32
    %broadcast_in_dim3A_77 = vector.broadcast %jit3A : i32 to vector<49x3136xi32>
    %select_n3A = arith.select %ge3A_76, %iota3A, %broadcast_in_dim3A_77 : vector<49x3136xi1>, vector<49x3136xi32>
    %reduce_min3A = arith.constant dense<2147483647> : vector<3136xi32>
    %reduce_min3A_78 = vector.multi_reduction <minsi>, %select_n3A, %reduce_min3A [0] : vector<49x3136xi32> to vector<3136xi32>
    %broadcast_in_dim3A_79 = vector.shape_cast %reduce_min3A_78 : vector<3136xi32> to vector<1x3136xi32>
    %eq3A = vector.broadcast %broadcast_in_dim3A_79 : vector<1x3136xi32> to vector<49x3136xi32>
    %eq3A_80 = arith.cmpi eq, %iota3A, %eq3A : vector<49x3136xi32>
    %jit3A_81 = arith.constant -3.000000e+38 : f32
    %broadcast_in_dim3A_82 = vector.broadcast %jit3A_81 : f32 to vector<49x3136xf32>
    %select_n3A_83 = arith.select %eq3A_80, %broadcast_in_dim3A_82, %add3A_73 : vector<49x3136xi1>, vector<49x3136xf32>
    %reduce_max3A_84 = arith.constant dense<0xFF800000> : vector<3136xf32>
    %reduce_max3A_85 = vector.multi_reduction <maximumf>, %select_n3A_83, %reduce_max3A_84 [0] : vector<49x3136xf32> to vector<3136xf32>
    %broadcast_in_dim3A_86 = vector.shape_cast %reduce_max3A_85 : vector<3136xf32> to vector<1x3136xf32>
    %ge3A_87 = vector.broadcast %broadcast_in_dim3A_86 : vector<1x3136xf32> to vector<49x3136xf32>
    %ge3A_88 = arith.cmpf oge, %select_n3A_83, %ge3A_87 : vector<49x3136xf32>
    %jit3A_89 = arith.constant 49 : i32
    %broadcast_in_dim3A_90 = vector.broadcast %jit3A_89 : i32 to vector<49x3136xi32>
    %select_n3A_91 = arith.select %ge3A_88, %iota3A, %broadcast_in_dim3A_90 : vector<49x3136xi1>, vector<49x3136xi32>
    %reduce_min3A_92 = arith.constant dense<2147483647> : vector<3136xi32>
    %reduce_min3A_93 = vector.multi_reduction <minsi>, %select_n3A_91, %reduce_min3A_92 [0] : vector<49x3136xi32> to vector<3136xi32>
    %broadcast_in_dim3A_94 = vector.shape_cast %reduce_min3A_93 : vector<3136xi32> to vector<1x3136xi32>
    %eq3A_95 = vector.broadcast %broadcast_in_dim3A_94 : vector<1x3136xi32> to vector<49x3136xi32>
    %eq3A_96 = arith.cmpi eq, %iota3A, %eq3A_95 : vector<49x3136xi32>
    %jit3A_97 = arith.constant -3.000000e+38 : f32
    %broadcast_in_dim3A_98 = vector.broadcast %jit3A_97 : f32 to vector<49x3136xf32>
    %select_n3A_99 = arith.select %eq3A_96, %broadcast_in_dim3A_98, %select_n3A_83 : vector<49x3136xi1>, vector<49x3136xf32>
    %reduce_max3A_100 = arith.constant dense<0xFF800000> : vector<3136xf32>
    %reduce_max3A_101 = vector.multi_reduction <maximumf>, %select_n3A_99, %reduce_max3A_100 [0] : vector<49x3136xf32> to vector<3136xf32>
    %broadcast_in_dim3A_102 = vector.shape_cast %reduce_max3A_101 : vector<3136xf32> to vector<1x3136xf32>
    %ge3A_103 = vector.broadcast %broadcast_in_dim3A_102 : vector<1x3136xf32> to vector<49x3136xf32>
    %ge3A_104 = arith.cmpf oge, %select_n3A_99, %ge3A_103 : vector<49x3136xf32>
    %jit3A_105 = arith.constant 49 : i32
    %broadcast_in_dim3A_106 = vector.broadcast %jit3A_105 : i32 to vector<49x3136xi32>
    %select_n3A_107 = arith.select %ge3A_104, %iota3A, %broadcast_in_dim3A_106 : vector<49x3136xi1>, vector<49x3136xi32>
    %reduce_min3A_108 = arith.constant dense<2147483647> : vector<3136xi32>
    %reduce_min3A_109 = vector.multi_reduction <minsi>, %select_n3A_107, %reduce_min3A_108 [0] : vector<49x3136xi32> to vector<3136xi32>
    %broadcast_in_dim3A_110 = vector.shape_cast %reduce_min3A_109 : vector<3136xi32> to vector<1x3136xi32>
    %eq3A_111 = vector.broadcast %broadcast_in_dim3A_110 : vector<1x3136xi32> to vector<49x3136xi32>
    %eq3A_112 = arith.cmpi eq, %iota3A, %eq3A_111 : vector<49x3136xi32>
    %jit3A_113 = arith.constant -3.000000e+38 : f32
    %broadcast_in_dim3A_114 = vector.broadcast %jit3A_113 : f32 to vector<49x3136xf32>
    %select_n3A_115 = arith.select %eq3A_112, %broadcast_in_dim3A_114, %select_n3A_99 : vector<49x3136xi1>, vector<49x3136xf32>
    %reduce_max3A_116 = arith.constant dense<0xFF800000> : vector<3136xf32>
    %reduce_max3A_117 = vector.multi_reduction <maximumf>, %select_n3A_115, %reduce_max3A_116 [0] : vector<49x3136xf32> to vector<3136xf32>
    %broadcast_in_dim3A_118 = vector.shape_cast %reduce_max3A_117 : vector<3136xf32> to vector<1x3136xf32>
    %ge3A_119 = vector.broadcast %broadcast_in_dim3A_118 : vector<1x3136xf32> to vector<49x3136xf32>
    %ge3A_120 = arith.cmpf oge, %select_n3A_115, %ge3A_119 : vector<49x3136xf32>
    %jit3A_121 = arith.constant 49 : i32
    %broadcast_in_dim3A_122 = vector.broadcast %jit3A_121 : i32 to vector<49x3136xi32>
    %select_n3A_123 = arith.select %ge3A_120, %iota3A, %broadcast_in_dim3A_122 : vector<49x3136xi1>, vector<49x3136xi32>
    %reduce_min3A_124 = arith.constant dense<2147483647> : vector<3136xi32>
    %reduce_min3A_125 = vector.multi_reduction <minsi>, %select_n3A_123, %reduce_min3A_124 [0] : vector<49x3136xi32> to vector<3136xi32>
    %broadcast_in_dim3A_126 = vector.shape_cast %reduce_min3A_125 : vector<3136xi32> to vector<1x3136xi32>
    %eq3A_127 = vector.broadcast %broadcast_in_dim3A_126 : vector<1x3136xi32> to vector<49x3136xi32>
    %eq3A_128 = arith.cmpi eq, %iota3A, %eq3A_127 : vector<49x3136xi32>
    %jit3A_129 = arith.constant -3.000000e+38 : f32
    %broadcast_in_dim3A_130 = vector.broadcast %jit3A_129 : f32 to vector<49x3136xf32>
    %select_n3A_131 = arith.select %eq3A_128, %broadcast_in_dim3A_130, %select_n3A_115 : vector<49x3136xi1>, vector<49x3136xf32>
    %reduce_max3A_132 = arith.constant dense<0xFF800000> : vector<3136xf32>
    %reduce_max3A_133 = vector.multi_reduction <maximumf>, %select_n3A_131, %reduce_max3A_132 [0] : vector<49x3136xf32> to vector<3136xf32>
    %broadcast_in_dim3A_134 = vector.shape_cast %reduce_max3A_133 : vector<3136xf32> to vector<1x3136xf32>
    %ge3A_135 = vector.broadcast %broadcast_in_dim3A_134 : vector<1x3136xf32> to vector<49x3136xf32>
    %ge3A_136 = arith.cmpf oge, %select_n3A_131, %ge3A_135 : vector<49x3136xf32>
    %jit3A_137 = arith.constant 49 : i32
    %broadcast_in_dim3A_138 = vector.broadcast %jit3A_137 : i32 to vector<49x3136xi32>
    %select_n3A_139 = arith.select %ge3A_136, %iota3A, %broadcast_in_dim3A_138 : vector<49x3136xi1>, vector<49x3136xi32>
    %reduce_min3A_140 = arith.constant dense<2147483647> : vector<3136xi32>
    %reduce_min3A_141 = vector.multi_reduction <minsi>, %select_n3A_139, %reduce_min3A_140 [0] : vector<49x3136xi32> to vector<3136xi32>
    %broadcast_in_dim3A_142 = vector.shape_cast %reduce_min3A_141 : vector<3136xi32> to vector<1x3136xi32>
    %eq3A_143 = vector.broadcast %broadcast_in_dim3A_142 : vector<1x3136xi32> to vector<49x3136xi32>
    %eq3A_144 = arith.cmpi eq, %iota3A, %eq3A_143 : vector<49x3136xi32>
    %jit3A_145 = arith.constant -3.000000e+38 : f32
    %broadcast_in_dim3A_146 = vector.broadcast %jit3A_145 : f32 to vector<49x3136xf32>
    %select_n3A_147 = arith.select %eq3A_144, %broadcast_in_dim3A_146, %select_n3A_131 : vector<49x3136xi1>, vector<49x3136xf32>
    %reduce_max3A_148 = arith.constant dense<0xFF800000> : vector<3136xf32>
    %reduce_max3A_149 = vector.multi_reduction <maximumf>, %select_n3A_147, %reduce_max3A_148 [0] : vector<49x3136xf32> to vector<3136xf32>
    %broadcast_in_dim3A_150 = vector.shape_cast %reduce_max3A_149 : vector<3136xf32> to vector<1x3136xf32>
    %ge3A_151 = vector.broadcast %broadcast_in_dim3A_150 : vector<1x3136xf32> to vector<49x3136xf32>
    %ge3A_152 = arith.cmpf oge, %select_n3A_147, %ge3A_151 : vector<49x3136xf32>
    %jit3A_153 = arith.constant 49 : i32
    %broadcast_in_dim3A_154 = vector.broadcast %jit3A_153 : i32 to vector<49x3136xi32>
    %select_n3A_155 = arith.select %ge3A_152, %iota3A, %broadcast_in_dim3A_154 : vector<49x3136xi1>, vector<49x3136xi32>
    %reduce_min3A_156 = arith.constant dense<2147483647> : vector<3136xi32>
    %reduce_min3A_157 = vector.multi_reduction <minsi>, %select_n3A_155, %reduce_min3A_156 [0] : vector<49x3136xi32> to vector<3136xi32>
    %broadcast_in_dim3A_158 = vector.shape_cast %reduce_min3A_157 : vector<3136xi32> to vector<1x3136xi32>
    %eq3A_159 = vector.broadcast %broadcast_in_dim3A_158 : vector<1x3136xi32> to vector<49x3136xi32>
    %eq3A_160 = arith.cmpi eq, %iota3A, %eq3A_159 : vector<49x3136xi32>
    %jit3A_161 = arith.constant -3.000000e+38 : f32
    %broadcast_in_dim3A_162 = vector.broadcast %jit3A_161 : f32 to vector<49x3136xf32>
    %select_n3A_163 = arith.select %eq3A_160, %broadcast_in_dim3A_162, %select_n3A_147 : vector<49x3136xi1>, vector<49x3136xf32>
    %reduce_max3A_164 = arith.constant dense<0xFF800000> : vector<3136xf32>
    %reduce_max3A_165 = vector.multi_reduction <maximumf>, %select_n3A_163, %reduce_max3A_164 [0] : vector<49x3136xf32> to vector<3136xf32>
    %broadcast_in_dim3A_166 = vector.shape_cast %reduce_max3A_165 : vector<3136xf32> to vector<1x3136xf32>
    %ge3A_167 = vector.broadcast %broadcast_in_dim3A_166 : vector<1x3136xf32> to vector<49x3136xf32>
    %ge3A_168 = arith.cmpf oge, %select_n3A_163, %ge3A_167 : vector<49x3136xf32>
    %jit3A_169 = arith.constant 49 : i32
    %broadcast_in_dim3A_170 = vector.broadcast %jit3A_169 : i32 to vector<49x3136xi32>
    %select_n3A_171 = arith.select %ge3A_168, %iota3A, %broadcast_in_dim3A_170 : vector<49x3136xi1>, vector<49x3136xi32>
    %reduce_min3A_172 = arith.constant dense<2147483647> : vector<3136xi32>
    %reduce_min3A_173 = vector.multi_reduction <minsi>, %select_n3A_171, %reduce_min3A_172 [0] : vector<49x3136xi32> to vector<3136xi32>
    %broadcast_in_dim3A_174 = vector.shape_cast %reduce_min3A_173 : vector<3136xi32> to vector<1x3136xi32>
    %eq3A_175 = vector.broadcast %broadcast_in_dim3A_174 : vector<1x3136xi32> to vector<49x3136xi32>
    %eq3A_176 = arith.cmpi eq, %iota3A, %eq3A_175 : vector<49x3136xi32>
    %jit3A_177 = arith.constant -3.000000e+38 : f32
    %broadcast_in_dim3A_178 = vector.broadcast %jit3A_177 : f32 to vector<49x3136xf32>
    %select_n3A_179 = arith.select %eq3A_176, %broadcast_in_dim3A_178, %select_n3A_163 : vector<49x3136xi1>, vector<49x3136xf32>
    %reduce_max3A_180 = arith.constant dense<0xFF800000> : vector<3136xf32>
    %reduce_max3A_181 = vector.multi_reduction <maximumf>, %select_n3A_179, %reduce_max3A_180 [0] : vector<49x3136xf32> to vector<3136xf32>
    %broadcast_in_dim3A_182 = vector.shape_cast %reduce_max3A_181 : vector<3136xf32> to vector<1x3136xf32>
    %ge3A_183 = vector.broadcast %broadcast_in_dim3A_182 : vector<1x3136xf32> to vector<49x3136xf32>
    %ge3A_184 = arith.cmpf oge, %select_n3A_179, %ge3A_183 : vector<49x3136xf32>
    %jit3A_185 = arith.constant 49 : i32
    %broadcast_in_dim3A_186 = vector.broadcast %jit3A_185 : i32 to vector<49x3136xi32>
    %select_n3A_187 = arith.select %ge3A_184, %iota3A, %broadcast_in_dim3A_186 : vector<49x3136xi1>, vector<49x3136xi32>
    %reduce_min3A_188 = arith.constant dense<2147483647> : vector<3136xi32>
    %reduce_min3A_189 = vector.multi_reduction <minsi>, %select_n3A_187, %reduce_min3A_188 [0] : vector<49x3136xi32> to vector<3136xi32>
    %broadcast_in_dim3A_190 = vector.shape_cast %reduce_min3A_189 : vector<3136xi32> to vector<1x3136xi32>
    %eq3A_191 = vector.broadcast %broadcast_in_dim3A_190 : vector<1x3136xi32> to vector<49x3136xi32>
    %eq3A_192 = arith.cmpi eq, %iota3A, %eq3A_191 : vector<49x3136xi32>
    %jit3A_193 = arith.constant -3.000000e+38 : f32
    %broadcast_in_dim3A_194 = vector.broadcast %jit3A_193 : f32 to vector<49x3136xf32>
    %select_n3A_195 = arith.select %eq3A_192, %broadcast_in_dim3A_194, %select_n3A_179 : vector<49x3136xi1>, vector<49x3136xf32>
    %reduce_max3A_196 = arith.constant dense<0xFF800000> : vector<3136xf32>
    %reduce_max3A_197 = vector.multi_reduction <maximumf>, %select_n3A_195, %reduce_max3A_196 [0] : vector<49x3136xf32> to vector<3136xf32>
    %broadcast_in_dim3A_198 = vector.shape_cast %reduce_max3A_197 : vector<3136xf32> to vector<1x3136xf32>
    %ge3A_199 = vector.broadcast %broadcast_in_dim3A_198 : vector<1x3136xf32> to vector<49x3136xf32>
    %ge3A_200 = arith.cmpf oge, %select_n3A_195, %ge3A_199 : vector<49x3136xf32>
    %jit3A_201 = arith.constant 49 : i32
    %broadcast_in_dim3A_202 = vector.broadcast %jit3A_201 : i32 to vector<49x3136xi32>
    %select_n3A_203 = arith.select %ge3A_200, %iota3A, %broadcast_in_dim3A_202 : vector<49x3136xi1>, vector<49x3136xi32>
    %reduce_min3A_204 = arith.constant dense<2147483647> : vector<3136xi32>
    %reduce_min3A_205 = vector.multi_reduction <minsi>, %select_n3A_203, %reduce_min3A_204 [0] : vector<49x3136xi32> to vector<3136xi32>
    %broadcast_in_dim3A_206 = vector.shape_cast %reduce_min3A_205 : vector<3136xi32> to vector<1x3136xi32>
    %concatenate3A = tpu.concatenate %broadcast_in_dim3A_79, %broadcast_in_dim3A_94, %broadcast_in_dim3A_110, %broadcast_in_dim3A_126, %broadcast_in_dim3A_142, %broadcast_in_dim3A_158, %broadcast_in_dim3A_174, %broadcast_in_dim3A_190, %broadcast_in_dim3A_206 in 0 : vector<1x3136xi32>, vector<1x3136xi32>, vector<1x3136xi32>, vector<1x3136xi32>, vector<1x3136xi32>, vector<1x3136xi32>, vector<1x3136xi32>, vector<1x3136xi32>, vector<1x3136xi32> -> vector<9x3136xi32>
    %broadcast_in_dim3A_207 = arith.constant 0 : i32
    %broadcast_in_dim3A_208 = vector.broadcast %broadcast_in_dim3A_207 : i32 to vector<9x8xi32>
    %slice3A_209 = vector.extract_strided_slice %concatenate3A {offsets = [0, 0], sizes = [9, 392], strides = [1, 1]} : vector<9x3136xi32> to vector<9x392xi32>
    %concatenate3A_210 = tpu.concatenate %slice3A_209, %broadcast_in_dim3A_208 in 1 : vector<9x392xi32>, vector<9x8xi32> -> vector<9x400xi32>
    %swap3A_211 = arith.constant 0 : index
    %swap3A_212 = arith.constant 0 : index
    %swap3A_213 = arith.constant 0 : index
    %swap3A_214 = arith.constant 0 : index
    %swap3A_215 = vector.load %arg8[%swap3A_211, %swap3A_212, %swap3A_213, %swap3A_214] : memref<1x8x9x400xi32, #tpu.memory_space<vmem>>, vector<1x1x9x400xi32>
    %swap3A_216 = vector.shape_cast %swap3A_215 : vector<1x1x9x400xi32> to vector<9x400xi32>
    %swap3A_217 = vector.shape_cast %concatenate3A_210 : vector<9x400xi32> to vector<1x1x9x400xi32>
    tpu.vector_store %arg8[%swap3A_211, %swap3A_212, %swap3A_213, %swap3A_214], %swap3A_217 {strides = array<i32>} : memref<1x8x9x400xi32, #tpu.memory_space<vmem>>, vector<1x1x9x400xi32>,
    %slice3A_218 = vector.extract_strided_slice %concatenate3A {offsets = [0, 392], sizes = [9, 392], strides = [1, 1]} : vector<9x3136xi32> to vector<9x392xi32>
    %concatenate3A_219 = tpu.concatenate %slice3A_218, %broadcast_in_dim3A_208 in 1 : vector<9x392xi32>, vector<9x8xi32> -> vector<9x400xi32>
    %swap3A_220 = arith.constant 0 : index
    %swap3A_221 = arith.constant 1 : index
    %swap3A_222 = arith.constant 0 : index
    %swap3A_223 = arith.constant 0 : index
    %swap3A_224 = vector.load %arg8[%swap3A_220, %swap3A_221, %swap3A_222, %swap3A_223] : memref<1x8x9x400xi32, #tpu.memory_space<vmem>>, vector<1x1x9x400xi32>
    %swap3A_225 = vector.shape_cast %swap3A_224 : vector<1x1x9x400xi32> to vector<9x400xi32>
    %swap3A_226 = vector.shape_cast %concatenate3A_219 : vector<9x400xi32> to vector<1x1x9x400xi32>
    tpu.vector_store %arg8[%swap3A_220, %swap3A_221, %swap3A_222, %swap3A_223], %swap3A_226 {strides = array<i32>} : memref<1x8x9x400xi32, #tpu.memory_space<vmem>>, vector<1x1x9x400xi32>,
    %slice3A_227 = vector.extract_strided_slice %concatenate3A {offsets = [0, 784], sizes = [9, 392], strides = [1, 1]} : vector<9x3136xi32> to vector<9x392xi32>
    %concatenate3A_228 = tpu.concatenate %slice3A_227, %broadcast_in_dim3A_208 in 1 : vector<9x392xi32>, vector<9x8xi32> -> vector<9x400xi32>
    %swap3A_229 = arith.constant 0 : index
    %swap3A_230 = arith.constant 2 : index
    %swap3A_231 = arith.constant 0 : index
    %swap3A_232 = arith.constant 0 : index
    %swap3A_233 = vector.load %arg8[%swap3A_229, %swap3A_230, %swap3A_231, %swap3A_232] : memref<1x8x9x400xi32, #tpu.memory_space<vmem>>, vector<1x1x9x400xi32>
    %swap3A_234 = vector.shape_cast %swap3A_233 : vector<1x1x9x400xi32> to vector<9x400xi32>
    %swap3A_235 = vector.shape_cast %concatenate3A_228 : vector<9x400xi32> to vector<1x1x9x400xi32>
    tpu.vector_store %arg8[%swap3A_229, %swap3A_230, %swap3A_231, %swap3A_232], %swap3A_235 {strides = array<i32>} : memref<1x8x9x400xi32, #tpu.memory_space<vmem>>, vector<1x1x9x400xi32>,
    %slice3A_236 = vector.extract_strided_slice %concatenate3A {offsets = [0, 1176], sizes = [9, 392], strides = [1, 1]} : vector<9x3136xi32> to vector<9x392xi32>
    %concatenate3A_237 = tpu.concatenate %slice3A_236, %broadcast_in_dim3A_208 in 1 : vector<9x392xi32>, vector<9x8xi32> -> vector<9x400xi32>
    %swap3A_238 = arith.constant 0 : index
    %swap3A_239 = arith.constant 3 : index
    %swap3A_240 = arith.constant 0 : index
    %swap3A_241 = arith.constant 0 : index
    %swap3A_242 = vector.load %arg8[%swap3A_238, %swap3A_239, %swap3A_240, %swap3A_241] : memref<1x8x9x400xi32, #tpu.memory_space<vmem>>, vector<1x1x9x400xi32>
    %swap3A_243 = vector.shape_cast %swap3A_242 : vector<1x1x9x400xi32> to vector<9x400xi32>
    %swap3A_244 = vector.shape_cast %concatenate3A_237 : vector<9x400xi32> to vector<1x1x9x400xi32>
    tpu.vector_store %arg8[%swap3A_238, %swap3A_239, %swap3A_240, %swap3A_241], %swap3A_244 {strides = array<i32>} : memref<1x8x9x400xi32, #tpu.memory_space<vmem>>, vector<1x1x9x400xi32>,
    %slice3A_245 = vector.extract_strided_slice %concatenate3A {offsets = [0, 1568], sizes = [9, 392], strides = [1, 1]} : vector<9x3136xi32> to vector<9x392xi32>
    %concatenate3A_246 = tpu.concatenate %slice3A_245, %broadcast_in_dim3A_208 in 1 : vector<9x392xi32>, vector<9x8xi32> -> vector<9x400xi32>
    %swap3A_247 = arith.constant 0 : index
    %swap3A_248 = arith.constant 4 : index
    %swap3A_249 = arith.constant 0 : index
    %swap3A_250 = arith.constant 0 : index
    %swap3A_251 = vector.load %arg8[%swap3A_247, %swap3A_248, %swap3A_249, %swap3A_250] : memref<1x8x9x400xi32, #tpu.memory_space<vmem>>, vector<1x1x9x400xi32>
    %swap3A_252 = vector.shape_cast %swap3A_251 : vector<1x1x9x400xi32> to vector<9x400xi32>
    %swap3A_253 = vector.shape_cast %concatenate3A_246 : vector<9x400xi32> to vector<1x1x9x400xi32>
    tpu.vector_store %arg8[%swap3A_247, %swap3A_248, %swap3A_249, %swap3A_250], %swap3A_253 {strides = array<i32>} : memref<1x8x9x400xi32, #tpu.memory_space<vmem>>, vector<1x1x9x400xi32>,
    %slice3A_254 = vector.extract_strided_slice %concatenate3A {offsets = [0, 1960], sizes = [9, 392], strides = [1, 1]} : vector<9x3136xi32> to vector<9x392xi32>
    %concatenate3A_255 = tpu.concatenate %slice3A_254, %broadcast_in_dim3A_208 in 1 : vector<9x392xi32>, vector<9x8xi32> -> vector<9x400xi32>
    %swap3A_256 = arith.constant 0 : index
    %swap3A_257 = arith.constant 5 : index
    %swap3A_258 = arith.constant 0 : index
    %swap3A_259 = arith.constant 0 : index
    %swap3A_260 = vector.load %arg8[%swap3A_256, %swap3A_257, %swap3A_258, %swap3A_259] : memref<1x8x9x400xi32, #tpu.memory_space<vmem>>, vector<1x1x9x400xi32>
    %swap3A_261 = vector.shape_cast %swap3A_260 : vector<1x1x9x400xi32> to vector<9x400xi32>
    %swap3A_262 = vector.shape_cast %concatenate3A_255 : vector<9x400xi32> to vector<1x1x9x400xi32>
    tpu.vector_store %arg8[%swap3A_256, %swap3A_257, %swap3A_258, %swap3A_259], %swap3A_262 {strides = array<i32>} : memref<1x8x9x400xi32, #tpu.memory_space<vmem>>, vector<1x1x9x400xi32>,
    %slice3A_263 = vector.extract_strided_slice %concatenate3A {offsets = [0, 2352], sizes = [9, 392], strides = [1, 1]} : vector<9x3136xi32> to vector<9x392xi32>
    %concatenate3A_264 = tpu.concatenate %slice3A_263, %broadcast_in_dim3A_208 in 1 : vector<9x392xi32>, vector<9x8xi32> -> vector<9x400xi32>
    %swap3A_265 = arith.constant 0 : index
    %swap3A_266 = arith.constant 6 : index
    %swap3A_267 = arith.constant 0 : index
    %swap3A_268 = arith.constant 0 : index
    %swap3A_269 = vector.load %arg8[%swap3A_265, %swap3A_266, %swap3A_267, %swap3A_268] : memref<1x8x9x400xi32, #tpu.memory_space<vmem>>, vector<1x1x9x400xi32>
    %swap3A_270 = vector.shape_cast %swap3A_269 : vector<1x1x9x400xi32> to vector<9x400xi32>
    %swap3A_271 = vector.shape_cast %concatenate3A_264 : vector<9x400xi32> to vector<1x1x9x400xi32>
    tpu.vector_store %arg8[%swap3A_265, %swap3A_266, %swap3A_267, %swap3A_268], %swap3A_271 {strides = array<i32>} : memref<1x8x9x400xi32, #tpu.memory_space<vmem>>, vector<1x1x9x400xi32>,
    %slice3A_272 = vector.extract_strided_slice %concatenate3A {offsets = [0, 2744], sizes = [9, 392], strides = [1, 1]} : vector<9x3136xi32> to vector<9x392xi32>
    %concatenate3A_273 = tpu.concatenate %slice3A_272, %broadcast_in_dim3A_208 in 1 : vector<9x392xi32>, vector<9x8xi32> -> vector<9x400xi32>
    %swap3A_274 = arith.constant 0 : index
    %swap3A_275 = arith.constant 7 : index
    %swap3A_276 = arith.constant 0 : index
    %swap3A_277 = arith.constant 0 : index
    %swap3A_278 = vector.load %arg8[%swap3A_274, %swap3A_275, %swap3A_276, %swap3A_277] : memref<1x8x9x400xi32, #tpu.memory_space<vmem>>, vector<1x1x9x400xi32>
    %swap3A_279 = vector.shape_cast %swap3A_278 : vector<1x1x9x400xi32> to vector<9x400xi32>
    %swap3A_280 = vector.shape_cast %concatenate3A_273 : vector<9x400xi32> to vector<1x1x9x400xi32>
    tpu.vector_store %arg8[%swap3A_274, %swap3A_275, %swap3A_276, %swap3A_277], %swap3A_280 {strides = array<i32>} : memref<1x8x9x400xi32, #tpu.memory_space<vmem>>, vector<1x1x9x400xi32>,
    return
  }
  func.func @transform_0(%arg0: i32) -> (i32, i32, i32) {
    %add3A = arith.constant 4 : i32
    %add3A_0 = arith.addi %arg0, %add3A : i32
    %c0_i32 = arith.constant 0 : i32
    %c0_i32_1 = arith.constant 0 : i32
    %c0_i32_2 = arith.constant 0 : i32
    return %add3A_0, %c0_i32, %c0_i32_1 : i32, i32, i32
  }
  func.func @transform_1(%arg0: i32) -> (i32, i32) {
    %c0_i32 = arith.constant 0 : i32
    %c0_i32_0 = arith.constant 0 : i32
    %c0_i32_1 = arith.constant 0 : i32
    return %c0_i32, %c0_i32_0 : i32, i32
  }
  func.func @transform_2(%arg0: i32) -> (i32, i32) {
    %c0_i32 = arith.constant 0 : i32
    %c0_i32_0 = arith.constant 0 : i32
    %c0_i32_1 = arith.constant 0 : i32
    return %c0_i32, %c0_i32_0 : i32, i32
  }
  func.func @transform_3(%arg0: i32) -> (i32, i32) {
    %c0_i32 = arith.constant 0 : i32
    %c0_i32_0 = arith.constant 0 : i32
    %c0_i32_1 = arith.constant 0 : i32
    return %c0_i32, %c0_i32_0 : i32, i32
  }
  func.func @transform_4(%arg0: i32) -> (i32, i32) {
    %c0_i32 = arith.constant 0 : i32
    %c0_i32_0 = arith.constant 0 : i32
    %c0_i32_1 = arith.constant 0 : i32
    return %c0_i32, %c0_i32_0 : i32, i32
  }
  func.func @transform_5(%arg0: i32) -> (i32, i32, i32) {
    %c0_i32 = arith.constant 0 : i32
    %c0_i32_0 = arith.constant 0 : i32
    %c0_i32_1 = arith.constant 0 : i32
    return %arg0, %c0_i32, %c0_i32_0 : i32, i32, i32
  }
  func.func @transform_6(%arg0: i32) -> (i32, i32, i32) {
    %c0_i32 = arith.constant 0 : i32
    %c0_i32_0 = arith.constant 0 : i32
    %c0_i32_1 = arith.constant 0 : i32
    return %arg0, %c0_i32, %c0_i32_0 : i32, i32, i32
  }
  func.func @transform_7(%arg0: i32) -> (i32, i32, i32, i32) {
    %c0_i32 = arith.constant 0 : i32
    %c0_i32_0 = arith.constant 0 : i32
    %c0_i32_1 = arith.constant 0 : i32
    %c0_i32_2 = arith.constant 0 : i32
    return %arg0, %c0_i32, %c0_i32_0, %c0_i32_1 : i32, i32, i32, i32
  }
}

module attributes {stable_mosaic.version = 14 : i64} {
  func.func @_tc2b_body(%arg0: i32, %arg1: memref<1x96x3136xf32, #tpu.memory_space<vmem>>, %arg2: memref<1x96x3136xf32, #tpu.memory_space<vmem>>, %arg3: memref<1x8x96x400xf32, #tpu.memory_space<vmem>>, %arg4: memref<1x96x3136xf32, #tpu.memory_space<vmem>>, %arg5: memref<192x192xf32, #tpu.memory_space<vmem>>, %arg6: memref<192x1xf32, #tpu.memory_space<vmem>>, %arg7: memref<192x1xf32, #tpu.memory_space<vmem>>, %arg8: memref<192x1xf32, #tpu.memory_space<vmem>>, %arg9: memref<96x192xf32, #tpu.memory_space<vmem>>, %arg10: memref<96x1xf32, #tpu.memory_space<vmem>>, %arg11: memref<1x96x3136xf32, #tpu.memory_space<vmem>>) attributes {dimension_semantics = [#tpu.dimension_semantics<arbitrary>], iteration_bounds = array<i64: 8>, scalar_prefetch = 0 : i64, scratch_operands = 0 : i64, tpu.core_type = #tpu.core_type<tc>, window_params = [{transform_indices = @transform_0, window_bounds = array<i64: 1, 96, 3136>}, {transform_indices = @transform_1, window_bounds = array<i64: 1, 96, 3136>}, {transform_indices = @transform_2, window_bounds = array<i64: 1, 8, 96, 400>}, {transform_indices = @transform_3, window_bounds = array<i64: 1, 96, 3136>}, {pipeline_mode = #tpu.pipeline_mode<synchronous>, transform_indices = @transform_4, window_bounds = array<i64: 192, 192>}, {pipeline_mode = #tpu.pipeline_mode<synchronous>, transform_indices = @transform_5, window_bounds = array<i64: 192, 1>}, {pipeline_mode = #tpu.pipeline_mode<synchronous>, transform_indices = @transform_6, window_bounds = array<i64: 192, 1>}, {pipeline_mode = #tpu.pipeline_mode<synchronous>, transform_indices = @transform_7, window_bounds = array<i64: 192, 1>}, {pipeline_mode = #tpu.pipeline_mode<synchronous>, transform_indices = @transform_8, window_bounds = array<i64: 96, 192>}, {pipeline_mode = #tpu.pipeline_mode<synchronous>, transform_indices = @transform_9, window_bounds = array<i64: 96, 1>}, {transform_indices = @transform_10, window_bounds = array<i64: 1, 96, 3136>}]} {
    %lt3A = arith.constant 4 : i32
    %lt3A_0 = arith.cmpi slt, %arg0, %lt3A : i32
    %convert_element_type3A = arith.extui %lt3A_0 : i1 to i32
    %cond3A = arith.constant 0 : i32
    %cond3A_1 = arith.cmpi ne, %convert_element_type3A, %cond3A : i32
    scf.if %cond3A_1 {
      %get3A = arith.constant 0 : index
      %get3A_6 = arith.constant 0 : index
      %get3A_7 = arith.constant 0 : index
      %get3A_8 = vector.load %arg1[%get3A, %get3A_6, %get3A_7] : memref<1x96x3136xf32, #tpu.memory_space<vmem>>, vector<1x96x3136xf32>
      %get3A_9 = vector.shape_cast %get3A_8 : vector<1x96x3136xf32> to vector<96x3136xf32>
      %swap3A = arith.constant 0 : index
      %swap3A_10 = arith.constant 0 : index
      %swap3A_11 = arith.constant 0 : index
      %swap3A_12 = vector.load %arg11[%swap3A, %swap3A_10, %swap3A_11] : memref<1x96x3136xf32, #tpu.memory_space<vmem>>, vector<1x96x3136xf32>
      %swap3A_13 = vector.shape_cast %swap3A_12 : vector<1x96x3136xf32> to vector<96x3136xf32>
      %swap3A_14 = vector.shape_cast %get3A_9 : vector<96x3136xf32> to vector<1x96x3136xf32>
      tpu.vector_store %arg11[%swap3A, %swap3A_10, %swap3A_11], %swap3A_14 {strides = array<i32>} : memref<1x96x3136xf32, #tpu.memory_space<vmem>>, vector<1x96x3136xf32>,
    } else {
    }
    %ge3A = arith.constant 4 : i32
    %ge3A_2 = arith.cmpi sge, %arg0, %ge3A : i32
    %convert_element_type3A_3 = arith.extui %ge3A_2 : i1 to i32
    %cond3A_4 = arith.constant 0 : i32
    %cond3A_5 = arith.cmpi ne, %convert_element_type3A_3, %cond3A_4 : i32
    scf.if %cond3A_5 {
      %get3A = arith.constant 0 : index
      %get3A_6 = arith.constant 0 : index
      %get3A_7 = arith.constant 0 : index
      %get3A_8 = vector.load %arg2[%get3A, %get3A_6, %get3A_7] : memref<1x96x3136xf32, #tpu.memory_space<vmem>>, vector<1x96x3136xf32>
      %get3A_9 = vector.shape_cast %get3A_8 : vector<1x96x3136xf32> to vector<96x3136xf32>
      %get3A_10 = arith.constant 0 : index
      %get3A_11 = arith.constant 0 : index
      %get3A_12 = arith.constant 0 : index
      %get3A_13 = vector.load %arg4[%get3A_10, %get3A_11, %get3A_12] : memref<1x96x3136xf32, #tpu.memory_space<vmem>>, vector<1x96x3136xf32>
      %get3A_14 = vector.shape_cast %get3A_13 : vector<1x96x3136xf32> to vector<96x3136xf32>
      %get3A_15 = arith.constant 0 : index
      %get3A_16 = arith.constant 0 : index
      %get3A_17 = arith.constant 0 : index
      %get3A_18 = arith.constant 0 : index
      %get3A_19 = vector.load %arg3[%get3A_15, %get3A_16, %get3A_17, %get3A_18] : memref<1x8x96x400xf32, #tpu.memory_space<vmem>>, vector<1x1x96x392xf32>
      %get3A_20 = vector.shape_cast %get3A_19 : vector<1x1x96x392xf32> to vector<96x392xf32>
      %get3A_21 = arith.constant 0 : index
      %get3A_22 = arith.constant 1 : index
      %get3A_23 = arith.constant 0 : index
      %get3A_24 = arith.constant 0 : index
      %get3A_25 = vector.load %arg3[%get3A_21, %get3A_22, %get3A_23, %get3A_24] : memref<1x8x96x400xf32, #tpu.memory_space<vmem>>, vector<1x1x96x392xf32>
      %get3A_26 = vector.shape_cast %get3A_25 : vector<1x1x96x392xf32> to vector<96x392xf32>
      %get3A_27 = arith.constant 0 : index
      %get3A_28 = arith.constant 2 : index
      %get3A_29 = arith.constant 0 : index
      %get3A_30 = arith.constant 0 : index
      %get3A_31 = vector.load %arg3[%get3A_27, %get3A_28, %get3A_29, %get3A_30] : memref<1x8x96x400xf32, #tpu.memory_space<vmem>>, vector<1x1x96x392xf32>
      %get3A_32 = vector.shape_cast %get3A_31 : vector<1x1x96x392xf32> to vector<96x392xf32>
      %get3A_33 = arith.constant 0 : index
      %get3A_34 = arith.constant 3 : index
      %get3A_35 = arith.constant 0 : index
      %get3A_36 = arith.constant 0 : index
      %get3A_37 = vector.load %arg3[%get3A_33, %get3A_34, %get3A_35, %get3A_36] : memref<1x8x96x400xf32, #tpu.memory_space<vmem>>, vector<1x1x96x392xf32>
      %get3A_38 = vector.shape_cast %get3A_37 : vector<1x1x96x392xf32> to vector<96x392xf32>
      %get3A_39 = arith.constant 0 : index
      %get3A_40 = arith.constant 4 : index
      %get3A_41 = arith.constant 0 : index
      %get3A_42 = arith.constant 0 : index
      %get3A_43 = vector.load %arg3[%get3A_39, %get3A_40, %get3A_41, %get3A_42] : memref<1x8x96x400xf32, #tpu.memory_space<vmem>>, vector<1x1x96x392xf32>
      %get3A_44 = vector.shape_cast %get3A_43 : vector<1x1x96x392xf32> to vector<96x392xf32>
      %get3A_45 = arith.constant 0 : index
      %get3A_46 = arith.constant 5 : index
      %get3A_47 = arith.constant 0 : index
      %get3A_48 = arith.constant 0 : index
      %get3A_49 = vector.load %arg3[%get3A_45, %get3A_46, %get3A_47, %get3A_48] : memref<1x8x96x400xf32, #tpu.memory_space<vmem>>, vector<1x1x96x392xf32>
      %get3A_50 = vector.shape_cast %get3A_49 : vector<1x1x96x392xf32> to vector<96x392xf32>
      %get3A_51 = arith.constant 0 : index
      %get3A_52 = arith.constant 6 : index
      %get3A_53 = arith.constant 0 : index
      %get3A_54 = arith.constant 0 : index
      %get3A_55 = vector.load %arg3[%get3A_51, %get3A_52, %get3A_53, %get3A_54] : memref<1x8x96x400xf32, #tpu.memory_space<vmem>>, vector<1x1x96x392xf32>
      %get3A_56 = vector.shape_cast %get3A_55 : vector<1x1x96x392xf32> to vector<96x392xf32>
      %get3A_57 = arith.constant 0 : index
      %get3A_58 = arith.constant 7 : index
      %get3A_59 = arith.constant 0 : index
      %get3A_60 = arith.constant 0 : index
      %get3A_61 = vector.load %arg3[%get3A_57, %get3A_58, %get3A_59, %get3A_60] : memref<1x8x96x400xf32, #tpu.memory_space<vmem>>, vector<1x1x96x392xf32>
      %get3A_62 = vector.shape_cast %get3A_61 : vector<1x1x96x392xf32> to vector<96x392xf32>
      %concatenate3A = tpu.concatenate %get3A_20, %get3A_26, %get3A_32, %get3A_38, %get3A_44, %get3A_50, %get3A_56, %get3A_62 in 1 : vector<96x392xf32>, vector<96x392xf32>, vector<96x392xf32>, vector<96x392xf32>, vector<96x392xf32>, vector<96x392xf32>, vector<96x392xf32>, vector<96x392xf32> -> vector<96x3136xf32>
      %sub3A = arith.subf %concatenate3A, %get3A_9 : vector<96x3136xf32>
      %concatenate3A_63 = tpu.concatenate %get3A_9, %sub3A in 0 : vector<96x3136xf32>, vector<96x3136xf32> -> vector<192x3136xf32>
      %get3A_64 = arith.constant 0 : index
      %get3A_65 = arith.constant 0 : index
      %get3A_66 = vector.load %arg5[%get3A_64, %get3A_65] : memref<192x192xf32, #tpu.memory_space<vmem>>, vector<192x192xf32>
      %convert_element_type3A_67 = arith.truncf %get3A_66 : vector<192x192xf32> to vector<192x192xbf16>
      %convert_element_type3A_68 = arith.truncf %concatenate3A_63 : vector<192x3136xf32> to vector<192x3136xbf16>
      %dot_general3A = arith.constant dense<0.000000e+00> : vector<192x3136xf32>
      %dot_general3A_69 = tpu.matmul %convert_element_type3A_67, %convert_element_type3A_68, %dot_general3A {dimension_numbers = #tpu.dot_dimension_numbers<[1], [0], [0], [1], [0, 0, 1, 1], [], []>, transpose_lhs_hint = false} : vector<192x192xbf16>, vector<192x3136xbf16>, vector<192x3136xf32> -> vector<192x3136xf32>
      %get3A_70 = arith.constant 0 : index
      %get3A_71 = arith.constant 0 : index
      %get3A_72 = vector.load %arg6[%get3A_70, %get3A_71] : memref<192x1xf32, #tpu.memory_space<vmem>>, vector<192x1xf32>
      %add3A = vector.broadcast %get3A_72 : vector<192x1xf32> to vector<192x3136xf32>
      %add3A_73 = arith.addf %dot_general3A_69, %add3A : vector<192x3136xf32>
      %slice3A = vector.extract_strided_slice %add3A_73 {offsets = [0, 0], sizes = [48, 3136], strides = [1, 1]} : vector<192x3136xf32> to vector<48x3136xf32>
      %reduce_sum3A = vector.shape_cast %slice3A : vector<48x3136xf32> to vector<1x48x3136xf32>
      %reduce_sum3A_74 = arith.constant dense<0.000000e+00> : vector<1xf32>
      %reduce_sum3A_75 = vector.multi_reduction <add>, %reduce_sum3A, %reduce_sum3A_74 [1, 2] : vector<1x48x3136xf32> to vector<1xf32>
      %reduce_sum3A_76 = vector.shape_cast %reduce_sum3A_75 : vector<1xf32> to vector<1x1x1xf32>
      %reduce_sum3A_77 = vector.extract %reduce_sum3A_76[0, 0, 0] : f32 from vector<1x1x1xf32>
      %div3A = arith.constant 1.505280e+05 : f32
      %div3A_78 = arith.divf %reduce_sum3A_77, %div3A : f32
      %sub3A_79 = vector.broadcast %div3A_78 : f32 to vector<48x3136xf32>
      %sub3A_80 = arith.subf %slice3A, %sub3A_79 : vector<48x3136xf32>
      %mul3A = arith.mulf %sub3A_80, %sub3A_80 : vector<48x3136xf32>
      %reduce_sum3A_81 = vector.shape_cast %mul3A : vector<48x3136xf32> to vector<1x48x3136xf32>
      %reduce_sum3A_82 = arith.constant dense<0.000000e+00> : vector<1xf32>
      %reduce_sum3A_83 = vector.multi_reduction <add>, %reduce_sum3A_81, %reduce_sum3A_82 [1, 2] : vector<1x48x3136xf32> to vector<1xf32>
      %reduce_sum3A_84 = vector.shape_cast %reduce_sum3A_83 : vector<1xf32> to vector<1x1x1xf32>
      %reduce_sum3A_85 = vector.extract %reduce_sum3A_84[0, 0, 0] : f32 from vector<1x1x1xf32>
      %div3A_86 = arith.constant 1.505280e+05 : f32
      %div3A_87 = arith.divf %reduce_sum3A_85, %div3A_86 : f32
      %add3A_88 = arith.constant 9.99999974E-6 : f32
      %add3A_89 = arith.addf %div3A_87, %add3A_88 : f32
      %rsqrt3A = math.rsqrt %add3A_89 : f32
      %mul3A_90 = vector.broadcast %rsqrt3A : f32 to vector<48x3136xf32>
      %mul3A_91 = arith.mulf %sub3A_80, %mul3A_90 : vector<48x3136xf32>
      %slice3A_92 = vector.extract_strided_slice %add3A_73 {offsets = [48, 0], sizes = [48, 3136], strides = [1, 1]} : vector<192x3136xf32> to vector<48x3136xf32>
      %reduce_sum3A_93 = vector.shape_cast %slice3A_92 : vector<48x3136xf32> to vector<1x48x3136xf32>
      %reduce_sum3A_94 = arith.constant dense<0.000000e+00> : vector<1xf32>
      %reduce_sum3A_95 = vector.multi_reduction <add>, %reduce_sum3A_93, %reduce_sum3A_94 [1, 2] : vector<1x48x3136xf32> to vector<1xf32>
      %reduce_sum3A_96 = vector.shape_cast %reduce_sum3A_95 : vector<1xf32> to vector<1x1x1xf32>
      %reduce_sum3A_97 = vector.extract %reduce_sum3A_96[0, 0, 0] : f32 from vector<1x1x1xf32>
      %div3A_98 = arith.constant 1.505280e+05 : f32
      %div3A_99 = arith.divf %reduce_sum3A_97, %div3A_98 : f32
      %sub3A_100 = vector.broadcast %div3A_99 : f32 to vector<48x3136xf32>
      %sub3A_101 = arith.subf %slice3A_92, %sub3A_100 : vector<48x3136xf32>
      %mul3A_102 = arith.mulf %sub3A_101, %sub3A_101 : vector<48x3136xf32>
      %reduce_sum3A_103 = vector.shape_cast %mul3A_102 : vector<48x3136xf32> to vector<1x48x3136xf32>
      %reduce_sum3A_104 = arith.constant dense<0.000000e+00> : vector<1xf32>
      %reduce_sum3A_105 = vector.multi_reduction <add>, %reduce_sum3A_103, %reduce_sum3A_104 [1, 2] : vector<1x48x3136xf32> to vector<1xf32>
      %reduce_sum3A_106 = vector.shape_cast %reduce_sum3A_105 : vector<1xf32> to vector<1x1x1xf32>
      %reduce_sum3A_107 = vector.extract %reduce_sum3A_106[0, 0, 0] : f32 from vector<1x1x1xf32>
      %div3A_108 = arith.constant 1.505280e+05 : f32
      %div3A_109 = arith.divf %reduce_sum3A_107, %div3A_108 : f32
      %add3A_110 = arith.constant 9.99999974E-6 : f32
      %add3A_111 = arith.addf %div3A_109, %add3A_110 : f32
      %rsqrt3A_112 = math.rsqrt %add3A_111 : f32
      %mul3A_113 = vector.broadcast %rsqrt3A_112 : f32 to vector<48x3136xf32>
      %mul3A_114 = arith.mulf %sub3A_101, %mul3A_113 : vector<48x3136xf32>
      %slice3A_115 = vector.extract_strided_slice %add3A_73 {offsets = [96, 0], sizes = [48, 3136], strides = [1, 1]} : vector<192x3136xf32> to vector<48x3136xf32>
      %reduce_sum3A_116 = vector.shape_cast %slice3A_115 : vector<48x3136xf32> to vector<1x48x3136xf32>
      %reduce_sum3A_117 = arith.constant dense<0.000000e+00> : vector<1xf32>
      %reduce_sum3A_118 = vector.multi_reduction <add>, %reduce_sum3A_116, %reduce_sum3A_117 [1, 2] : vector<1x48x3136xf32> to vector<1xf32>
      %reduce_sum3A_119 = vector.shape_cast %reduce_sum3A_118 : vector<1xf32> to vector<1x1x1xf32>
      %reduce_sum3A_120 = vector.extract %reduce_sum3A_119[0, 0, 0] : f32 from vector<1x1x1xf32>
      %div3A_121 = arith.constant 1.505280e+05 : f32
      %div3A_122 = arith.divf %reduce_sum3A_120, %div3A_121 : f32
      %sub3A_123 = vector.broadcast %div3A_122 : f32 to vector<48x3136xf32>
      %sub3A_124 = arith.subf %slice3A_115, %sub3A_123 : vector<48x3136xf32>
      %mul3A_125 = arith.mulf %sub3A_124, %sub3A_124 : vector<48x3136xf32>
      %reduce_sum3A_126 = vector.shape_cast %mul3A_125 : vector<48x3136xf32> to vector<1x48x3136xf32>
      %reduce_sum3A_127 = arith.constant dense<0.000000e+00> : vector<1xf32>
      %reduce_sum3A_128 = vector.multi_reduction <add>, %reduce_sum3A_126, %reduce_sum3A_127 [1, 2] : vector<1x48x3136xf32> to vector<1xf32>
      %reduce_sum3A_129 = vector.shape_cast %reduce_sum3A_128 : vector<1xf32> to vector<1x1x1xf32>
      %reduce_sum3A_130 = vector.extract %reduce_sum3A_129[0, 0, 0] : f32 from vector<1x1x1xf32>
      %div3A_131 = arith.constant 1.505280e+05 : f32
      %div3A_132 = arith.divf %reduce_sum3A_130, %div3A_131 : f32
      %add3A_133 = arith.constant 9.99999974E-6 : f32
      %add3A_134 = arith.addf %div3A_132, %add3A_133 : f32
      %rsqrt3A_135 = math.rsqrt %add3A_134 : f32
      %mul3A_136 = vector.broadcast %rsqrt3A_135 : f32 to vector<48x3136xf32>
      %mul3A_137 = arith.mulf %sub3A_124, %mul3A_136 : vector<48x3136xf32>
      %slice3A_138 = vector.extract_strided_slice %add3A_73 {offsets = [144, 0], sizes = [48, 3136], strides = [1, 1]} : vector<192x3136xf32> to vector<48x3136xf32>
      %reduce_sum3A_139 = vector.shape_cast %slice3A_138 : vector<48x3136xf32> to vector<1x48x3136xf32>
      %reduce_sum3A_140 = arith.constant dense<0.000000e+00> : vector<1xf32>
      %reduce_sum3A_141 = vector.multi_reduction <add>, %reduce_sum3A_139, %reduce_sum3A_140 [1, 2] : vector<1x48x3136xf32> to vector<1xf32>
      %reduce_sum3A_142 = vector.shape_cast %reduce_sum3A_141 : vector<1xf32> to vector<1x1x1xf32>
      %reduce_sum3A_143 = vector.extract %reduce_sum3A_142[0, 0, 0] : f32 from vector<1x1x1xf32>
      %div3A_144 = arith.constant 1.505280e+05 : f32
      %div3A_145 = arith.divf %reduce_sum3A_143, %div3A_144 : f32
      %sub3A_146 = vector.broadcast %div3A_145 : f32 to vector<48x3136xf32>
      %sub3A_147 = arith.subf %slice3A_138, %sub3A_146 : vector<48x3136xf32>
      %mul3A_148 = arith.mulf %sub3A_147, %sub3A_147 : vector<48x3136xf32>
      %reduce_sum3A_149 = vector.shape_cast %mul3A_148 : vector<48x3136xf32> to vector<1x48x3136xf32>
      %reduce_sum3A_150 = arith.constant dense<0.000000e+00> : vector<1xf32>
      %reduce_sum3A_151 = vector.multi_reduction <add>, %reduce_sum3A_149, %reduce_sum3A_150 [1, 2] : vector<1x48x3136xf32> to vector<1xf32>
      %reduce_sum3A_152 = vector.shape_cast %reduce_sum3A_151 : vector<1xf32> to vector<1x1x1xf32>
      %reduce_sum3A_153 = vector.extract %reduce_sum3A_152[0, 0, 0] : f32 from vector<1x1x1xf32>
      %div3A_154 = arith.constant 1.505280e+05 : f32
      %div3A_155 = arith.divf %reduce_sum3A_153, %div3A_154 : f32
      %add3A_156 = arith.constant 9.99999974E-6 : f32
      %add3A_157 = arith.addf %div3A_155, %add3A_156 : f32
      %rsqrt3A_158 = math.rsqrt %add3A_157 : f32
      %mul3A_159 = vector.broadcast %rsqrt3A_158 : f32 to vector<48x3136xf32>
      %mul3A_160 = arith.mulf %sub3A_147, %mul3A_159 : vector<48x3136xf32>
      %concatenate3A_161 = tpu.concatenate %mul3A_91, %mul3A_114, %mul3A_137, %mul3A_160 in 0 : vector<48x3136xf32>, vector<48x3136xf32>, vector<48x3136xf32>, vector<48x3136xf32> -> vector<192x3136xf32>
      %get3A_162 = arith.constant 0 : index
      %get3A_163 = arith.constant 0 : index
      %get3A_164 = vector.load %arg7[%get3A_162, %get3A_163] : memref<192x1xf32, #tpu.memory_space<vmem>>, vector<192x1xf32>
      %mul3A_165 = vector.broadcast %get3A_164 : vector<192x1xf32> to vector<192x3136xf32>
      %mul3A_166 = arith.mulf %concatenate3A_161, %mul3A_165 : vector<192x3136xf32>
      %get3A_167 = arith.constant 0 : index
      %get3A_168 = arith.constant 0 : index
      %get3A_169 = vector.load %arg8[%get3A_167, %get3A_168] : memref<192x1xf32, #tpu.memory_space<vmem>>, vector<192x1xf32>
      %add3A_170 = vector.broadcast %get3A_169 : vector<192x1xf32> to vector<192x3136xf32>
      %add3A_171 = arith.addf %mul3A_166, %add3A_170 : vector<192x3136xf32>
      %integer_pow3A = arith.mulf %add3A_171, %add3A_171 : vector<192x3136xf32>
      %integer_pow3A_172 = arith.mulf %add3A_171, %integer_pow3A : vector<192x3136xf32>
      %mul3A_173 = arith.constant 4.471500e-02 : f32
      %mul3A_174 = vector.broadcast %mul3A_173 : f32 to vector<192x3136xf32>
      %mul3A_175 = arith.mulf %mul3A_174, %integer_pow3A_172 : vector<192x3136xf32>
      %add3A_176 = arith.addf %add3A_171, %mul3A_175 : vector<192x3136xf32>
      %mul3A_177 = arith.constant 0.797884583 : f32
      %mul3A_178 = vector.broadcast %mul3A_177 : f32 to vector<192x3136xf32>
      %mul3A_179 = arith.mulf %mul3A_178, %add3A_176 : vector<192x3136xf32>
      %tanh3A = math.tanh %mul3A_179 : vector<192x3136xf32>
      %add3A_180 = arith.constant 1.000000e+00 : f32
      %add3A_181 = vector.broadcast %add3A_180 : f32 to vector<192x3136xf32>
      %add3A_182 = arith.addf %add3A_181, %tanh3A : vector<192x3136xf32>
      %mul3A_183 = arith.constant 5.000000e-01 : f32
      %mul3A_184 = vector.broadcast %mul3A_183 : f32 to vector<192x3136xf32>
      %mul3A_185 = arith.mulf %mul3A_184, %add3A_182 : vector<192x3136xf32>
      %mul3A_186 = arith.mulf %add3A_171, %mul3A_185 : vector<192x3136xf32>
      %get3A_187 = arith.constant 0 : index
      %get3A_188 = arith.constant 0 : index
      %get3A_189 = vector.load %arg9[%get3A_187, %get3A_188] : memref<96x192xf32, #tpu.memory_space<vmem>>, vector<96x192xf32>
      %convert_element_type3A_190 = arith.truncf %get3A_189 : vector<96x192xf32> to vector<96x192xbf16>
      %convert_element_type3A_191 = arith.truncf %mul3A_186 : vector<192x3136xf32> to vector<192x3136xbf16>
      %dot_general3A_192 = arith.constant dense<0.000000e+00> : vector<96x3136xf32>
      %dot_general3A_193 = tpu.matmul %convert_element_type3A_190, %convert_element_type3A_191, %dot_general3A_192 {dimension_numbers = #tpu.dot_dimension_numbers<[1], [0], [0], [1], [0, 0, 1, 1], [], []>, transpose_lhs_hint = false} : vector<96x192xbf16>, vector<192x3136xbf16>, vector<96x3136xf32> -> vector<96x3136xf32>
      %get3A_194 = arith.constant 0 : index
      %get3A_195 = arith.constant 0 : index
      %get3A_196 = vector.load %arg10[%get3A_194, %get3A_195] : memref<96x1xf32, #tpu.memory_space<vmem>>, vector<96x1xf32>
      %add3A_197 = vector.broadcast %get3A_196 : vector<96x1xf32> to vector<96x3136xf32>
      %add3A_198 = arith.addf %dot_general3A_193, %add3A_197 : vector<96x3136xf32>
      %add3A_199 = arith.addf %add3A_198, %get3A_14 : vector<96x3136xf32>
      %swap3A = arith.constant 0 : index
      %swap3A_200 = arith.constant 0 : index
      %swap3A_201 = arith.constant 0 : index
      %swap3A_202 = vector.load %arg11[%swap3A, %swap3A_200, %swap3A_201] : memref<1x96x3136xf32, #tpu.memory_space<vmem>>, vector<1x96x3136xf32>
      %swap3A_203 = vector.shape_cast %swap3A_202 : vector<1x96x3136xf32> to vector<96x3136xf32>
      %swap3A_204 = vector.shape_cast %add3A_199 : vector<96x3136xf32> to vector<1x96x3136xf32>
      tpu.vector_store %arg11[%swap3A, %swap3A_200, %swap3A_201], %swap3A_204 {strides = array<i32>} : memref<1x96x3136xf32, #tpu.memory_space<vmem>>, vector<1x96x3136xf32>,
    } else {
    }
    return
  }
  func.func @transform_0(%arg0: i32) -> (i32, i32, i32) {
    %min3A = arith.constant 3 : i32
    %min3A_0 = arith.minsi %arg0, %min3A : i32
    %c0_i32 = arith.constant 0 : i32
    %c0_i32_1 = arith.constant 0 : i32
    %c0_i32_2 = arith.constant 0 : i32
    return %min3A_0, %c0_i32, %c0_i32_1 : i32, i32, i32
  }
  func.func @transform_1(%arg0: i32) -> (i32, i32, i32) {
    %sub3A = arith.constant 4 : i32
    %sub3A_0 = arith.subi %arg0, %sub3A : i32
    %max3A = arith.constant 0 : i32
    %max3A_1 = arith.maxsi %sub3A_0, %max3A : i32
    %c0_i32 = arith.constant 0 : i32
    %c0_i32_2 = arith.constant 0 : i32
    %c0_i32_3 = arith.constant 0 : i32
    return %max3A_1, %c0_i32, %c0_i32_2 : i32, i32, i32
  }
  func.func @transform_2(%arg0: i32) -> (i32, i32, i32, i32) {
    %sub3A = arith.constant 4 : i32
    %sub3A_0 = arith.subi %arg0, %sub3A : i32
    %max3A = arith.constant 0 : i32
    %max3A_1 = arith.maxsi %sub3A_0, %max3A : i32
    %c0_i32 = arith.constant 0 : i32
    %c0_i32_2 = arith.constant 0 : i32
    %c0_i32_3 = arith.constant 0 : i32
    %c0_i32_4 = arith.constant 0 : i32
    return %max3A_1, %c0_i32, %c0_i32_2, %c0_i32_3 : i32, i32, i32, i32
  }
  func.func @transform_3(%arg0: i32) -> (i32, i32, i32) {
    %c0_i32 = arith.constant 0 : i32
    %c0_i32_0 = arith.constant 0 : i32
    %c0_i32_1 = arith.constant 0 : i32
    return %arg0, %c0_i32, %c0_i32_0 : i32, i32, i32
  }
  func.func @transform_4(%arg0: i32) -> (i32, i32) {
    %c0_i32 = arith.constant 0 : i32
    %c0_i32_0 = arith.constant 0 : i32
    %c0_i32_1 = arith.constant 0 : i32
    return %c0_i32, %c0_i32_0 : i32, i32
  }
  func.func @transform_5(%arg0: i32) -> (i32, i32) {
    %c0_i32 = arith.constant 0 : i32
    %c0_i32_0 = arith.constant 0 : i32
    %c0_i32_1 = arith.constant 0 : i32
    return %c0_i32, %c0_i32_0 : i32, i32
  }
  func.func @transform_6(%arg0: i32) -> (i32, i32) {
    %c0_i32 = arith.constant 0 : i32
    %c0_i32_0 = arith.constant 0 : i32
    %c0_i32_1 = arith.constant 0 : i32
    return %c0_i32, %c0_i32_0 : i32, i32
  }
  func.func @transform_7(%arg0: i32) -> (i32, i32) {
    %c0_i32 = arith.constant 0 : i32
    %c0_i32_0 = arith.constant 0 : i32
    %c0_i32_1 = arith.constant 0 : i32
    return %c0_i32, %c0_i32_0 : i32, i32
  }
  func.func @transform_8(%arg0: i32) -> (i32, i32) {
    %c0_i32 = arith.constant 0 : i32
    %c0_i32_0 = arith.constant 0 : i32
    %c0_i32_1 = arith.constant 0 : i32
    return %c0_i32, %c0_i32_0 : i32, i32
  }
  func.func @transform_9(%arg0: i32) -> (i32, i32) {
    %c0_i32 = arith.constant 0 : i32
    %c0_i32_0 = arith.constant 0 : i32
    %c0_i32_1 = arith.constant 0 : i32
    return %c0_i32, %c0_i32_0 : i32, i32
  }
  func.func @transform_10(%arg0: i32) -> (i32, i32, i32) {
    %c0_i32 = arith.constant 0 : i32
    %c0_i32_0 = arith.constant 0 : i32
    %c0_i32_1 = arith.constant 0 : i32
    return %arg0, %c0_i32, %c0_i32_0 : i32, i32, i32
  }
}

</mosaic_0001>

<sc_bundles>
// kernel: kernel.11.cloned.1.call-start
scs
__scs_entry_jumppad:
0x0: {  	(pc) =	sbr.rel $0x88, $3  }
0x1: {  	(tag) =	ssettag $0x0;
	lr =	simm.s32 $0x1  }
0x2: {  	[smem:$0x3F94] =	sst lr;
	_ =	strace $0xD0000000  }
0x3: {  	_ = 	snop  }
0x4: {  	_ = 	snop  }
0x5: {  	_ = 	snop  }
0x6: {  	_ = 	snop  }
0x7: {  	_ = 	snop  }
__scs_overlays_trampoline_lowered:
0x8: {  	[smem:$0x3FA3] =	sst s0  }
0x9: {  	[smem:$0x3FA4] =	sst s1  }
0xa: {  	[smem:$0x3FA5] =	sst s2  }
0xb: {  	[smem:$0x3FA6] =	sst s3  }
0xc: {  	[smem:$0x3FA7] =	sst s4  }
0xd: {  	[smem:$0x3FA8] =	sst s5  }
0xe: {  	[smem:$0x3FA9] =	sst s6  }
0xf: {  	[smem:$0x3FAA] =	sst s7  }
0x10: {  	[smem:$0x3FAB] =	sst s8  }
0x11: {  	[smem:$0x3FAC] =	sst s9;
	s0 =	simm.s32 @!p0 $0x0  }
0x12: {  	s1 =	sld [smem:$0x3F92];
	s0 =	simm.s32 @p0 $0x1  }
0x13: {  	[smem:$0x3FAD] =	sst s0;
	s0 =	simm.s32 @!p1 $0x0  }
0x14: {  	s2 =	sld [smem:$0x3F91];
	s0 =	simm.s32 @p1 $0x1  }
0x15: {  	[smem:$0x3FAE] =	sst s0;
	s0 =	simm.s32 @!p2 $0x0  }
0x16: {  	s3 =	sld [smem:$0x3FDB];
	s0 =	simm.s32 @p2 $0x1  }
0x17: {  	s4 =	simm.s32 $0x1BF5;
	[smem:$0x3FB0] =	sst s0  }
0x18: {  	s0 =	sld [smem:$0x3F93];
	_ =	swait.ge [sflag:s4], $0x0  }
0x19: {  	s7 =	sld [smem:$0x3F94]  }
0x1a: {  	s8 =	sadd.s32 $0xFFFFE003, lr  }
0x1b: {  	s9 =	sadd.s32 $0xFFFFFEF7, lr;
	s5 =	simm.s32 $0xFFFFFFFF;
	p2 =	slt.u32 s8, $0xFFFFF086  }
0x1c: {  	p1 =	slt.u32 s9, $0xF7A;
	s5 =	simm.s32 @!p2 $0x0  }
0x1d: {  	s5 =	simm.s32 @p1 $0x1;
	p0 =	seq.s32 s7, s2  }
0x1e: {  	s7 =	smul.u32 @!p0 $0xF7A, s2;
	p2 =	seq.s32 @!p0 s5, $0x0  }
0x1f: {  	s9 =	smul.u32 $0xF7A, s1;
	s8 =	simm.s32 @!p0 $0x1BF5;
	p2 =	por !p2, p0  }
0x20: {  	[sflag:s8] =	ssyncset.s32 @!p0 $0xFFFFF086;
	s6 =	sadd.s32 @!p0 s3, s7;
	s7 =	simm.s32 @!p0 $0x108  }
0x21: {  	s3 =	sadd.s32 s3, s9;
	s6 =	sadd.s32 @!p0 $0x88, s6;
	s7 =	simm.s32 @p2 $0x1082  }
0x22: {  	[simem:s7], [sflag:s8] =	dma.local @!p0 [hbm:s6], $0xF7A  }
0x23: {  	s9 =	sor.u32 $0xD0000000, s2;
	s6 =	simm.s32 $0x108;
	_ =	swait.ge @!p0 [sflag:s8], $0x0  }
0x24: {  	s3 =	sadd.s32 $0x88, s3;
	s6 =	simm.s32 @!p1 $0x1082;
	[sflag:s4] =	ssyncset.s32 $0xFFFFF086  }
0x25: {  	[simem:s6], [sflag:s4] =	dma.local [hbm:s3], $0xF7A  }
0x26: {  	[smem:$0x3F94] =	sst s1;
	(tag) =	ssettag s2;
	_ =	strace s9  }
0x27: {  	s1 =	sld [smem:$0x3FA4]  }
0x28: {  	s2 =	sld [smem:$0x3FA5]  }
0x29: {  	s4 =	sld [smem:$0x3FA7]  }
0x2a: {  	p0 =	seq.s32 s5, $0x0;
	s5 =	sld [smem:$0x3FA8]  }
0x2b: {  	s6 =	sld [smem:$0x3FA9]  }
0x2c: {  	s7 =	sld [smem:$0x3FAA]  }
0x2d: {  	s3 =	simm.s32 $0x108;
	s8 =	sld [smem:$0x3FAB]  }
0x2e: {  	s3 =	simm.s32 @!p0 $0x1082;
	s9 =	sld [smem:$0x3FAC]  }
0x2f: {  	lr =	sadd.s32 s0, s3;
	s0 =	sld [smem:$0x3FA3]  }
0x30: {  	s3 =	sld [smem:$0x3FA6]  }
0x31: {  	[smem:$0x3FAF] =	sst s10  }
0x32: {  	s10 =	sld [smem:$0x3FAD];
	_ =	sdelay $0x3  }
0x33: {  	p0 =	seq.s32 s10, $0x1;
	s10 =	sld [smem:$0x3FAF];
	_ =	sdelay $0x3  }
0x34: {  	[smem:$0x3FAF] =	sst s10  }
0x35: {  	s10 =	sld [smem:$0x3FAE];
	_ =	sdelay $0x3  }
0x36: {  	p1 =	seq.s32 s10, $0x1;
	s10 =	sld [smem:$0x3FAF];
	_ =	sdelay $0x3  }
0x37: {  	[smem:$0x3FAF] =	sst s10  }
0x38: {  	s10 =	sld [smem:$0x3FB0]  }
0x39: {  	_ = 	snop;
	(pc) =	sbr.ind lr, $3  }
0x3a: {  	_ = 	snop  }
0x3b: {  	_ = 	snop  }
0x3c: {  	p2 =	seq.s32 s10, $0x1;
	s10 =	sld [smem:$0x3FAF]  }
0x3d: {  	_ =	shalt  }
0x3e: {  	_ =	shalt  }
0x3f: {  	_ =	shalt  }
0x40: {  	_ =	shalt  }
0x41: {  	_ =	shalt  }
0x42: {  	_ =	shalt  }
0x43: {  	_ =	shalt  }
0x44: {  	_ =	shalt  }
0x45: {  	_ =	shalt  }
0x46: {  	_ =	shalt  }
0x47: {  	_ =	shalt  }
0x48: {  	_ =	shalt  }
0x49: {  	_ =	shalt  }
0x4a: {  	_ =	shalt  }
0x4b: {  	_ =	shalt  }
0x4c: {  	_ =	shalt  }
0x4d: {  	_ =	shalt  }
0x4e: {  	_ =	shalt  }
0x4f: {  	_ =	shalt  }
0x50: {  	_ =	shalt  }
0x51: {  	_ =	shalt  }
0x52: {  	_ =	shalt  }
0x53: {  	_ =	shalt  }
0x54: {  	_ =	shalt  }
0x55: {  	_ =	shalt  }
0x56: {  	_ =	shalt  }
0x57: {  	_ =	shalt  }
0x58: {  	_ =	shalt  }
0x59: {  	_ =	shalt  }
0x5a: {  	_ =	shalt  }
0x5b: {  	_ =	shalt  }
0x5c: {  	_ =	shalt  }
0x5d: {  	_ =	shalt  }
0x5e: {  	_ =	shalt  }
0x5f: {  	_ =	shalt  }
0x60: {  	_ =	shalt  }
0x61: {  	_ =	shalt  }
0x62: {  	_ =	shalt  }
0x63: {  	_ =	shalt  }
0x64: {  	_ =	shalt  }
0x65: {  	_ =	shalt  }
0x66: {  	_ =	shalt  }
0x67: {  	_ =	shalt  }
0x68: {  	_ =	shalt  }
0x69: {  	_ =	shalt  }
0x6a: {  	_ =	shalt  }
0x6b: {  	_ =	shalt  }
0x6c: {  	_ =	shalt  }
0x6d: {  	_ =	shalt  }
0x6e: {  	_ =	shalt  }
0x6f: {  	_ =	shalt  }
0x70: {  	_ =	shalt  }
0x71: {  	_ =	shalt  }
0x72: {  	_ =	shalt  }
0x73: {  	_ =	shalt  }
0x74: {  	_ =	shalt  }
0x75: {  	_ =	shalt  }
0x76: {  	_ =	shalt  }
0x77: {  	_ =	shalt  }
0x78: {  	_ =	shalt  }
0x79: {  	_ =	shalt  }
0x7a: {  	_ =	shalt  }
0x7b: {  	_ =	shalt  }
0x7c: {  	_ =	shalt  }
0x7d: {  	_ =	shalt  }
0x7e: {  	_ =	shalt  }
0x7f: {  	_ =	shalt  }
0x80: {  	_ =	shalt  }
0x81: {  	_ =	shalt  }
0x82: {  	_ =	shalt  }
0x83: {  	_ =	shalt  }
0x84: {  	_ =	shalt  }
0x85: {  	_ =	shalt  }
0x86: {  	_ =	shalt  }
0x87: {  	_ =	shalt  }
.Lfunc_end0:
.L_simem_size_0:
called_computation.1_lowered:
.L_overlay_start_0:
0x88: {  	s2 =	sld [smem:$0x3FD9]  }
0x89: {  	s3 =	sld [smem:$0x3FFE];
	_ =	sdelay $0x1  }
0x8a: {  	s1 =	srdreg.scid  }
0x8b: {  	s0 =	sand.u32 $0x1, s1  }
0x8c: {  	s17 =	sshll.u32 s0, $0xA;
	s2 =	sadd.s32 s3, s2  }
0x8d: {  	s2 =	sadd.s32 s2, s17  }
0x8e: {  	[smem:$0x3FBB] =	sst s2  }
0x8f: {  	_ = 	snop  }
0x90: {  	(tm) =	ssettm $0x1  }
0x91: {  	s18 =	sld [smem:$0x3FFB];
	_ =	sdelay $0x3  }
0x92: {  	_ =	strace s18  }
0x93: {  	s2 =	sld [smem:$0x3FFC];
	_ =	sdelay $0x3  }
0x94: {  	_ =	strace s2  }
0x95: {  	s2 =	sld [smem:$0x3FFD];
	_ =	sdelay $0x3  }
0x96: {  	_ =	strace s2  }
0x97: {  	_ =	strace $0x8FFFFFFF  }
0x98: {  	s19 =	sld [smem:$0x3FDB];
	_ =	sdelay $0x1  }
0x99: {  	s20 =	simm.s32 $_scs_section_size  }
0x9a: {  	s4 =	simm.s32 $_size__tile_overlayer_lowered;
	s5 =	simm.s32 $_tile_overlayer_lowered  }
0x9b: {  	s6 =	simm.s32 $0x1BFF;
	s21 =	sshll.u32 s5, $0x1;
	s3 =	sadd.s32 s20, s19  }
0x9c: {  	s22 =	simm.s32 $0x0;
	s4 =	sshll.u32 s4, $0x1;
	s5 =	sadd.s32 s21, s3  }
0x9d: {  	[timem:s22], [sflag:s6] =	dma.local [hbm:s5], s4  }
0x9e: {  	_ =	swait.ge [sflag:s6], s4  }
0x9f: {  	s4 =	ssub.s32 $0x0, s4;
	[sflag:s6] =	ssyncset.done $0x0  }
0xa0: {  	[sflag:s6] =	ssyncadd.s32 s4;
	_ =	sdelay $0x1  }
0xa1: {  	s23 =	simm.s32 $0x1B8B  }
0xa2: {  	_ =	swait.ge [sflag:s23], $0x1  }
0xa3: {  	[sflag:s23] =	ssyncset.done $0x0  }
0xa4: {  	[sflag:s23] =	ssyncadd.s32 $0xFFFFFFFF  }
0xa5: {  	s4 =	sld [smem:$0x0]  }
0xa6: {  	s5 =	sand.u32 $0xFFFFFFFE, s1  }
0xa7: {  	p0 =	sne.s32 s1, s5  }
0xa8: {  	s5 =	sshll.u32 @p0 s5, $0xE  }
0xa9: {  	s5 =	sadd.s32 @p0 $0x11B8D, s5;
	s6 =	sshll.u32 @p0 s4, $0x11  }
0xaa: {  	s5 =	sor.u32 @p0 s6, s5  }
0xab: {  	[sflag:s5] =	ssyncadd.remote.s32 @p0 $0x1;
	_ =	sdelay $0x1  }
0xac: {  	s5 =	simm.s32 @p0 $0x1B8D  }
0xad: {  	_ =	swait.eq @p0 [sflag:s5], $0x1  }
0xae: {  	[sflag:s5] =	ssyncadd.s32 @p0 $0xFFFFFFFF  }
0xaf: {  	s6 =	sshll.u32 @!p0 s1, $0xE  }
0xb0: {  	s6 =	sor.u32 @!p0 $0x4000, s6;
	s5 =	simm.s32 @!p0 $0x1B8D  }
0xb1: {  	s4 =	sshll.u32 @!p0 s4, $0x11;
	s6 =	sadd.s32 @!p0 $0x11B8D, s6;
	_ =	swait.eq @!p0 [sflag:s5], $0x1  }
0xb2: {  	s4 =	sor.u32 @!p0 s4, s6;
	[sflag:s5] =	ssyncadd.s32 @!p0 $0xFFFFFFFF  }
0xb3: {  	s25 =	simm.s32 $0x1B8E;
	s24 =	sld [smem:$0x3FFE];
	[sflag:s4] =	ssyncadd.remote.s32 @!p0 $0x1  }
0xb4: {  	s26 =	simm.s32 $execute0_lowered;
	[smem:$0x3FD2] =	sst s25  }
0xb5: {  	s5 =	sshll.u32 s26, $0x1;
	_ =	strace $0x80000049;
	[dreg:$0x1] =	wrdreg $0xFFFFFFFF  }
0xb6: {  	s28 =	simm.s32 $_size_execute0_lowered;
	s3 =	sadd.s32 s3, s5;
	[dreg:$0x0] =	wrdreg $0x0  }
0xb7: {  	s5 =	sshll.u32 s28, $0x1;
	[dreg:$0x2] =	wrdreg s3  }
0xb8: {  	[dreg:$0x3] =	wrdreg s5  }
0xb9: {  	[dreg:$0x4] =	wrdreg $0xC0  }
0xba: {  	_ =	task [dreg:s22], $0x5FFFF  }
0xbb: {  	[dreg:$0x1] =	wrdreg $0xFFFFFFFF  }
0xbc: {  	[dreg:$0x0] =	wrdreg $0x60  }
0xbd: {  	[dreg:$0x2] =	wrdreg s24  }
0xbe: {  	[dreg:$0x3] =	wrdreg $0xA  }
0xbf: {  	_ =	task.clear_ibuf [dreg:s22], $0x4FFFF;
	_ =	strace $0x90000049  }
0xc0: {  	s29 =	simm.s32 $0xA;
	_ =	strace $0x8000004B  }
0xc1: {  	_ =	swait.ge [sflag:s29], $0x1  }
0xc2: {  	[sflag:s29] =	ssyncadd.s32 $0xFFFFFFFF  }
0xc3: {  	_ =	strace $0x9000004B  }
0xc4: {  	_ =	sfence  }
0xc5: {  	s30 =	sld [smem:$0x0];
	_ =	sdelay $0x2  }
0xc6: {  	s31 =	sshll.u32 s1, $0xD;
	s1 =	sshrl.u32 s1, $0x2  }
0xc7: {  	s4 =	sand.u32 $0x4000, s31;
	s1 =	sadd.s32 s1, s30  }
0xc8: {  	s0 =	sor.u32 s4, s0;
	s1 =	sshll.u32 s1, $0x11  }
0xc9: {  	s0 =	sor.u32 s1, s0  }
0xca: {  	s0 =	sadd.s32 $0x8F2B, s0  }
0xcb: {  	[sflag:s0] =	ssyncadd.remote.s32 $0x1  }
0xcc: {  	_ =	sfence.sel $0xFFFF  }
0xcd: {  	[dreg:$0x0] =	wrdreg $0xFFFFFFFF;
	(pc) =	sbr.abs _section_cstart, $3  }
0xce: {  	[dreg:$0x1] =	wrdreg $0xFFFFFFFF  }
0xcf: {  	_ =	task.clear_ibuf [dreg:s22], $0x2FFFF;
	_ =	strace $0x9FFFFFFF  }
0xd0: {  	(tm) =	ssettm $0x7FFFFFFF  }
0xd1: {  	_ =	shalt  }
tec
execute0_lowered:
.L_overlay_start_1:
0x0: {  	(tag) =	ssettag $0x1  }
0x1: {  	s3 =	rddreg [dreg:$0x0]  }
0x2: {  	s0 =	rddreg [dreg:$0x1]  }
0x3: {  	s1 =	stileid.u32;
	s2 =	srdreg.scid  }
0x4: {  	s10 =	simm.s32 $0x0;
	s4 =	sshrl.u32 s1, $0x2;
	s5 =	sshll.u32 s1, $0x1  }
0x5: {  	s7 =	sand.u32 $0x1, s2;
	s2 =	simm.s32 $0x0;
	s6 =	smul.u32 $0x300, s4  }
0x6: {  	s5 =	sand.u32 $0x6, s5;
	s8 =	smul.u32 $0x60000, s4;
	[smem:$0x7FF] =	sst s2  }
0x7: {  	s4 =	sshll.u32 s4, $0xD;
	s5 =	sor.u32 s7, s5;
	_ =	strace $0x8000004A  }
0x8: {  	s4 =	sadd.s32 s4, s3;
	s7 =	ssub.s32 $0x2, s7;
	s9 =	smul.u32 $0xC000, s5  }
0x9: {  	s6 =	sadd.s32 s6, s3;
	s5 =	sshll.u32 s5, $0xA;
	s31 =	sshrl.u32 s7, $0x1  }
0xa: {  	s4 =	sadd.s32 s5, s4;
	s7 =	ssub.s32 s7, s31;
	s8 =	sadd.s32 s8, s9  }
0xb: {  	s4 =	sadd.s32 $0x3BA00, s4;
	s9 =	simm.s32 $0x3800;
	s8 =	sshrl.u32 s8, $0x3  }
0xc: {  	s8 =	sadd.s32 s8, s3;
	s3 =	sadd.s32 $0x43A00, s6;
	s6 =	smax.u32 s7, $0x1  }
0xd: {  	s7 =	simm.s32 $0x1;
	s5 =	sadd.s32 $0x44600, s8;
	s8 =	simm.s32 $0x1800  }
.LBB2_1:
0xe: {  	[tilespmem:s2], [sflag:$0x1] =	stream.linear.gather [hbm4b:s3+s2], $0x1800, $0x38;
	[tilespmem:$0xF800] =	vst v63  }
0xf: {  	_ =	swait.ge [sflag:s7], $0x1800  }
0x10: {  	[sflag:s7] =	ssyncset.done $0x0  }
0x11: {  	[sflag:s7] =	ssyncadd.s32 $0xFFFFE800  }
0x12: {  	[tilespmem:s8], [sflag:$0x1] =	stream.linear.gather [hbm4b:s4+s2], $0x2000, $0x38;
	[tilespmem:$0xF800] =	vst v63  }
0x13: {  	_ =	swait.ge [sflag:s7], $0x2000  }
0x14: {  	s11 =	simm.s32 $0x0;
	[sflag:s7] =	ssyncset.done $0x0  }
0x15: {  	s12 =	simm.s32 $0x0;
	s13 =	simm.s32 $0x0;
	[sflag:s7] =	ssyncadd.s32 $0xFFFFE000  }
.LBB2_2:
0x16: {  	s14 =	sshll.u32 s13, $0x4;
	s15 =	sshll.u32 s13, $0x7  }
0x17: {  	s16 =	sand.u32 $0x70, s14;
	s17 =	sand.u32 $0xC00, s15  }
0x18: {  	s16 =	sor.u32 s16, s17  }
0x19: {  	v8 =	vld [tilespmem:s16+$0x1800]  }
0x1a: {  	v7 =	vld [tilespmem:s16+$0x1880]  }
0x1b: {  	v6 =	vld [tilespmem:s16+$0x1900]  }
0x1c: {  	v2 =	vld [tilespmem:s16+$0x1980]  }
0x1d: {  	s25 =	simm.s32 $0x0;
	v0 =	vld [tilespmem:s16+$0x1A00]  }
0x1e: {  	s14 =	sor.u32 s15, s14;
	v1 =	vld [tilespmem:s16+$0x1A80];
	v9 =	vadd.s32 s25, v8  }
0x1f: {  	s14 =	sor.u32 $0x380, s14;
	v3 =	vld [tilespmem:s16+$0x1B00];
	v10 =	vadd.s32 s25, v7  }
0x20: {  	v4 =	vld [tilespmem:s14+$0x1800];
	v11 =	vadd.s32 s25, v6  }
0x21: {  	v5 =	vld [tilespmem:s16+$0x2800];
	v12 =	vadd.s32 s25, v2  }
0x22: {  	v13 =	vadd.s32 s25, v0  }
0x23: {  	v14 =	vadd.s32 s25, v1;
	v9 =	vld.idx.msk [tilespmem:v9+s2+$0x0], $0xffff  }
0x24: {  	v15 =	vadd.s32 s25, v3;
	v10 =	vld.idx.msk [tilespmem:v10+s2+$0x0], $0xffff  }
0x25: {  	v16 =	vadd.s32 s25, v4;
	v11 =	vld.idx.msk [tilespmem:v11+s2+$0x0], $0xffff  }
0x26: {  	v17 =	vadd.s32 s25, v5;
	v12 =	vld.idx.msk [tilespmem:v12+s2+$0x0], $0xffff  }
0x27: {  	v13 =	vld.idx.msk [tilespmem:v13+s2+$0x0], $0xffff  }
0x28: {  	v14 =	vld.idx.msk [tilespmem:v14+s2+$0x0], $0xffff  }
0x29: {  	v15 =	vld.idx.msk [tilespmem:v15+s2+$0x0], $0xffff;
	v9 =	vmax.bf16 v9, v10  }
0x2a: {  	v10 =	vld.idx.msk [tilespmem:v16+s2+$0x0], $0xffff;
	v9 =	vmax.bf16 v9, v11  }
0x2b: {  	v11 =	vld.idx.msk [tilespmem:v17+s2+$0x0], $0xffff;
	v9 =	vmax.bf16 v9, v12  }
0x2c: {  	v9 =	vmax.bf16 v9, v13  }
0x2d: {  	s26 =	sshll.u32 s12, $0x2;
	s28 =	sand.u32 $0x7, s11;
	v9 =	vmax.bf16 v9, v14  }
0x2e: {  	s29 =	simm.s32 $0x80;
	s15 =	sshll.u32 s28, $0x6;
	s14 =	sand.u32 $0xFFFFF000, s26;
	v9 =	vmax.bf16 v9, v15  }
0x2f: {  	s14 =	sor.u32 s15, s14;
	v9 =	vmax.bf16 v9, v10;
	v10 =	vadd.s32 s29, v8  }
0x30: {  	s14 =	sshrl.u32 s14, $0x2;
	v9 =	vmax.bf16 v9, v11;
	v11 =	vadd.s32 s29, v7  }
0x31: {  	s17 =	sadd.s32 $0x4800, s14;
	v13 =	vadd.s32 s29, v6;
	v12 =	vunpack.i.l.bf16.f32 v9  }
0x32: {  	v9 =	vunpack.i.u.bf16.f32 v9;
	[tilespmem:s17+$0xFFFFF000] =	vst v12;
	v12 =	vadd.s32 s29, v2  }
0x33: {  	[tilespmem:s17+$0xFFFFF080] =	vst v9;
	v9 =	vadd.s32 s29, v0  }
0x34: {  	v14 =	vadd.s32 s29, v1;
	v10 =	vld.idx.msk [tilespmem:v10+s2+$0x0], $0xffff  }
0x35: {  	v15 =	vadd.s32 s29, v3;
	v11 =	vld.idx.msk [tilespmem:v11+s2+$0x0], $0xffff  }
0x36: {  	v16 =	vadd.s32 s29, v4;
	v13 =	vld.idx.msk [tilespmem:v13+s2+$0x0], $0xffff  }
0x37: {  	v17 =	vadd.s32 s29, v5;
	v12 =	vld.idx.msk [tilespmem:v12+s2+$0x0], $0xffff  }
0x38: {  	v9 =	vld.idx.msk [tilespmem:v9+s2+$0x0], $0xffff  }
0x39: {  	v14 =	vld.idx.msk [tilespmem:v14+s2+$0x0], $0xffff  }
0x3a: {  	v15 =	vld.idx.msk [tilespmem:v15+s2+$0x0], $0xffff;
	v10 =	vmax.bf16 v10, v11  }
0x3b: {  	v11 =	vld.idx.msk [tilespmem:v16+s2+$0x0], $0xffff;
	v10 =	vmax.bf16 v10, v13  }
0x3c: {  	v13 =	vld.idx.msk [tilespmem:v17+s2+$0x0], $0xffff;
	v10 =	vmax.bf16 v10, v12  }
0x3d: {  	v9 =	vmax.bf16 v10, v9  }
0x3e: {  	v9 =	vmax.bf16 v9, v14  }
0x3f: {  	s30 =	simm.s32 $0x100;
	v9 =	vmax.bf16 v9, v15  }
0x40: {  	v10 =	vadd.s32 s30, v8;
	v9 =	vmax.bf16 v9, v11  }
0x41: {  	v11 =	vadd.s32 s30, v7;
	v9 =	vmax.bf16 v9, v13  }
0x42: {  	v13 =	vadd.s32 s30, v6;
	v12 =	vunpack.i.l.bf16.f32 v9  }
0x43: {  	v9 =	vunpack.i.u.bf16.f32 v9;
	[tilespmem:s17+$0xFFFFF100] =	vst v12;
	v12 =	vadd.s32 s30, v2  }
0x44: {  	[tilespmem:s17+$0xFFFFF180] =	vst v9;
	v9 =	vadd.s32 s30, v0  }
0x45: {  	v14 =	vadd.s32 s30, v1;
	v10 =	vld.idx.msk [tilespmem:v10+s2+$0x0], $0xffff  }
0x46: {  	v15 =	vadd.s32 s30, v3;
	v11 =	vld.idx.msk [tilespmem:v11+s2+$0x0], $0xffff  }
0x47: {  	v16 =	vadd.s32 s30, v4;
	v13 =	vld.idx.msk [tilespmem:v13+s2+$0x0], $0xffff  }
0x48: {  	v17 =	vadd.s32 s30, v5;
	v12 =	vld.idx.msk [tilespmem:v12+s2+$0x0], $0xffff  }
0x49: {  	v9 =	vld.idx.msk [tilespmem:v9+s2+$0x0], $0xffff  }
0x4a: {  	v14 =	vld.idx.msk [tilespmem:v14+s2+$0x0], $0xffff  }
0x4b: {  	v15 =	vld.idx.msk [tilespmem:v15+s2+$0x0], $0xffff;
	v10 =	vmax.bf16 v10, v11  }
0x4c: {  	v11 =	vld.idx.msk [tilespmem:v16+s2+$0x0], $0xffff;
	v10 =	vmax.bf16 v10, v13  }
0x4d: {  	v13 =	vld.idx.msk [tilespmem:v17+s2+$0x0], $0xffff;
	v10 =	vmax.bf16 v10, v12  }
0x4e: {  	v9 =	vmax.bf16 v10, v9  }
0x4f: {  	v9 =	vmax.bf16 v9, v14  }
0x50: {  	s31 =	simm.s32 $0x180;
	v9 =	vmax.bf16 v9, v15  }
0x51: {  	v10 =	vadd.s32 s31, v8;
	v9 =	vmax.bf16 v9, v11  }
0x52: {  	v11 =	vadd.s32 s31, v7;
	v9 =	vmax.bf16 v9, v13  }
0x53: {  	v13 =	vadd.s32 s31, v6;
	v12 =	vunpack.i.l.bf16.f32 v9  }
0x54: {  	v18 =	vadd.s32 s31, v0;
	v9 =	vunpack.i.u.bf16.f32 v9;
	[tilespmem:s17+$0xFFFFF200] =	vst v12  }
0x55: {  	v12 =	vadd.s32 s31, v2;
	[tilespmem:s17+$0xFFFFF280] =	vst v9  }
0x56: {  	v9 =	vld.idx.msk [tilespmem:v10+s2+$0x0], $0xffff  }
0x57: {  	v14 =	vadd.s32 s31, v1;
	v11 =	vld.idx.msk [tilespmem:v11+s2+$0x0], $0xffff  }
0x58: {  	v17 =	vadd.s32 s31, v3;
	v10 =	vld.idx.msk [tilespmem:v13+s2+$0x0], $0xffff  }
0x59: {  	s20 =	simm.s32 $0xF;
	s19 =	simm.s32 $0x200;
	s18 =	simm.s32 $0x280;
	v16 =	vadd.s32 s31, v4;
	v13 =	vld.idx.msk [tilespmem:v18+s2+$0x0], $0xffff  }
0x5a: {  	s16 =	simm.s32 $0x300;
	s15 =	simm.s32 $0x380;
	s14 =	smov.u32 s17;
	v15 =	vadd.s32 s31, v5;
	v12 =	vld.idx.msk [tilespmem:v12+s2+$0x0], $0xffff  }
.LBB2_3:
0x5b: {  	p0 =	sne.s32 s20, $0x2F  }
0x5c: {  	v14 =	vld.idx.msk [tilespmem:v14+s2+$0x0], $0xffff;
	s17 =	sadd.s32 $0x2000, s17;
	s21 =	smov.u32 s20;
	s20 =	sadd.s32 $0x8, s20  }
0x5d: {  	v17 =	vld.idx.msk [tilespmem:v17+s2+$0x0], $0xffff  }
0x5e: {  	v9 =	vmax.bf16 v9, v11;
	v11 =	vld.idx.msk [tilespmem:v16+s2+$0x0], $0xffff  }
0x5f: {  	v9 =	vmax.bf16 v9, v10;
	v10 =	vld.idx.msk [tilespmem:v15+s2+$0x0], $0xffff  }
0x60: {  	v9 =	vmax.bf16 v9, v12  }
0x61: {  	v9 =	vmax.bf16 v9, v13  }
0x62: {  	v9 =	vmax.bf16 v9, v14  }
0x63: {  	v9 =	vmax.bf16 v9, v17  }
0x64: {  	v9 =	vmax.bf16 v9, v11;
	v11 =	vadd.s32 s19, v8  }
0x65: {  	v12 =	vadd.s32 s19, v7;
	v9 =	vmax.bf16 v9, v10  }
0x66: {  	v15 =	vadd.s32 s19, v6;
	v10 =	vunpack.i.u.bf16.f32 v9;
	v9 =	vunpack.i.l.bf16.f32 v9  }
0x67: {  	s24 =	sshll.u32 s21, $0x7;
	v16 =	vadd.s32 s19, v2;
	[tilespmem:s14+$0xFFFFF300] =	vst v9  }
0x68: {  	v18 =	vadd.s32 s19, v0;
	s28 =	sadd.s32 $0xFFFFFC80, s24;
	s23 =	sadd.s32 $0xFFFFFD00, s24;
	s22 =	sadd.s32 $0xFFFFFD80, s24;
	[tilespmem:s14+$0xFFFFF380] =	vst v10  }
0x69: {  	v20 =	vadd.s32 s19, v1;
	s21 =	sadd.s32 $0xFFFFFE00, s24;
	s29 =	sadd.s32 $0xFFFFFE80, s24;
	s26 =	sadd.s32 $0xFFFFFF00, s24;
	v9 =	vadd.s32 s28, v7;
	v10 =	vadd.s32 s28, v8;
	v19 =	vld.idx.msk [tilespmem:v11+s2+$0x0], $0xffff  }
0x6a: {  	v22 =	vadd.s32 s19, v3;
	s25 =	sadd.s32 $0xFFFFFF80, s24;
	v13 =	vadd.s32 s28, v0;
	v11 =	vadd.s32 s28, v2;
	v21 =	vld.idx.msk [tilespmem:v12+s2+$0x0], $0xffff  }
0x6b: {  	v24 =	vadd.s32 s19, v4;
	v14 =	vadd.s32 s28, v4;
	v12 =	vadd.s32 s28, v3;
	v23 =	vld.idx.msk [tilespmem:v15+s2+$0x0], $0xffff  }
0x6c: {  	v26 =	vadd.s32 s19, v5;
	v17 =	vadd.s32 s28, v6;
	s19 =	smov.u32 s29;
	v25 =	vld.idx.msk [tilespmem:v16+s2+$0x0], $0xffff  }
0x6d: {  	v18 =	vld.idx.msk [tilespmem:v18+s2+$0x0], $0xffff  }
0x6e: {  	v15 =	vadd.s32 s28, v1;
	v20 =	vld.idx.msk [tilespmem:v20+s2+$0x0], $0xffff  }
0x6f: {  	v22 =	vld.idx.msk [tilespmem:v22+s2+$0x0], $0xffff  }
0x70: {  	v19 =	vmax.bf16 v19, v21;
	v21 =	vld.idx.msk [tilespmem:v24+s2+$0x0], $0xffff  }
0x71: {  	v16 =	vadd.s32 s28, v5;
	v19 =	vmax.bf16 v19, v23;
	v23 =	vld.idx.msk [tilespmem:v26+s2+$0x0], $0xffff  }
0x72: {  	v19 =	vmax.bf16 v19, v25  }
0x73: {  	v18 =	vmax.bf16 v19, v18  }
0x74: {  	v18 =	vmax.bf16 v18, v20  }
0x75: {  	v18 =	vmax.bf16 v18, v22  }
0x76: {  	v19 =	vadd.s32 s18, v8;
	v18 =	vmax.bf16 v18, v21  }
0x77: {  	v20 =	vadd.s32 s18, v7;
	v18 =	vmax.bf16 v18, v23  }
0x78: {  	v22 =	vadd.s32 s18, v6;
	v21 =	vunpack.i.u.bf16.f32 v18;
	v18 =	vunpack.i.l.bf16.f32 v18  }
0x79: {  	[tilespmem:s14+$0x0] =	vst v18;
	v18 =	vadd.s32 s18, v2  }
0x7a: {  	[tilespmem:s14+$0x80] =	vst v21;
	v21 =	vadd.s32 s18, v0  }
0x7b: {  	v23 =	vadd.s32 s18, v1;
	v19 =	vld.idx.msk [tilespmem:v19+s2+$0x0], $0xffff  }
0x7c: {  	v24 =	vadd.s32 s18, v3;
	v20 =	vld.idx.msk [tilespmem:v20+s2+$0x0], $0xffff  }
0x7d: {  	v25 =	vadd.s32 s18, v4;
	v22 =	vld.idx.msk [tilespmem:v22+s2+$0x0], $0xffff  }
0x7e: {  	v26 =	vadd.s32 s18, v5;
	s18 =	smov.u32 s26;
	v18 =	vld.idx.msk [tilespmem:v18+s2+$0x0], $0xffff  }
0x7f: {  	v21 =	vld.idx.msk [tilespmem:v21+s2+$0x0], $0xffff  }
0x80: {  	v23 =	vld.idx.msk [tilespmem:v23+s2+$0x0], $0xffff  }
0x81: {  	v24 =	vld.idx.msk [tilespmem:v24+s2+$0x0], $0xffff  }
0x82: {  	v19 =	vmax.bf16 v19, v20;
	v20 =	vld.idx.msk [tilespmem:v25+s2+$0x0], $0xffff  }
0x83: {  	v19 =	vmax.bf16 v19, v22;
	v22 =	vld.idx.msk [tilespmem:v26+s2+$0x0], $0xffff  }
0x84: {  	v18 =	vmax.bf16 v19, v18  }
0x85: {  	v18 =	vmax.bf16 v18, v21  }
0x86: {  	v18 =	vmax.bf16 v18, v23  }
0x87: {  	v18 =	vmax.bf16 v18, v24  }
0x88: {  	v19 =	vadd.s32 s16, v8;
	v18 =	vmax.bf16 v18, v20  }
0x89: {  	v20 =	vadd.s32 s16, v7;
	v18 =	vmax.bf16 v18, v22  }
0x8a: {  	v22 =	vadd.s32 s16, v6;
	v21 =	vunpack.i.u.bf16.f32 v18;
	v18 =	vunpack.i.l.bf16.f32 v18  }
0x8b: {  	[tilespmem:s14+$0x100] =	vst v18;
	v18 =	vadd.s32 s16, v2  }
0x8c: {  	[tilespmem:s14+$0x180] =	vst v21;
	v21 =	vadd.s32 s16, v0  }
0x8d: {  	v23 =	vadd.s32 s16, v1;
	v19 =	vld.idx.msk [tilespmem:v19+s2+$0x0], $0xffff  }
0x8e: {  	v24 =	vadd.s32 s16, v3;
	v20 =	vld.idx.msk [tilespmem:v20+s2+$0x0], $0xffff  }
0x8f: {  	v25 =	vadd.s32 s16, v4;
	v22 =	vld.idx.msk [tilespmem:v22+s2+$0x0], $0xffff  }
0x90: {  	v26 =	vadd.s32 s16, v5;
	s16 =	smov.u32 s25;
	v18 =	vld.idx.msk [tilespmem:v18+s2+$0x0], $0xffff  }
0x91: {  	v21 =	vld.idx.msk [tilespmem:v21+s2+$0x0], $0xffff  }
0x92: {  	v23 =	vld.idx.msk [tilespmem:v23+s2+$0x0], $0xffff  }
0x93: {  	v24 =	vld.idx.msk [tilespmem:v24+s2+$0x0], $0xffff  }
0x94: {  	v19 =	vmax.bf16 v19, v20;
	v20 =	vld.idx.msk [tilespmem:v25+s2+$0x0], $0xffff  }
0x95: {  	v19 =	vmax.bf16 v19, v22;
	v22 =	vld.idx.msk [tilespmem:v26+s2+$0x0], $0xffff  }
0x96: {  	v18 =	vmax.bf16 v19, v18  }
0x97: {  	v18 =	vmax.bf16 v18, v21  }
0x98: {  	v18 =	vmax.bf16 v18, v23  }
0x99: {  	v18 =	vmax.bf16 v18, v24  }
0x9a: {  	v19 =	vadd.s32 s15, v8;
	v18 =	vmax.bf16 v18, v20  }
0x9b: {  	v20 =	vadd.s32 s15, v7;
	v18 =	vmax.bf16 v18, v22  }
0x9c: {  	v22 =	vadd.s32 s15, v6;
	v21 =	vunpack.i.u.bf16.f32 v18;
	v18 =	vunpack.i.l.bf16.f32 v18  }
0x9d: {  	[tilespmem:s14+$0x200] =	vst v18;
	v18 =	vadd.s32 s15, v2  }
0x9e: {  	[tilespmem:s14+$0x280] =	vst v21;
	v21 =	vadd.s32 s15, v0  }
0x9f: {  	v23 =	vadd.s32 s15, v1;
	v19 =	vld.idx.msk [tilespmem:v19+s2+$0x0], $0xffff  }
0xa0: {  	v24 =	vadd.s32 s15, v3;
	v20 =	vld.idx.msk [tilespmem:v20+s2+$0x0], $0xffff  }
0xa1: {  	v25 =	vadd.s32 s15, v4;
	v22 =	vld.idx.msk [tilespmem:v22+s2+$0x0], $0xffff  }
0xa2: {  	v26 =	vadd.s32 s15, v5;
	s15 =	smov.u32 s24;
	v18 =	vld.idx.msk [tilespmem:v18+s2+$0x0], $0xffff  }
0xa3: {  	v21 =	vld.idx.msk [tilespmem:v21+s2+$0x0], $0xffff  }
0xa4: {  	v23 =	vld.idx.msk [tilespmem:v23+s2+$0x0], $0xffff  }
0xa5: {  	v24 =	vld.idx.msk [tilespmem:v24+s2+$0x0], $0xffff  }
0xa6: {  	v19 =	vmax.bf16 v19, v20;
	v20 =	vld.idx.msk [tilespmem:v25+s2+$0x0], $0xffff  }
0xa7: {  	v19 =	vmax.bf16 v19, v22;
	v22 =	vld.idx.msk [tilespmem:v26+s2+$0x0], $0xffff  }
0xa8: {  	v18 =	vmax.bf16 v19, v18  }
0xa9: {  	v18 =	vmax.bf16 v18, v21  }
0xaa: {  	v18 =	vmax.bf16 v18, v23  }
0xab: {  	v18 =	vmax.bf16 v18, v24  }
0xac: {  	v18 =	vmax.bf16 v18, v20  }
0xad: {  	v18 =	vmax.bf16 v18, v22  }
0xae: {  	v19 =	vunpack.i.u.bf16.f32 v18;
	v18 =	vunpack.i.l.bf16.f32 v18  }
0xaf: {  	[tilespmem:s14+$0x300] =	vst v18  }
0xb0: {  	[tilespmem:s14+$0x380] =	vst v19;
	s14 =	smov.u32 s17  }
0xb1: {  	v17 =	vld.idx.msk [tilespmem:v17+s2+$0x0], $0xffff  }
0xb2: {  	v10 =	vld.idx.msk [tilespmem:v10+s2+$0x0], $0xffff  }
0xb3: {  	v9 =	vld.idx.msk [tilespmem:v9+s2+$0x0], $0xffff  }
0xb4: {  	v13 =	vld.idx.msk [tilespmem:v13+s2+$0x0], $0xffff  }
0xb5: {  	v11 =	vld.idx.msk [tilespmem:v11+s2+$0x0], $0xffff  }
0xb6: {  	v15 =	vld.idx.msk [tilespmem:v15+s2+$0x0], $0xffff  }
0xb7: {  	v14 =	vld.idx.msk [tilespmem:v14+s2+$0x0], $0xffff  }
0xb8: {  	v12 =	vld.idx.msk [tilespmem:v12+s2+$0x0], $0xffff  }
0xb9: {  	v9 =	vmax.bf16 v10, v9;
	v10 =	vld.idx.msk [tilespmem:v16+s2+$0x0], $0xffff  }
0xba: {  	v9 =	vmax.bf16 v9, v17  }
0xbb: {  	v9 =	vmax.bf16 v9, v11  }
0xbc: {  	v9 =	vmax.bf16 v9, v13  }
0xbd: {  	v9 =	vmax.bf16 v9, v15  }
0xbe: {  	v9 =	vmax.bf16 v9, v12  }
0xbf: {  	v11 =	vadd.s32 s23, v8;
	v9 =	vmax.bf16 v9, v14  }
0xc0: {  	v9 =	vmax.bf16 v9, v10;
	v10 =	vadd.s32 s23, v7  }
0xc1: {  	v13 =	vadd.s32 s23, v6;
	v12 =	vunpack.i.u.bf16.f32 v9;
	v9 =	vunpack.i.l.bf16.f32 v9  }
0xc2: {  	[tilespmem:s17+$0xFFFFF000] =	vst v9;
	v9 =	vadd.s32 s23, v2  }
0xc3: {  	[tilespmem:s17+$0xFFFFF080] =	vst v12;
	v12 =	vadd.s32 s23, v0  }
0xc4: {  	v14 =	vadd.s32 s23, v1;
	v11 =	vld.idx.msk [tilespmem:v11+s2+$0x0], $0xffff  }
0xc5: {  	v15 =	vadd.s32 s23, v3;
	v10 =	vld.idx.msk [tilespmem:v10+s2+$0x0], $0xffff  }
0xc6: {  	v16 =	vadd.s32 s23, v4;
	v13 =	vld.idx.msk [tilespmem:v13+s2+$0x0], $0xffff  }
0xc7: {  	v17 =	vadd.s32 s23, v5;
	v9 =	vld.idx.msk [tilespmem:v9+s2+$0x0], $0xffff  }
0xc8: {  	v12 =	vld.idx.msk [tilespmem:v12+s2+$0x0], $0xffff  }
0xc9: {  	v14 =	vld.idx.msk [tilespmem:v14+s2+$0x0], $0xffff  }
0xca: {  	v15 =	vld.idx.msk [tilespmem:v15+s2+$0x0], $0xffff  }
0xcb: {  	v10 =	vmax.bf16 v11, v10;
	v11 =	vld.idx.msk [tilespmem:v16+s2+$0x0], $0xffff  }
0xcc: {  	v10 =	vmax.bf16 v10, v13;
	v13 =	vld.idx.msk [tilespmem:v17+s2+$0x0], $0xffff  }
0xcd: {  	v9 =	vmax.bf16 v10, v9  }
0xce: {  	v9 =	vmax.bf16 v9, v12  }
0xcf: {  	v9 =	vmax.bf16 v9, v14  }
0xd0: {  	v9 =	vmax.bf16 v9, v15  }
0xd1: {  	v10 =	vadd.s32 s22, v8;
	v9 =	vmax.bf16 v9, v11  }
0xd2: {  	v11 =	vadd.s32 s22, v7;
	v9 =	vmax.bf16 v9, v13  }
0xd3: {  	v13 =	vadd.s32 s22, v6;
	v12 =	vunpack.i.u.bf16.f32 v9;
	v9 =	vunpack.i.l.bf16.f32 v9  }
0xd4: {  	[tilespmem:s17+$0xFFFFF100] =	vst v9;
	v9 =	vadd.s32 s22, v2  }
0xd5: {  	[tilespmem:s17+$0xFFFFF180] =	vst v12;
	v12 =	vadd.s32 s22, v0  }
0xd6: {  	v14 =	vadd.s32 s22, v1;
	v10 =	vld.idx.msk [tilespmem:v10+s2+$0x0], $0xffff  }
0xd7: {  	v15 =	vadd.s32 s22, v3;
	v11 =	vld.idx.msk [tilespmem:v11+s2+$0x0], $0xffff  }
0xd8: {  	v16 =	vadd.s32 s22, v4;
	v13 =	vld.idx.msk [tilespmem:v13+s2+$0x0], $0xffff  }
0xd9: {  	v17 =	vadd.s32 s22, v5;
	v9 =	vld.idx.msk [tilespmem:v9+s2+$0x0], $0xffff  }
0xda: {  	v12 =	vld.idx.msk [tilespmem:v12+s2+$0x0], $0xffff  }
0xdb: {  	v14 =	vld.idx.msk [tilespmem:v14+s2+$0x0], $0xffff  }
0xdc: {  	v15 =	vld.idx.msk [tilespmem:v15+s2+$0x0], $0xffff  }
0xdd: {  	v10 =	vmax.bf16 v10, v11;
	v11 =	vld.idx.msk [tilespmem:v16+s2+$0x0], $0xffff  }
0xde: {  	v10 =	vmax.bf16 v10, v13;
	v13 =	vld.idx.msk [tilespmem:v17+s2+$0x0], $0xffff  }
0xdf: {  	v9 =	vmax.bf16 v10, v9  }
0xe0: {  	v9 =	vmax.bf16 v9, v12  }
0xe1: {  	v9 =	vmax.bf16 v9, v14  }
0xe2: {  	v9 =	vmax.bf16 v9, v15  }
0xe3: {  	v10 =	vadd.s32 s21, v8;
	v9 =	vmax.bf16 v9, v11  }
0xe4: {  	v11 =	vadd.s32 s21, v7;
	v9 =	vmax.bf16 v9, v13  }
0xe5: {  	v13 =	vadd.s32 s21, v6;
	v12 =	vunpack.i.u.bf16.f32 v9;
	v9 =	vunpack.i.l.bf16.f32 v9  }
0xe6: {  	v15 =	vadd.s32 s21, v2;
	[tilespmem:s17+$0xFFFFF200] =	vst v9  }
0xe7: {  	v18 =	vadd.s32 s21, v0;
	[tilespmem:s17+$0xFFFFF280] =	vst v12  }
.Ltmp0:
0xe8: {  	v14 =	vadd.s32 s21, v1;
	v9 =	vld.idx.msk [tilespmem:v10+s2+$0x0], $0xffff;
	(pc) =	sbr.rel @p0 .LBB2_3-.Ltmp0, $4  }
0xe9: {  	v17 =	vadd.s32 s21, v3;
	v11 =	vld.idx.msk [tilespmem:v11+s2+$0x0], $0xffff  }
0xea: {  	v16 =	vadd.s32 s21, v4;
	v10 =	vld.idx.msk [tilespmem:v13+s2+$0x0], $0xffff  }
0xeb: {  	v12 =	vld.idx.msk [tilespmem:v15+s2+$0x0], $0xffff;
	v15 =	vadd.s32 s21, v5  }
0xec: {  	v13 =	vld.idx.msk [tilespmem:v18+s2+$0x0], $0xffff  }
0xed: {  	_ =	sdelay $0x3  }
0xee: {  	v14 =	vld.idx.msk [tilespmem:v14+s2+$0x0], $0xffff  }
0xef: {  	v17 =	vld.idx.msk [tilespmem:v17+s2+$0x0], $0xffff;
	v9 =	vmax.bf16 v9, v11  }
0xf0: {  	v63 =	vld.idx.msk [tilespmem:v16+s2+$0x0], $0xffff;
	v9 =	vmax.bf16 v9, v10  }
0xf1: {  	v16 =	vld.idx.msk [tilespmem:v15+s2+$0x0], $0xffff;
	v9 =	vmax.bf16 v9, v12  }
0xf2: {  	v9 =	vmax.bf16 v9, v13  }
0xf3: {  	v9 =	vmax.bf16 v9, v14  }
0xf4: {  	v9 =	vmax.bf16 v9, v17  }
0xf5: {  	v17 =	vadd.s32 s19, v8;
	v9 =	vmax.bf16 v9, v63  }
0xf6: {  	v18 =	vadd.s32 s19, v7;
	v9 =	vmax.bf16 v9, v16  }
0xf7: {  	v20 =	vadd.s32 s19, v6;
	v19 =	vunpack.i.l.bf16.f32 v9  }
0xf8: {  	v21 =	vadd.s32 s19, v2;
	v9 =	vunpack.i.u.bf16.f32 v9;
	[tilespmem:s14+$0xFFFFF300] =	vst v19  }
0xf9: {  	v22 =	vadd.s32 s19, v0;
	[tilespmem:s14+$0xFFFFF380] =	vst v9  }
0xfa: {  	v23 =	vadd.s32 s19, v1;
	v11 =	vld.idx.msk [tilespmem:v17+s2+$0x0], $0xffff  }
0xfb: {  	v24 =	vadd.s32 s19, v3;
	v10 =	vld.idx.msk [tilespmem:v18+s2+$0x0], $0xffff  }
0xfc: {  	v25 =	vadd.s32 s19, v4;
	v13 =	vld.idx.msk [tilespmem:v20+s2+$0x0], $0xffff  }
0xfd: {  	v26 =	vadd.s32 s19, v5;
	v12 =	vld.idx.msk [tilespmem:v21+s2+$0x0], $0xffff  }
0xfe: {  	v9 =	vld.idx.msk [tilespmem:v22+s2+$0x0], $0xffff  }
0xff: {  	v14 =	vld.idx.msk [tilespmem:v23+s2+$0x0], $0xffff  }
0x100: {  	v15 =	vld.idx.msk [tilespmem:v24+s2+$0x0], $0xffff;
	v10 =	vmax.bf16 v11, v10  }
0x101: {  	v27 =	vld.idx.msk [tilespmem:v25+s2+$0x0], $0xffff;
	v10 =	vmax.bf16 v10, v13  }
0x102: {  	v28 =	vld.idx.msk [tilespmem:v26+s2+$0x0], $0xffff;
	v10 =	vmax.bf16 v10, v12  }
0x103: {  	v9 =	vmax.bf16 v10, v9  }
0x104: {  	v9 =	vmax.bf16 v9, v14  }
0x105: {  	v9 =	vmax.bf16 v9, v15  }
0x106: {  	v29 =	vadd.s32 s18, v8;
	v9 =	vmax.bf16 v9, v27  }
0x107: {  	v30 =	vadd.s32 s18, v7;
	v9 =	vmax.bf16 v9, v28  }
0x108: {  	v32 =	vadd.s32 s18, v6;
	v31 =	vunpack.i.l.bf16.f32 v9  }
0x109: {  	v33 =	vadd.s32 s18, v2;
	v9 =	vunpack.i.u.bf16.f32 v9;
	[tilespmem:s14+$0x0] =	vst v31  }
0x10a: {  	v34 =	vadd.s32 s18, v0;
	[tilespmem:s14+$0x80] =	vst v9  }
0x10b: {  	v35 =	vadd.s32 s18, v1;
	v10 =	vld.idx.msk [tilespmem:v29+s2+$0x0], $0xffff  }
0x10c: {  	v36 =	vadd.s32 s18, v3;
	v11 =	vld.idx.msk [tilespmem:v30+s2+$0x0], $0xffff  }
0x10d: {  	v37 =	vadd.s32 s18, v4;
	v13 =	vld.idx.msk [tilespmem:v32+s2+$0x0], $0xffff  }
0x10e: {  	v38 =	vadd.s32 s18, v5;
	v12 =	vld.idx.msk [tilespmem:v33+s2+$0x0], $0xffff  }
0x10f: {  	v9 =	vld.idx.msk [tilespmem:v34+s2+$0x0], $0xffff  }
0x110: {  	v14 =	vld.idx.msk [tilespmem:v35+s2+$0x0], $0xffff  }
0x111: {  	v15 =	vld.idx.msk [tilespmem:v36+s2+$0x0], $0xffff;
	v10 =	vmax.bf16 v10, v11  }
0x112: {  	v39 =	vld.idx.msk [tilespmem:v37+s2+$0x0], $0xffff;
	v10 =	vmax.bf16 v10, v13  }
0x113: {  	v40 =	vld.idx.msk [tilespmem:v38+s2+$0x0], $0xffff;
	v10 =	vmax.bf16 v10, v12  }
0x114: {  	v9 =	vmax.bf16 v10, v9  }
0x115: {  	v9 =	vmax.bf16 v9, v14  }
0x116: {  	v9 =	vmax.bf16 v9, v15  }
0x117: {  	v41 =	vadd.s32 s16, v8;
	v9 =	vmax.bf16 v9, v39  }
0x118: {  	v42 =	vadd.s32 s16, v7;
	v9 =	vmax.bf16 v9, v40  }
0x119: {  	v44 =	vadd.s32 s16, v6;
	v43 =	vunpack.i.l.bf16.f32 v9  }
0x11a: {  	v45 =	vadd.s32 s16, v2;
	v9 =	vunpack.i.u.bf16.f32 v9;
	[tilespmem:s14+$0x100] =	vst v43  }
0x11b: {  	v46 =	vadd.s32 s16, v0;
	[tilespmem:s14+$0x180] =	vst v9  }
0x11c: {  	v47 =	vadd.s32 s16, v1;
	v10 =	vld.idx.msk [tilespmem:v41+s2+$0x0], $0xffff  }
0x11d: {  	v48 =	vadd.s32 s16, v3;
	v11 =	vld.idx.msk [tilespmem:v42+s2+$0x0], $0xffff  }
0x11e: {  	v49 =	vadd.s32 s16, v4;
	v13 =	vld.idx.msk [tilespmem:v44+s2+$0x0], $0xffff  }
0x11f: {  	v50 =	vadd.s32 s16, v5;
	v12 =	vld.idx.msk [tilespmem:v45+s2+$0x0], $0xffff  }
0x120: {  	v9 =	vld.idx.msk [tilespmem:v46+s2+$0x0], $0xffff  }
0x121: {  	v14 =	vld.idx.msk [tilespmem:v47+s2+$0x0], $0xffff  }
0x122: {  	v15 =	vld.idx.msk [tilespmem:v48+s2+$0x0], $0xffff;
	v10 =	vmax.bf16 v10, v11  }
0x123: {  	v51 =	vld.idx.msk [tilespmem:v49+s2+$0x0], $0xffff;
	v10 =	vmax.bf16 v10, v13  }
0x124: {  	v52 =	vld.idx.msk [tilespmem:v50+s2+$0x0], $0xffff;
	v10 =	vmax.bf16 v10, v12  }
0x125: {  	v9 =	vmax.bf16 v10, v9  }
0x126: {  	v9 =	vmax.bf16 v9, v14  }
0x127: {  	v9 =	vmax.bf16 v9, v15  }
0x128: {  	v53 =	vadd.s32 s15, v8;
	v9 =	vmax.bf16 v9, v51  }
0x129: {  	v54 =	vadd.s32 s15, v7;
	v9 =	vmax.bf16 v9, v52  }
0x12a: {  	v56 =	vadd.s32 s15, v6;
	v55 =	vunpack.i.l.bf16.f32 v9  }
0x12b: {  	v57 =	vadd.s32 s15, v2;
	v9 =	vunpack.i.u.bf16.f32 v9;
	[tilespmem:s14+$0x200] =	vst v55  }
0x12c: {  	v58 =	vadd.s32 s15, v0;
	[tilespmem:s14+$0x280] =	vst v9  }
0x12d: {  	v59 =	vadd.s32 s15, v1;
	v8 =	vld.idx.msk [tilespmem:v53+s2+$0x0], $0xffff  }
0x12e: {  	v60 =	vadd.s32 s15, v3;
	v7 =	vld.idx.msk [tilespmem:v54+s2+$0x0], $0xffff  }
0x12f: {  	v61 =	vadd.s32 s15, v4;
	v6 =	vld.idx.msk [tilespmem:v56+s2+$0x0], $0xffff  }
0x130: {  	v62 =	vadd.s32 s15, v5;
	v2 =	vld.idx.msk [tilespmem:v57+s2+$0x0], $0xffff  }
0x131: {  	v0 =	vld.idx.msk [tilespmem:v58+s2+$0x0], $0xffff  }
0x132: {  	v1 =	vld.idx.msk [tilespmem:v59+s2+$0x0], $0xffff  }
0x133: {  	v3 =	vld.idx.msk [tilespmem:v60+s2+$0x0], $0xffff;
	v7 =	vmax.bf16 v8, v7  }
0x134: {  	v4 =	vld.idx.msk [tilespmem:v61+s2+$0x0], $0xffff;
	v6 =	vmax.bf16 v7, v6  }
0x135: {  	v5 =	vld.idx.msk [tilespmem:v62+s2+$0x0], $0xffff;
	v2 =	vmax.bf16 v6, v2  }
0x136: {  	v0 =	vmax.bf16 v2, v0  }
0x137: {  	s13 =	sadd.s32 $0x1, s13;
	v0 =	vmax.bf16 v0, v1  }
0x138: {  	p0 =	sne.s32 s13, $0x19;
	v0 =	vmax.bf16 v0, v3  }
.Ltmp1:
0x139: {  	v0 =	vmax.bf16 v0, v4;
	(pc) =	sbr.rel @p0 .LBB2_2-.Ltmp1, $4  }
0x13a: {  	v0 =	vmax.bf16 v0, v5  }
0x13b: {  	v63 =	vunpack.i.l.bf16.f32 v0  }
0x13c: {  	v0 =	vunpack.i.u.bf16.f32 v0;
	[tilespmem:s14+$0x300] =	vst v63  }
0x13d: {  	s12 =	sadd.s32 $0x80, s12;
	s11 =	sadd.s32 $0x1, s11;
	[tilespmem:s14+$0x380] =	vst v0  }
0x13e: {  	s10 =	sadd.s32 $0x1, s10  }
0x13f: {  	p0 =	sne.s32 s10, s6  }
.Ltmp2:
0x140: {  	_ = 	snop;
	(pc) =	sbr.rel @p0 .LBB2_1-.Ltmp2, $4  }
0x141: {  	[hbm4b:s5+s2] =	stream.linear.scatter [tilespmem:s9], [sflag:$0x1], $0xC000, $0x38;
	[tilespmem:$0xF800] =	vst v63  }
0x142: {  	_ =	swait.ge [sflag:s7], $0xC000  }
0x143: {  	[sflag:s7] =	ssyncset.done $0x0  }
0x144: {  	[sflag:s7] =	ssyncadd.s32 $0xFFFF4000  }
0x145: {  	_ =	sfence.sel $0x180000  }
0x146: {  	[bflag:$0x0] =	sbarrier.arrive $0xFFFF  }
0x147: {  	p0 =	sne.s32 s1, $0x0;
	_ =	strace $0x9000004A  }
0x148: {  	s0 =	sadd.s32 @!p0 $0x100000, s0;
	[bflag:$0x2] =	sbarrier.arrive $0xFFFF  }
0x149: {  	[sflag:s0] =	ssyncadd.tile.s32 @!p0 $0x1;
	_ =	shalt  }
.Lfunc_end2:
_tile_overlayer_lowered:
.L_overlay_start_2:
0x14a: {  	(tag) =	ssettag $0x2  }
0x14b: {  	s0 =	rddreg [dreg:$0x0];
	s2 =	stileid.u32  }
0x14c: {  	s1 =	rddreg [dreg:$0x1];
	p0 =	sne.s32 s2, $0x0  }
0x14d: {  	s3 =	rddreg [dreg:$0x2];
	[bflag:$0x3] =	sbarrier.arrive $0xFFFF;
	s2 =	simm.s32 @!p0 $0x1C01  }
0x14e: {  	[timem:s3], [sflag:s2] =	dma.local @!p0 [hbm:s0], s1  }
0x14f: {  	s0 =	simm.s32 @!p0 $0x1  }
0x150: {  	_ =	swait.ge @!p0 [sflag:s0], s1  }
0x151: {  	s1 =	ssub.s32 @!p0 $0x0, s1;
	[sflag:s0] =	ssyncset.done @!p0 $0x0  }
0x152: {  	[sflag:s0] =	ssyncadd.s32 @!p0 s1  }
0x153: {  	[bflag:$0x3] =	sbarrier.arrive $0xFFFF  }
0x154: {  	_ =	shalt  }

// kernel: kernel.8.cloned.1.call-start
scs
__scs_entry_jumppad:
0x0: {  	(pc) =	sbr.rel $0x88, $3  }
0x1: {  	(tag) =	ssettag $0x0;
	lr =	simm.s32 $0x1  }
0x2: {  	[smem:$0x3F94] =	sst lr;
	_ =	strace $0xD0000000  }
0x3: {  	_ = 	snop  }
0x4: {  	_ = 	snop  }
0x5: {  	_ = 	snop  }
0x6: {  	_ = 	snop  }
0x7: {  	_ = 	snop  }
__scs_overlays_trampoline_lowered:
0x8: {  	[smem:$0x3FA3] =	sst s0  }
0x9: {  	[smem:$0x3FA4] =	sst s1  }
0xa: {  	[smem:$0x3FA5] =	sst s2  }
0xb: {  	[smem:$0x3FA6] =	sst s3  }
0xc: {  	[smem:$0x3FA7] =	sst s4  }
0xd: {  	[smem:$0x3FA8] =	sst s5  }
0xe: {  	[smem:$0x3FA9] =	sst s6  }
0xf: {  	[smem:$0x3FAA] =	sst s7  }
0x10: {  	[smem:$0x3FAB] =	sst s8  }
0x11: {  	[smem:$0x3FAC] =	sst s9;
	s0 =	simm.s32 @!p0 $0x0  }
0x12: {  	s1 =	sld [smem:$0x3F92];
	s0 =	simm.s32 @p0 $0x1  }
0x13: {  	[smem:$0x3FAD] =	sst s0;
	s0 =	simm.s32 @!p1 $0x0  }
0x14: {  	s2 =	sld [smem:$0x3F91];
	s0 =	simm.s32 @p1 $0x1  }
0x15: {  	[smem:$0x3FAE] =	sst s0;
	s0 =	simm.s32 @!p2 $0x0  }
0x16: {  	s3 =	sld [smem:$0x3FDB];
	s0 =	simm.s32 @p2 $0x1  }
0x17: {  	s4 =	simm.s32 $0x1BF5;
	[smem:$0x3FB0] =	sst s0  }
0x18: {  	s0 =	sld [smem:$0x3F93];
	_ =	swait.ge [sflag:s4], $0x0  }
0x19: {  	s7 =	sld [smem:$0x3F94]  }
0x1a: {  	s8 =	sadd.s32 $0xFFFFE003, lr  }
0x1b: {  	s9 =	sadd.s32 $0xFFFFFEF7, lr;
	s5 =	simm.s32 $0xFFFFFFFF;
	p2 =	slt.u32 s8, $0xFFFFF086  }
0x1c: {  	p1 =	slt.u32 s9, $0xF7A;
	s5 =	simm.s32 @!p2 $0x0  }
0x1d: {  	s5 =	simm.s32 @p1 $0x1;
	p0 =	seq.s32 s7, s2  }
0x1e: {  	s7 =	smul.u32 @!p0 $0xF7A, s2;
	p2 =	seq.s32 @!p0 s5, $0x0  }
0x1f: {  	s9 =	smul.u32 $0xF7A, s1;
	s8 =	simm.s32 @!p0 $0x1BF5;
	p2 =	por !p2, p0  }
0x20: {  	[sflag:s8] =	ssyncset.s32 @!p0 $0xFFFFF086;
	s6 =	sadd.s32 @!p0 s3, s7;
	s7 =	simm.s32 @!p0 $0x108  }
0x21: {  	s3 =	sadd.s32 s3, s9;
	s6 =	sadd.s32 @!p0 $0x88, s6;
	s7 =	simm.s32 @p2 $0x1082  }
0x22: {  	[simem:s7], [sflag:s8] =	dma.local @!p0 [hbm:s6], $0xF7A  }
0x23: {  	s9 =	sor.u32 $0xD0000000, s2;
	s6 =	simm.s32 $0x108;
	_ =	swait.ge @!p0 [sflag:s8], $0x0  }
0x24: {  	s3 =	sadd.s32 $0x88, s3;
	s6 =	simm.s32 @!p1 $0x1082;
	[sflag:s4] =	ssyncset.s32 $0xFFFFF086  }
0x25: {  	[simem:s6], [sflag:s4] =	dma.local [hbm:s3], $0xF7A  }
0x26: {  	[smem:$0x3F94] =	sst s1;
	(tag) =	ssettag s2;
	_ =	strace s9  }
0x27: {  	s1 =	sld [smem:$0x3FA4]  }
0x28: {  	s2 =	sld [smem:$0x3FA5]  }
0x29: {  	s4 =	sld [smem:$0x3FA7]  }
0x2a: {  	p0 =	seq.s32 s5, $0x0;
	s5 =	sld [smem:$0x3FA8]  }
0x2b: {  	s6 =	sld [smem:$0x3FA9]  }
0x2c: {  	s7 =	sld [smem:$0x3FAA]  }
0x2d: {  	s3 =	simm.s32 $0x108;
	s8 =	sld [smem:$0x3FAB]  }
0x2e: {  	s3 =	simm.s32 @!p0 $0x1082;
	s9 =	sld [smem:$0x3FAC]  }
0x2f: {  	lr =	sadd.s32 s0, s3;
	s0 =	sld [smem:$0x3FA3]  }
0x30: {  	s3 =	sld [smem:$0x3FA6]  }
0x31: {  	[smem:$0x3FAF] =	sst s10  }
0x32: {  	s10 =	sld [smem:$0x3FAD];
	_ =	sdelay $0x3  }
0x33: {  	p0 =	seq.s32 s10, $0x1;
	s10 =	sld [smem:$0x3FAF];
	_ =	sdelay $0x3  }
0x34: {  	[smem:$0x3FAF] =	sst s10  }
0x35: {  	s10 =	sld [smem:$0x3FAE];
	_ =	sdelay $0x3  }
0x36: {  	p1 =	seq.s32 s10, $0x1;
	s10 =	sld [smem:$0x3FAF];
	_ =	sdelay $0x3  }
0x37: {  	[smem:$0x3FAF] =	sst s10  }
0x38: {  	s10 =	sld [smem:$0x3FB0]  }
0x39: {  	_ = 	snop;
	(pc) =	sbr.ind lr, $3  }
0x3a: {  	_ = 	snop  }
0x3b: {  	_ = 	snop  }
0x3c: {  	p2 =	seq.s32 s10, $0x1;
	s10 =	sld [smem:$0x3FAF]  }
0x3d: {  	_ =	shalt  }
0x3e: {  	_ =	shalt  }
0x3f: {  	_ =	shalt  }
0x40: {  	_ =	shalt  }
0x41: {  	_ =	shalt  }
0x42: {  	_ =	shalt  }
0x43: {  	_ =	shalt  }
0x44: {  	_ =	shalt  }
0x45: {  	_ =	shalt  }
0x46: {  	_ =	shalt  }
0x47: {  	_ =	shalt  }
0x48: {  	_ =	shalt  }
0x49: {  	_ =	shalt  }
0x4a: {  	_ =	shalt  }
0x4b: {  	_ =	shalt  }
0x4c: {  	_ =	shalt  }
0x4d: {  	_ =	shalt  }
0x4e: {  	_ =	shalt  }
0x4f: {  	_ =	shalt  }
0x50: {  	_ =	shalt  }
0x51: {  	_ =	shalt  }
0x52: {  	_ =	shalt  }
0x53: {  	_ =	shalt  }
0x54: {  	_ =	shalt  }
0x55: {  	_ =	shalt  }
0x56: {  	_ =	shalt  }
0x57: {  	_ =	shalt  }
0x58: {  	_ =	shalt  }
0x59: {  	_ =	shalt  }
0x5a: {  	_ =	shalt  }
0x5b: {  	_ =	shalt  }
0x5c: {  	_ =	shalt  }
0x5d: {  	_ =	shalt  }
0x5e: {  	_ =	shalt  }
0x5f: {  	_ =	shalt  }
0x60: {  	_ =	shalt  }
0x61: {  	_ =	shalt  }
0x62: {  	_ =	shalt  }
0x63: {  	_ =	shalt  }
0x64: {  	_ =	shalt  }
0x65: {  	_ =	shalt  }
0x66: {  	_ =	shalt  }
0x67: {  	_ =	shalt  }
0x68: {  	_ =	shalt  }
0x69: {  	_ =	shalt  }
0x6a: {  	_ =	shalt  }
0x6b: {  	_ =	shalt  }
0x6c: {  	_ =	shalt  }
0x6d: {  	_ =	shalt  }
0x6e: {  	_ =	shalt  }
0x6f: {  	_ =	shalt  }
0x70: {  	_ =	shalt  }
0x71: {  	_ =	shalt  }
0x72: {  	_ =	shalt  }
0x73: {  	_ =	shalt  }
0x74: {  	_ =	shalt  }
0x75: {  	_ =	shalt  }
0x76: {  	_ =	shalt  }
0x77: {  	_ =	shalt  }
0x78: {  	_ =	shalt  }
0x79: {  	_ =	shalt  }
0x7a: {  	_ =	shalt  }
0x7b: {  	_ =	shalt  }
0x7c: {  	_ =	shalt  }
0x7d: {  	_ =	shalt  }
0x7e: {  	_ =	shalt  }
0x7f: {  	_ =	shalt  }
0x80: {  	_ =	shalt  }
0x81: {  	_ =	shalt  }
0x82: {  	_ =	shalt  }
0x83: {  	_ =	shalt  }
0x84: {  	_ =	shalt  }
0x85: {  	_ =	shalt  }
0x86: {  	_ =	shalt  }
0x87: {  	_ =	shalt  }
.Lfunc_end0:
.L_simem_size_0:
called_computation_lowered:
.L_overlay_start_0:
0x88: {  	s2 =	sld [smem:$0x3FD9]  }
0x89: {  	s3 =	sld [smem:$0x3FFE];
	_ =	sdelay $0x1  }
0x8a: {  	s1 =	srdreg.scid  }
0x8b: {  	s0 =	sand.u32 $0x1, s1  }
0x8c: {  	s16 =	sshll.u32 s0, $0xA;
	s2 =	sadd.s32 s3, s2  }
0x8d: {  	s2 =	sadd.s32 s2, s16  }
0x8e: {  	[smem:$0x3FBB] =	sst s2  }
0x8f: {  	_ = 	snop  }
0x90: {  	(tm) =	ssettm $0x1  }
0x91: {  	s17 =	sld [smem:$0x3FFB];
	_ =	sdelay $0x3  }
0x92: {  	_ =	strace s17  }
0x93: {  	s2 =	sld [smem:$0x3FFC];
	_ =	sdelay $0x3  }
0x94: {  	_ =	strace s2  }
0x95: {  	s2 =	sld [smem:$0x3FFD];
	_ =	sdelay $0x3  }
0x96: {  	_ =	strace s2  }
0x97: {  	_ =	strace $0x8FFFFFFF  }
0x98: {  	s18 =	sld [smem:$0x3FDB];
	_ =	sdelay $0x1  }
0x99: {  	s19 =	simm.s32 $_scs_section_size  }
0x9a: {  	s4 =	simm.s32 $_size__tile_overlayer_lowered;
	s5 =	simm.s32 $_tile_overlayer_lowered  }
0x9b: {  	s22 =	simm.s32 $0x1BFF;
	s21 =	sshll.u32 s5, $0x1;
	s2 =	sadd.s32 s19, s18  }
0x9c: {  	s6 =	simm.s32 $0x0;
	s20 =	sshll.u32 s4, $0x1;
	s4 =	sadd.s32 s21, s2  }
0x9d: {  	[timem:s6], [sflag:s22] =	dma.local [hbm:s4], s20  }
0x9e: {  	_ =	swait.ge [sflag:s22], s20  }
0x9f: {  	s3 =	ssub.s32 $0x0, s20;
	[sflag:s22] =	ssyncset.done $0x0  }
0xa0: {  	[sflag:s22] =	ssyncadd.s32 s3;
	_ =	sdelay $0x1  }
0xa1: {  	s23 =	simm.s32 $0x1B8B  }
0xa2: {  	_ =	swait.ge [sflag:s23], $0x1  }
0xa3: {  	[sflag:s23] =	ssyncset.done $0x0  }
0xa4: {  	s25 =	simm.s32 $0x1B8E;
	s24 =	sld [smem:$0x3FFE];
	[sflag:s23] =	ssyncadd.s32 $0xFFFFFFFF  }
0xa5: {  	s26 =	simm.s32 $execute0_lowered;
	[smem:$0x3FD2] =	sst s25  }
0xa6: {  	s4 =	sshll.u32 s26, $0x1;
	_ =	strace $0x80000046;
	[dreg:$0x1] =	wrdreg $0xFFFFFFFF  }
0xa7: {  	s28 =	simm.s32 $_size_execute0_lowered;
	s2 =	sadd.s32 s2, s4;
	[dreg:$0x0] =	wrdreg $0x0  }
0xa8: {  	s4 =	sshll.u32 s28, $0x1;
	[dreg:$0x2] =	wrdreg s2  }
0xa9: {  	[dreg:$0x3] =	wrdreg s4  }
0xaa: {  	[dreg:$0x4] =	wrdreg $0xC0  }
0xab: {  	_ =	task [dreg:s6], $0x5FFFF  }
0xac: {  	[dreg:$0x1] =	wrdreg $0xFFFFFFFF  }
0xad: {  	[dreg:$0x0] =	wrdreg $0x60  }
0xae: {  	[dreg:$0x2] =	wrdreg s24  }
0xaf: {  	[dreg:$0x3] =	wrdreg $0x9  }
0xb0: {  	_ =	task.clear_ibuf [dreg:s6], $0x4FFFF;
	_ =	strace $0x90000046  }
0xb1: {  	s29 =	simm.s32 $0x9;
	_ =	strace $0x80000048  }
0xb2: {  	_ =	swait.ge [sflag:s29], $0x1  }
0xb3: {  	[sflag:s29] =	ssyncadd.s32 $0xFFFFFFFF  }
0xb4: {  	_ =	strace $0x90000048  }
0xb5: {  	_ =	sfence  }
0xb6: {  	s30 =	sld [smem:$0x0];
	_ =	sdelay $0x2  }
0xb7: {  	s31 =	sshll.u32 s1, $0xD;
	s1 =	sshrl.u32 s1, $0x2  }
0xb8: {  	s3 =	sand.u32 $0x4000, s31;
	s1 =	sadd.s32 s1, s30  }
0xb9: {  	s0 =	sor.u32 s3, s0;
	s1 =	sshll.u32 s1, $0x11  }
0xba: {  	s0 =	sor.u32 s1, s0  }
0xbb: {  	s0 =	sadd.s32 $0x8F2B, s0  }
0xbc: {  	[sflag:s0] =	ssyncadd.remote.s32 $0x1  }
0xbd: {  	_ =	sfence.sel $0xFFFF  }
0xbe: {  	[dreg:$0x0] =	wrdreg $0xFFFFFFFF;
	(pc) =	sbr.abs _section_cstart, $3  }
0xbf: {  	[dreg:$0x1] =	wrdreg $0xFFFFFFFF  }
0xc0: {  	_ =	task.clear_ibuf [dreg:s6], $0x2FFFF;
	_ =	strace $0x9FFFFFFF  }
0xc1: {  	(tm) =	ssettm $0x7FFFFFFF  }
tec
execute0_lowered:
.L_overlay_start_1:
0x0: {  	(tag) =	ssettag $0x1  }
0x1: {  	s3 =	rddreg [dreg:$0x0]  }
0x2: {  	s0 =	rddreg [dreg:$0x1]  }
0x3: {  	s1 =	stileid.u32;
	s2 =	srdreg.scid  }
0x4: {  	s10 =	simm.s32 $0x0;
	s4 =	sshrl.u32 s1, $0x2;
	s5 =	sshll.u32 s1, $0x1  }
0x5: {  	s7 =	sand.u32 $0x1, s2;
	s2 =	simm.s32 $0x0;
	s6 =	smul.u32 $0x300, s4  }
0x6: {  	s5 =	sand.u32 $0x6, s5;
	s8 =	smul.u32 $0x60000, s4;
	[smem:$0x7FF] =	sst s2  }
0x7: {  	s4 =	sshll.u32 s4, $0xD;
	s5 =	sor.u32 s7, s5;
	_ =	strace $0x80000047  }
0x8: {  	s4 =	sadd.s32 s4, s3;
	s7 =	ssub.s32 $0x2, s7;
	s9 =	smul.u32 $0xC000, s5  }
0x9: {  	s6 =	sadd.s32 s6, s3;
	s5 =	sshll.u32 s5, $0xA;
	s31 =	sshrl.u32 s7, $0x1  }
0xa: {  	s4 =	sadd.s32 s5, s4;
	s7 =	ssub.s32 s7, s31;
	s8 =	sadd.s32 s8, s9  }
0xb: {  	s4 =	sadd.s32 $0x2E00, s4;
	s9 =	simm.s32 $0x3800;
	s8 =	sshrl.u32 s8, $0x3  }
0xc: {  	s8 =	sadd.s32 s8, s3;
	s3 =	sadd.s32 $0xAE00, s6;
	s6 =	smax.u32 s7, $0x1  }
0xd: {  	s7 =	simm.s32 $0x1;
	s5 =	sadd.s32 $0xBA00, s8;
	s8 =	simm.s32 $0x1800  }
.LBB2_1:
0xe: {  	[tilespmem:s2], [sflag:$0x1] =	stream.linear.gather [hbm4b:s3+s2], $0x1800, $0x38;
	[tilespmem:$0xF800] =	vst v63  }
0xf: {  	_ =	swait.ge [sflag:s7], $0x1800  }
0x10: {  	[sflag:s7] =	ssyncset.done $0x0  }
0x11: {  	[sflag:s7] =	ssyncadd.s32 $0xFFFFE800  }
0x12: {  	[tilespmem:s8], [sflag:$0x1] =	stream.linear.gather [hbm4b:s4+s2], $0x2000, $0x38;
	[tilespmem:$0xF800] =	vst v63  }
0x13: {  	_ =	swait.ge [sflag:s7], $0x2000  }
0x14: {  	s11 =	simm.s32 $0x0;
	[sflag:s7] =	ssyncset.done $0x0  }
0x15: {  	s12 =	simm.s32 $0x0;
	s13 =	simm.s32 $0x0;
	[sflag:s7] =	ssyncadd.s32 $0xFFFFE000  }
.LBB2_2:
0x16: {  	s14 =	sshll.u32 s13, $0x4;
	s15 =	sshll.u32 s13, $0x7  }
0x17: {  	s16 =	sand.u32 $0x70, s14;
	s17 =	sand.u32 $0xC00, s15  }
0x18: {  	s16 =	sor.u32 s16, s17  }
0x19: {  	v8 =	vld [tilespmem:s16+$0x1800]  }
0x1a: {  	v7 =	vld [tilespmem:s16+$0x1880]  }
0x1b: {  	v6 =	vld [tilespmem:s16+$0x1900]  }
0x1c: {  	v2 =	vld [tilespmem:s16+$0x1980]  }
0x1d: {  	s25 =	simm.s32 $0x0;
	v0 =	vld [tilespmem:s16+$0x1A00]  }
0x1e: {  	s14 =	sor.u32 s15, s14;
	v1 =	vld [tilespmem:s16+$0x1A80];
	v9 =	vadd.s32 s25, v8  }
0x1f: {  	s14 =	sor.u32 $0x380, s14;
	v3 =	vld [tilespmem:s16+$0x1B00];
	v10 =	vadd.s32 s25, v7  }
0x20: {  	v4 =	vld [tilespmem:s14+$0x1800];
	v11 =	vadd.s32 s25, v6  }
0x21: {  	v5 =	vld [tilespmem:s16+$0x2800];
	v12 =	vadd.s32 s25, v2  }
0x22: {  	v13 =	vadd.s32 s25, v0  }
0x23: {  	v14 =	vadd.s32 s25, v1;
	v9 =	vld.idx.msk [tilespmem:v9+s2+$0x0], $0xffff  }
0x24: {  	v15 =	vadd.s32 s25, v3;
	v10 =	vld.idx.msk [tilespmem:v10+s2+$0x0], $0xffff  }
0x25: {  	v16 =	vadd.s32 s25, v4;
	v11 =	vld.idx.msk [tilespmem:v11+s2+$0x0], $0xffff  }
0x26: {  	v17 =	vadd.s32 s25, v5;
	v12 =	vld.idx.msk [tilespmem:v12+s2+$0x0], $0xffff  }
0x27: {  	v13 =	vld.idx.msk [tilespmem:v13+s2+$0x0], $0xffff  }
0x28: {  	v14 =	vld.idx.msk [tilespmem:v14+s2+$0x0], $0xffff  }
0x29: {  	v15 =	vld.idx.msk [tilespmem:v15+s2+$0x0], $0xffff;
	v9 =	vmax.bf16 v9, v10  }
0x2a: {  	v10 =	vld.idx.msk [tilespmem:v16+s2+$0x0], $0xffff;
	v9 =	vmax.bf16 v9, v11  }
0x2b: {  	v11 =	vld.idx.msk [tilespmem:v17+s2+$0x0], $0xffff;
	v9 =	vmax.bf16 v9, v12  }
0x2c: {  	v9 =	vmax.bf16 v9, v13  }
0x2d: {  	s26 =	sshll.u32 s12, $0x2;
	s28 =	sand.u32 $0x7, s11;
	v9 =	vmax.bf16 v9, v14  }
0x2e: {  	s29 =	simm.s32 $0x80;
	s15 =	sshll.u32 s28, $0x6;
	s14 =	sand.u32 $0xFFFFF000, s26;
	v9 =	vmax.bf16 v9, v15  }
0x2f: {  	s14 =	sor.u32 s15, s14;
	v9 =	vmax.bf16 v9, v10;
	v10 =	vadd.s32 s29, v8  }
0x30: {  	s14 =	sshrl.u32 s14, $0x2;
	v9 =	vmax.bf16 v9, v11;
	v11 =	vadd.s32 s29, v7  }
0x31: {  	s17 =	sadd.s32 $0x4800, s14;
	v13 =	vadd.s32 s29, v6;
	v12 =	vunpack.i.l.bf16.f32 v9  }
0x32: {  	v9 =	vunpack.i.u.bf16.f32 v9;
	[tilespmem:s17+$0xFFFFF000] =	vst v12;
	v12 =	vadd.s32 s29, v2  }
0x33: {  	[tilespmem:s17+$0xFFFFF080] =	vst v9;
	v9 =	vadd.s32 s29, v0  }
0x34: {  	v14 =	vadd.s32 s29, v1;
	v10 =	vld.idx.msk [tilespmem:v10+s2+$0x0], $0xffff  }
0x35: {  	v15 =	vadd.s32 s29, v3;
	v11 =	vld.idx.msk [tilespmem:v11+s2+$0x0], $0xffff  }
0x36: {  	v16 =	vadd.s32 s29, v4;
	v13 =	vld.idx.msk [tilespmem:v13+s2+$0x0], $0xffff  }
0x37: {  	v17 =	vadd.s32 s29, v5;
	v12 =	vld.idx.msk [tilespmem:v12+s2+$0x0], $0xffff  }
0x38: {  	v9 =	vld.idx.msk [tilespmem:v9+s2+$0x0], $0xffff  }
0x39: {  	v14 =	vld.idx.msk [tilespmem:v14+s2+$0x0], $0xffff  }
0x3a: {  	v15 =	vld.idx.msk [tilespmem:v15+s2+$0x0], $0xffff;
	v10 =	vmax.bf16 v10, v11  }
0x3b: {  	v11 =	vld.idx.msk [tilespmem:v16+s2+$0x0], $0xffff;
	v10 =	vmax.bf16 v10, v13  }
0x3c: {  	v13 =	vld.idx.msk [tilespmem:v17+s2+$0x0], $0xffff;
	v10 =	vmax.bf16 v10, v12  }
0x3d: {  	v9 =	vmax.bf16 v10, v9  }
0x3e: {  	v9 =	vmax.bf16 v9, v14  }
0x3f: {  	s30 =	simm.s32 $0x100;
	v9 =	vmax.bf16 v9, v15  }
0x40: {  	v10 =	vadd.s32 s30, v8;
	v9 =	vmax.bf16 v9, v11  }
0x41: {  	v11 =	vadd.s32 s30, v7;
	v9 =	vmax.bf16 v9, v13  }
0x42: {  	v13 =	vadd.s32 s30, v6;
	v12 =	vunpack.i.l.bf16.f32 v9  }
0x43: {  	v9 =	vunpack.i.u.bf16.f32 v9;
	[tilespmem:s17+$0xFFFFF100] =	vst v12;
	v12 =	vadd.s32 s30, v2  }
0x44: {  	[tilespmem:s17+$0xFFFFF180] =	vst v9;
	v9 =	vadd.s32 s30, v0  }
0x45: {  	v14 =	vadd.s32 s30, v1;
	v10 =	vld.idx.msk [tilespmem:v10+s2+$0x0], $0xffff  }
0x46: {  	v15 =	vadd.s32 s30, v3;
	v11 =	vld.idx.msk [tilespmem:v11+s2+$0x0], $0xffff  }
0x47: {  	v16 =	vadd.s32 s30, v4;
	v13 =	vld.idx.msk [tilespmem:v13+s2+$0x0], $0xffff  }
0x48: {  	v17 =	vadd.s32 s30, v5;
	v12 =	vld.idx.msk [tilespmem:v12+s2+$0x0], $0xffff  }
0x49: {  	v9 =	vld.idx.msk [tilespmem:v9+s2+$0x0], $0xffff  }
0x4a: {  	v14 =	vld.idx.msk [tilespmem:v14+s2+$0x0], $0xffff  }
0x4b: {  	v15 =	vld.idx.msk [tilespmem:v15+s2+$0x0], $0xffff;
	v10 =	vmax.bf16 v10, v11  }
0x4c: {  	v11 =	vld.idx.msk [tilespmem:v16+s2+$0x0], $0xffff;
	v10 =	vmax.bf16 v10, v13  }
0x4d: {  	v13 =	vld.idx.msk [tilespmem:v17+s2+$0x0], $0xffff;
	v10 =	vmax.bf16 v10, v12  }
0x4e: {  	v9 =	vmax.bf16 v10, v9  }
0x4f: {  	v9 =	vmax.bf16 v9, v14  }
0x50: {  	s31 =	simm.s32 $0x180;
	v9 =	vmax.bf16 v9, v15  }
0x51: {  	v10 =	vadd.s32 s31, v8;
	v9 =	vmax.bf16 v9, v11  }
0x52: {  	v11 =	vadd.s32 s31, v7;
	v9 =	vmax.bf16 v9, v13  }
0x53: {  	v13 =	vadd.s32 s31, v6;
	v12 =	vunpack.i.l.bf16.f32 v9  }
0x54: {  	v18 =	vadd.s32 s31, v0;
	v9 =	vunpack.i.u.bf16.f32 v9;
	[tilespmem:s17+$0xFFFFF200] =	vst v12  }
0x55: {  	v12 =	vadd.s32 s31, v2;
	[tilespmem:s17+$0xFFFFF280] =	vst v9  }
0x56: {  	v9 =	vld.idx.msk [tilespmem:v10+s2+$0x0], $0xffff  }
0x57: {  	v14 =	vadd.s32 s31, v1;
	v11 =	vld.idx.msk [tilespmem:v11+s2+$0x0], $0xffff  }
0x58: {  	v17 =	vadd.s32 s31, v3;
	v10 =	vld.idx.msk [tilespmem:v13+s2+$0x0], $0xffff  }
0x59: {  	s20 =	simm.s32 $0xF;
	s19 =	simm.s32 $0x200;
	s18 =	simm.s32 $0x280;
	v16 =	vadd.s32 s31, v4;
	v13 =	vld.idx.msk [tilespmem:v18+s2+$0x0], $0xffff  }
0x5a: {  	s16 =	simm.s32 $0x300;
	s15 =	simm.s32 $0x380;
	s14 =	smov.u32 s17;
	v15 =	vadd.s32 s31, v5;
	v12 =	vld.idx.msk [tilespmem:v12+s2+$0x0], $0xffff  }
.LBB2_3:
0x5b: {  	p0 =	sne.s32 s20, $0x2F  }
0x5c: {  	v14 =	vld.idx.msk [tilespmem:v14+s2+$0x0], $0xffff;
	s17 =	sadd.s32 $0x2000, s17;
	s21 =	smov.u32 s20;
	s20 =	sadd.s32 $0x8, s20  }
0x5d: {  	v17 =	vld.idx.msk [tilespmem:v17+s2+$0x0], $0xffff  }
0x5e: {  	v9 =	vmax.bf16 v9, v11;
	v11 =	vld.idx.msk [tilespmem:v16+s2+$0x0], $0xffff  }
0x5f: {  	v9 =	vmax.bf16 v9, v10;
	v10 =	vld.idx.msk [tilespmem:v15+s2+$0x0], $0xffff  }
0x60: {  	v9 =	vmax.bf16 v9, v12  }
0x61: {  	v9 =	vmax.bf16 v9, v13  }
0x62: {  	v9 =	vmax.bf16 v9, v14  }
0x63: {  	v9 =	vmax.bf16 v9, v17  }
0x64: {  	v9 =	vmax.bf16 v9, v11;
	v11 =	vadd.s32 s19, v8  }
0x65: {  	v12 =	vadd.s32 s19, v7;
	v9 =	vmax.bf16 v9, v10  }
0x66: {  	v15 =	vadd.s32 s19, v6;
	v10 =	vunpack.i.u.bf16.f32 v9;
	v9 =	vunpack.i.l.bf16.f32 v9  }
0x67: {  	s24 =	sshll.u32 s21, $0x7;
	v16 =	vadd.s32 s19, v2;
	[tilespmem:s14+$0xFFFFF300] =	vst v9  }
0x68: {  	v18 =	vadd.s32 s19, v0;
	s28 =	sadd.s32 $0xFFFFFC80, s24;
	s23 =	sadd.s32 $0xFFFFFD00, s24;
	s22 =	sadd.s32 $0xFFFFFD80, s24;
	[tilespmem:s14+$0xFFFFF380] =	vst v10  }
0x69: {  	v20 =	vadd.s32 s19, v1;
	s21 =	sadd.s32 $0xFFFFFE00, s24;
	s29 =	sadd.s32 $0xFFFFFE80, s24;
	s26 =	sadd.s32 $0xFFFFFF00, s24;
	v9 =	vadd.s32 s28, v7;
	v10 =	vadd.s32 s28, v8;
	v19 =	vld.idx.msk [tilespmem:v11+s2+$0x0], $0xffff  }
0x6a: {  	v22 =	vadd.s32 s19, v3;
	s25 =	sadd.s32 $0xFFFFFF80, s24;
	v13 =	vadd.s32 s28, v0;
	v11 =	vadd.s32 s28, v2;
	v21 =	vld.idx.msk [tilespmem:v12+s2+$0x0], $0xffff  }
0x6b: {  	v24 =	vadd.s32 s19, v4;
	v14 =	vadd.s32 s28, v4;
	v12 =	vadd.s32 s28, v3;
	v23 =	vld.idx.msk [tilespmem:v15+s2+$0x0], $0xffff  }
0x6c: {  	v26 =	vadd.s32 s19, v5;
	v17 =	vadd.s32 s28, v6;
	s19 =	smov.u32 s29;
	v25 =	vld.idx.msk [tilespmem:v16+s2+$0x0], $0xffff  }
0x6d: {  	v18 =	vld.idx.msk [tilespmem:v18+s2+$0x0], $0xffff  }
0x6e: {  	v15 =	vadd.s32 s28, v1;
	v20 =	vld.idx.msk [tilespmem:v20+s2+$0x0], $0xffff  }
0x6f: {  	v22 =	vld.idx.msk [tilespmem:v22+s2+$0x0], $0xffff  }
0x70: {  	v19 =	vmax.bf16 v19, v21;
	v21 =	vld.idx.msk [tilespmem:v24+s2+$0x0], $0xffff  }
0x71: {  	v16 =	vadd.s32 s28, v5;
	v19 =	vmax.bf16 v19, v23;
	v23 =	vld.idx.msk [tilespmem:v26+s2+$0x0], $0xffff  }
0x72: {  	v19 =	vmax.bf16 v19, v25  }
0x73: {  	v18 =	vmax.bf16 v19, v18  }
0x74: {  	v18 =	vmax.bf16 v18, v20  }
0x75: {  	v18 =	vmax.bf16 v18, v22  }
0x76: {  	v19 =	vadd.s32 s18, v8;
	v18 =	vmax.bf16 v18, v21  }
0x77: {  	v20 =	vadd.s32 s18, v7;
	v18 =	vmax.bf16 v18, v23  }
0x78: {  	v22 =	vadd.s32 s18, v6;
	v21 =	vunpack.i.u.bf16.f32 v18;
	v18 =	vunpack.i.l.bf16.f32 v18  }
0x79: {  	[tilespmem:s14+$0x0] =	vst v18;
	v18 =	vadd.s32 s18, v2  }
0x7a: {  	[tilespmem:s14+$0x80] =	vst v21;
	v21 =	vadd.s32 s18, v0  }
0x7b: {  	v23 =	vadd.s32 s18, v1;
	v19 =	vld.idx.msk [tilespmem:v19+s2+$0x0], $0xffff  }
0x7c: {  	v24 =	vadd.s32 s18, v3;
	v20 =	vld.idx.msk [tilespmem:v20+s2+$0x0], $0xffff  }
0x7d: {  	v25 =	vadd.s32 s18, v4;
	v22 =	vld.idx.msk [tilespmem:v22+s2+$0x0], $0xffff  }
0x7e: {  	v26 =	vadd.s32 s18, v5;
	s18 =	smov.u32 s26;
	v18 =	vld.idx.msk [tilespmem:v18+s2+$0x0], $0xffff  }
0x7f: {  	v21 =	vld.idx.msk [tilespmem:v21+s2+$0x0], $0xffff  }
0x80: {  	v23 =	vld.idx.msk [tilespmem:v23+s2+$0x0], $0xffff  }
0x81: {  	v24 =	vld.idx.msk [tilespmem:v24+s2+$0x0], $0xffff  }
0x82: {  	v19 =	vmax.bf16 v19, v20;
	v20 =	vld.idx.msk [tilespmem:v25+s2+$0x0], $0xffff  }
0x83: {  	v19 =	vmax.bf16 v19, v22;
	v22 =	vld.idx.msk [tilespmem:v26+s2+$0x0], $0xffff  }
0x84: {  	v18 =	vmax.bf16 v19, v18  }
0x85: {  	v18 =	vmax.bf16 v18, v21  }
0x86: {  	v18 =	vmax.bf16 v18, v23  }
0x87: {  	v18 =	vmax.bf16 v18, v24  }
0x88: {  	v19 =	vadd.s32 s16, v8;
	v18 =	vmax.bf16 v18, v20  }
0x89: {  	v20 =	vadd.s32 s16, v7;
	v18 =	vmax.bf16 v18, v22  }
0x8a: {  	v22 =	vadd.s32 s16, v6;
	v21 =	vunpack.i.u.bf16.f32 v18;
	v18 =	vunpack.i.l.bf16.f32 v18  }
0x8b: {  	[tilespmem:s14+$0x100] =	vst v18;
	v18 =	vadd.s32 s16, v2  }
0x8c: {  	[tilespmem:s14+$0x180] =	vst v21;
	v21 =	vadd.s32 s16, v0  }
0x8d: {  	v23 =	vadd.s32 s16, v1;
	v19 =	vld.idx.msk [tilespmem:v19+s2+$0x0], $0xffff  }
0x8e: {  	v24 =	vadd.s32 s16, v3;
	v20 =	vld.idx.msk [tilespmem:v20+s2+$0x0], $0xffff  }
0x8f: {  	v25 =	vadd.s32 s16, v4;
	v22 =	vld.idx.msk [tilespmem:v22+s2+$0x0], $0xffff  }
0x90: {  	v26 =	vadd.s32 s16, v5;
	s16 =	smov.u32 s25;
	v18 =	vld.idx.msk [tilespmem:v18+s2+$0x0], $0xffff  }
0x91: {  	v21 =	vld.idx.msk [tilespmem:v21+s2+$0x0], $0xffff  }
0x92: {  	v23 =	vld.idx.msk [tilespmem:v23+s2+$0x0], $0xffff  }
0x93: {  	v24 =	vld.idx.msk [tilespmem:v24+s2+$0x0], $0xffff  }
0x94: {  	v19 =	vmax.bf16 v19, v20;
	v20 =	vld.idx.msk [tilespmem:v25+s2+$0x0], $0xffff  }
0x95: {  	v19 =	vmax.bf16 v19, v22;
	v22 =	vld.idx.msk [tilespmem:v26+s2+$0x0], $0xffff  }
0x96: {  	v18 =	vmax.bf16 v19, v18  }
0x97: {  	v18 =	vmax.bf16 v18, v21  }
0x98: {  	v18 =	vmax.bf16 v18, v23  }
0x99: {  	v18 =	vmax.bf16 v18, v24  }
0x9a: {  	v19 =	vadd.s32 s15, v8;
	v18 =	vmax.bf16 v18, v20  }
0x9b: {  	v20 =	vadd.s32 s15, v7;
	v18 =	vmax.bf16 v18, v22  }
0x9c: {  	v22 =	vadd.s32 s15, v6;
	v21 =	vunpack.i.u.bf16.f32 v18;
	v18 =	vunpack.i.l.bf16.f32 v18  }
0x9d: {  	[tilespmem:s14+$0x200] =	vst v18;
	v18 =	vadd.s32 s15, v2  }
0x9e: {  	[tilespmem:s14+$0x280] =	vst v21;
	v21 =	vadd.s32 s15, v0  }
0x9f: {  	v23 =	vadd.s32 s15, v1;
	v19 =	vld.idx.msk [tilespmem:v19+s2+$0x0], $0xffff  }
0xa0: {  	v24 =	vadd.s32 s15, v3;
	v20 =	vld.idx.msk [tilespmem:v20+s2+$0x0], $0xffff  }
0xa1: {  	v25 =	vadd.s32 s15, v4;
	v22 =	vld.idx.msk [tilespmem:v22+s2+$0x0], $0xffff  }
0xa2: {  	v26 =	vadd.s32 s15, v5;
	s15 =	smov.u32 s24;
	v18 =	vld.idx.msk [tilespmem:v18+s2+$0x0], $0xffff  }
0xa3: {  	v21 =	vld.idx.msk [tilespmem:v21+s2+$0x0], $0xffff  }
0xa4: {  	v23 =	vld.idx.msk [tilespmem:v23+s2+$0x0], $0xffff  }
0xa5: {  	v24 =	vld.idx.msk [tilespmem:v24+s2+$0x0], $0xffff  }
0xa6: {  	v19 =	vmax.bf16 v19, v20;
	v20 =	vld.idx.msk [tilespmem:v25+s2+$0x0], $0xffff  }
0xa7: {  	v19 =	vmax.bf16 v19, v22;
	v22 =	vld.idx.msk [tilespmem:v26+s2+$0x0], $0xffff  }
0xa8: {  	v18 =	vmax.bf16 v19, v18  }
0xa9: {  	v18 =	vmax.bf16 v18, v21  }
0xaa: {  	v18 =	vmax.bf16 v18, v23  }
0xab: {  	v18 =	vmax.bf16 v18, v24  }
0xac: {  	v18 =	vmax.bf16 v18, v20  }
0xad: {  	v18 =	vmax.bf16 v18, v22  }
0xae: {  	v19 =	vunpack.i.u.bf16.f32 v18;
	v18 =	vunpack.i.l.bf16.f32 v18  }
0xaf: {  	[tilespmem:s14+$0x300] =	vst v18  }
0xb0: {  	[tilespmem:s14+$0x380] =	vst v19;
	s14 =	smov.u32 s17  }
0xb1: {  	v17 =	vld.idx.msk [tilespmem:v17+s2+$0x0], $0xffff  }
0xb2: {  	v10 =	vld.idx.msk [tilespmem:v10+s2+$0x0], $0xffff  }
0xb3: {  	v9 =	vld.idx.msk [tilespmem:v9+s2+$0x0], $0xffff  }
0xb4: {  	v13 =	vld.idx.msk [tilespmem:v13+s2+$0x0], $0xffff  }
0xb5: {  	v11 =	vld.idx.msk [tilespmem:v11+s2+$0x0], $0xffff  }
0xb6: {  	v15 =	vld.idx.msk [tilespmem:v15+s2+$0x0], $0xffff  }
0xb7: {  	v14 =	vld.idx.msk [tilespmem:v14+s2+$0x0], $0xffff  }
0xb8: {  	v12 =	vld.idx.msk [tilespmem:v12+s2+$0x0], $0xffff  }
0xb9: {  	v9 =	vmax.bf16 v10, v9;
	v10 =	vld.idx.msk [tilespmem:v16+s2+$0x0], $0xffff  }
0xba: {  	v9 =	vmax.bf16 v9, v17  }
0xbb: {  	v9 =	vmax.bf16 v9, v11  }
0xbc: {  	v9 =	vmax.bf16 v9, v13  }
0xbd: {  	v9 =	vmax.bf16 v9, v15  }
0xbe: {  	v9 =	vmax.bf16 v9, v12  }
0xbf: {  	v11 =	vadd.s32 s23, v8;
	v9 =	vmax.bf16 v9, v14  }
0xc0: {  	v9 =	vmax.bf16 v9, v10;
	v10 =	vadd.s32 s23, v7  }
0xc1: {  	v13 =	vadd.s32 s23, v6;
	v12 =	vunpack.i.u.bf16.f32 v9;
	v9 =	vunpack.i.l.bf16.f32 v9  }
0xc2: {  	[tilespmem:s17+$0xFFFFF000] =	vst v9;
	v9 =	vadd.s32 s23, v2  }
0xc3: {  	[tilespmem:s17+$0xFFFFF080] =	vst v12;
	v12 =	vadd.s32 s23, v0  }
0xc4: {  	v14 =	vadd.s32 s23, v1;
	v11 =	vld.idx.msk [tilespmem:v11+s2+$0x0], $0xffff  }
0xc5: {  	v15 =	vadd.s32 s23, v3;
	v10 =	vld.idx.msk [tilespmem:v10+s2+$0x0], $0xffff  }
0xc6: {  	v16 =	vadd.s32 s23, v4;
	v13 =	vld.idx.msk [tilespmem:v13+s2+$0x0], $0xffff  }
0xc7: {  	v17 =	vadd.s32 s23, v5;
	v9 =	vld.idx.msk [tilespmem:v9+s2+$0x0], $0xffff  }
0xc8: {  	v12 =	vld.idx.msk [tilespmem:v12+s2+$0x0], $0xffff  }
0xc9: {  	v14 =	vld.idx.msk [tilespmem:v14+s2+$0x0], $0xffff  }
0xca: {  	v15 =	vld.idx.msk [tilespmem:v15+s2+$0x0], $0xffff  }
0xcb: {  	v10 =	vmax.bf16 v11, v10;
	v11 =	vld.idx.msk [tilespmem:v16+s2+$0x0], $0xffff  }
0xcc: {  	v10 =	vmax.bf16 v10, v13;
	v13 =	vld.idx.msk [tilespmem:v17+s2+$0x0], $0xffff  }
0xcd: {  	v9 =	vmax.bf16 v10, v9  }
0xce: {  	v9 =	vmax.bf16 v9, v12  }
0xcf: {  	v9 =	vmax.bf16 v9, v14  }
0xd0: {  	v9 =	vmax.bf16 v9, v15  }
0xd1: {  	v10 =	vadd.s32 s22, v8;
	v9 =	vmax.bf16 v9, v11  }
0xd2: {  	v11 =	vadd.s32 s22, v7;
	v9 =	vmax.bf16 v9, v13  }
0xd3: {  	v13 =	vadd.s32 s22, v6;
	v12 =	vunpack.i.u.bf16.f32 v9;
	v9 =	vunpack.i.l.bf16.f32 v9  }
0xd4: {  	[tilespmem:s17+$0xFFFFF100] =	vst v9;
	v9 =	vadd.s32 s22, v2  }
0xd5: {  	[tilespmem:s17+$0xFFFFF180] =	vst v12;
	v12 =	vadd.s32 s22, v0  }
0xd6: {  	v14 =	vadd.s32 s22, v1;
	v10 =	vld.idx.msk [tilespmem:v10+s2+$0x0], $0xffff  }
0xd7: {  	v15 =	vadd.s32 s22, v3;
	v11 =	vld.idx.msk [tilespmem:v11+s2+$0x0], $0xffff  }
0xd8: {  	v16 =	vadd.s32 s22, v4;
	v13 =	vld.idx.msk [tilespmem:v13+s2+$0x0], $0xffff  }
0xd9: {  	v17 =	vadd.s32 s22, v5;
	v9 =	vld.idx.msk [tilespmem:v9+s2+$0x0], $0xffff  }
0xda: {  	v12 =	vld.idx.msk [tilespmem:v12+s2+$0x0], $0xffff  }
0xdb: {  	v14 =	vld.idx.msk [tilespmem:v14+s2+$0x0], $0xffff  }
0xdc: {  	v15 =	vld.idx.msk [tilespmem:v15+s2+$0x0], $0xffff  }
0xdd: {  	v10 =	vmax.bf16 v10, v11;
	v11 =	vld.idx.msk [tilespmem:v16+s2+$0x0], $0xffff  }
0xde: {  	v10 =	vmax.bf16 v10, v13;
	v13 =	vld.idx.msk [tilespmem:v17+s2+$0x0], $0xffff  }
0xdf: {  	v9 =	vmax.bf16 v10, v9  }
0xe0: {  	v9 =	vmax.bf16 v9, v12  }
0xe1: {  	v9 =	vmax.bf16 v9, v14  }
0xe2: {  	v9 =	vmax.bf16 v9, v15  }
0xe3: {  	v10 =	vadd.s32 s21, v8;
	v9 =	vmax.bf16 v9, v11  }
0xe4: {  	v11 =	vadd.s32 s21, v7;
	v9 =	vmax.bf16 v9, v13  }
0xe5: {  	v13 =	vadd.s32 s21, v6;
	v12 =	vunpack.i.u.bf16.f32 v9;
	v9 =	vunpack.i.l.bf16.f32 v9  }
0xe6: {  	v15 =	vadd.s32 s21, v2;
	[tilespmem:s17+$0xFFFFF200] =	vst v9  }
0xe7: {  	v18 =	vadd.s32 s21, v0;
	[tilespmem:s17+$0xFFFFF280] =	vst v12  }
.Ltmp0:
0xe8: {  	v14 =	vadd.s32 s21, v1;
	v9 =	vld.idx.msk [tilespmem:v10+s2+$0x0], $0xffff;
	(pc) =	sbr.rel @p0 .LBB2_3-.Ltmp0, $4  }
0xe9: {  	v17 =	vadd.s32 s21, v3;
	v11 =	vld.idx.msk [tilespmem:v11+s2+$0x0], $0xffff  }
0xea: {  	v16 =	vadd.s32 s21, v4;
	v10 =	vld.idx.msk [tilespmem:v13+s2+$0x0], $0xffff  }
0xeb: {  	v12 =	vld.idx.msk [tilespmem:v15+s2+$0x0], $0xffff;
	v15 =	vadd.s32 s21, v5  }
0xec: {  	v13 =	vld.idx.msk [tilespmem:v18+s2+$0x0], $0xffff  }
0xed: {  	_ =	sdelay $0x3  }
0xee: {  	v14 =	vld.idx.msk [tilespmem:v14+s2+$0x0], $0xffff  }
0xef: {  	v17 =	vld.idx.msk [tilespmem:v17+s2+$0x0], $0xffff;
	v9 =	vmax.bf16 v9, v11  }
0xf0: {  	v63 =	vld.idx.msk [tilespmem:v16+s2+$0x0], $0xffff;
	v9 =	vmax.bf16 v9, v10  }
0xf1: {  	v16 =	vld.idx.msk [tilespmem:v15+s2+$0x0], $0xffff;
	v9 =	vmax.bf16 v9, v12  }
0xf2: {  	v9 =	vmax.bf16 v9, v13  }
0xf3: {  	v9 =	vmax.bf16 v9, v14  }
0xf4: {  	v9 =	vmax.bf16 v9, v17  }
0xf5: {  	v17 =	vadd.s32 s19, v8;
	v9 =	vmax.bf16 v9, v63  }
0xf6: {  	v18 =	vadd.s32 s19, v7;
	v9 =	vmax.bf16 v9, v16  }
0xf7: {  	v20 =	vadd.s32 s19, v6;
	v19 =	vunpack.i.l.bf16.f32 v9  }
0xf8: {  	v21 =	vadd.s32 s19, v2;
	v9 =	vunpack.i.u.bf16.f32 v9;
	[tilespmem:s14+$0xFFFFF300] =	vst v19  }
0xf9: {  	v22 =	vadd.s32 s19, v0;
	[tilespmem:s14+$0xFFFFF380] =	vst v9  }
0xfa: {  	v23 =	vadd.s32 s19, v1;
	v11 =	vld.idx.msk [tilespmem:v17+s2+$0x0], $0xffff  }
0xfb: {  	v24 =	vadd.s32 s19, v3;
	v10 =	vld.idx.msk [tilespmem:v18+s2+$0x0], $0xffff  }
0xfc: {  	v25 =	vadd.s32 s19, v4;
	v13 =	vld.idx.msk [tilespmem:v20+s2+$0x0], $0xffff  }
0xfd: {  	v26 =	vadd.s32 s19, v5;
	v12 =	vld.idx.msk [tilespmem:v21+s2+$0x0], $0xffff  }
0xfe: {  	v9 =	vld.idx.msk [tilespmem:v22+s2+$0x0], $0xffff  }
0xff: {  	v14 =	vld.idx.msk [tilespmem:v23+s2+$0x0], $0xffff  }
0x100: {  	v15 =	vld.idx.msk [tilespmem:v24+s2+$0x0], $0xffff;
	v10 =	vmax.bf16 v11, v10  }
0x101: {  	v27 =	vld.idx.msk [tilespmem:v25+s2+$0x0], $0xffff;
	v10 =	vmax.bf16 v10, v13  }
0x102: {  	v28 =	vld.idx.msk [tilespmem:v26+s2+$0x0], $0xffff;
	v10 =	vmax.bf16 v10, v12  }
0x103: {  	v9 =	vmax.bf16 v10, v9  }
0x104: {  	v9 =	vmax.bf16 v9, v14  }
0x105: {  	v9 =	vmax.bf16 v9, v15  }
0x106: {  	v29 =	vadd.s32 s18, v8;
	v9 =	vmax.bf16 v9, v27  }
0x107: {  	v30 =	vadd.s32 s18, v7;
	v9 =	vmax.bf16 v9, v28  }
0x108: {  	v32 =	vadd.s32 s18, v6;
	v31 =	vunpack.i.l.bf16.f32 v9  }
0x109: {  	v33 =	vadd.s32 s18, v2;
	v9 =	vunpack.i.u.bf16.f32 v9;
	[tilespmem:s14+$0x0] =	vst v31  }
0x10a: {  	v34 =	vadd.s32 s18, v0;
	[tilespmem:s14+$0x80] =	vst v9  }
0x10b: {  	v35 =	vadd.s32 s18, v1;
	v10 =	vld.idx.msk [tilespmem:v29+s2+$0x0], $0xffff  }
0x10c: {  	v36 =	vadd.s32 s18, v3;
	v11 =	vld.idx.msk [tilespmem:v30+s2+$0x0], $0xffff  }
0x10d: {  	v37 =	vadd.s32 s18, v4;
	v13 =	vld.idx.msk [tilespmem:v32+s2+$0x0], $0xffff  }
0x10e: {  	v38 =	vadd.s32 s18, v5;
	v12 =	vld.idx.msk [tilespmem:v33+s2+$0x0], $0xffff  }
0x10f: {  	v9 =	vld.idx.msk [tilespmem:v34+s2+$0x0], $0xffff  }
0x110: {  	v14 =	vld.idx.msk [tilespmem:v35+s2+$0x0], $0xffff  }
0x111: {  	v15 =	vld.idx.msk [tilespmem:v36+s2+$0x0], $0xffff;
	v10 =	vmax.bf16 v10, v11  }
0x112: {  	v39 =	vld.idx.msk [tilespmem:v37+s2+$0x0], $0xffff;
	v10 =	vmax.bf16 v10, v13  }
0x113: {  	v40 =	vld.idx.msk [tilespmem:v38+s2+$0x0], $0xffff;
	v10 =	vmax.bf16 v10, v12  }
0x114: {  	v9 =	vmax.bf16 v10, v9  }
0x115: {  	v9 =	vmax.bf16 v9, v14  }
0x116: {  	v9 =	vmax.bf16 v9, v15  }
0x117: {  	v41 =	vadd.s32 s16, v8;
	v9 =	vmax.bf16 v9, v39  }
0x118: {  	v42 =	vadd.s32 s16, v7;
	v9 =	vmax.bf16 v9, v40  }
0x119: {  	v44 =	vadd.s32 s16, v6;
	v43 =	vunpack.i.l.bf16.f32 v9  }
0x11a: {  	v45 =	vadd.s32 s16, v2;
	v9 =	vunpack.i.u.bf16.f32 v9;
	[tilespmem:s14+$0x100] =	vst v43  }
0x11b: {  	v46 =	vadd.s32 s16, v0;
	[tilespmem:s14+$0x180] =	vst v9  }
0x11c: {  	v47 =	vadd.s32 s16, v1;
	v10 =	vld.idx.msk [tilespmem:v41+s2+$0x0], $0xffff  }
0x11d: {  	v48 =	vadd.s32 s16, v3;
	v11 =	vld.idx.msk [tilespmem:v42+s2+$0x0], $0xffff  }
0x11e: {  	v49 =	vadd.s32 s16, v4;
	v13 =	vld.idx.msk [tilespmem:v44+s2+$0x0], $0xffff  }
0x11f: {  	v50 =	vadd.s32 s16, v5;
	v12 =	vld.idx.msk [tilespmem:v45+s2+$0x0], $0xffff  }
0x120: {  	v9 =	vld.idx.msk [tilespmem:v46+s2+$0x0], $0xffff  }
0x121: {  	v14 =	vld.idx.msk [tilespmem:v47+s2+$0x0], $0xffff  }
0x122: {  	v15 =	vld.idx.msk [tilespmem:v48+s2+$0x0], $0xffff;
	v10 =	vmax.bf16 v10, v11  }
0x123: {  	v51 =	vld.idx.msk [tilespmem:v49+s2+$0x0], $0xffff;
	v10 =	vmax.bf16 v10, v13  }
0x124: {  	v52 =	vld.idx.msk [tilespmem:v50+s2+$0x0], $0xffff;
	v10 =	vmax.bf16 v10, v12  }
0x125: {  	v9 =	vmax.bf16 v10, v9  }
0x126: {  	v9 =	vmax.bf16 v9, v14  }
0x127: {  	v9 =	vmax.bf16 v9, v15  }
0x128: {  	v53 =	vadd.s32 s15, v8;
	v9 =	vmax.bf16 v9, v51  }
0x129: {  	v54 =	vadd.s32 s15, v7;
	v9 =	vmax.bf16 v9, v52  }
0x12a: {  	v56 =	vadd.s32 s15, v6;
	v55 =	vunpack.i.l.bf16.f32 v9  }
0x12b: {  	v57 =	vadd.s32 s15, v2;
	v9 =	vunpack.i.u.bf16.f32 v9;
	[tilespmem:s14+$0x200] =	vst v55  }
0x12c: {  	v58 =	vadd.s32 s15, v0;
	[tilespmem:s14+$0x280] =	vst v9  }
0x12d: {  	v59 =	vadd.s32 s15, v1;
	v8 =	vld.idx.msk [tilespmem:v53+s2+$0x0], $0xffff  }
0x12e: {  	v60 =	vadd.s32 s15, v3;
	v7 =	vld.idx.msk [tilespmem:v54+s2+$0x0], $0xffff  }
0x12f: {  	v61 =	vadd.s32 s15, v4;
	v6 =	vld.idx.msk [tilespmem:v56+s2+$0x0], $0xffff  }
0x130: {  	v62 =	vadd.s32 s15, v5;
	v2 =	vld.idx.msk [tilespmem:v57+s2+$0x0], $0xffff  }
0x131: {  	v0 =	vld.idx.msk [tilespmem:v58+s2+$0x0], $0xffff  }
0x132: {  	v1 =	vld.idx.msk [tilespmem:v59+s2+$0x0], $0xffff  }
0x133: {  	v3 =	vld.idx.msk [tilespmem:v60+s2+$0x0], $0xffff;
	v7 =	vmax.bf16 v8, v7  }
0x134: {  	v4 =	vld.idx.msk [tilespmem:v61+s2+$0x0], $0xffff;
	v6 =	vmax.bf16 v7, v6  }
0x135: {  	v5 =	vld.idx.msk [tilespmem:v62+s2+$0x0], $0xffff;
	v2 =	vmax.bf16 v6, v2  }
0x136: {  	v0 =	vmax.bf16 v2, v0  }
0x137: {  	s13 =	sadd.s32 $0x1, s13;
	v0 =	vmax.bf16 v0, v1  }
0x138: {  	p0 =	sne.s32 s13, $0x19;
	v0 =	vmax.bf16 v0, v3  }
.Ltmp1:
0x139: {  	v0 =	vmax.bf16 v0, v4;
	(pc) =	sbr.rel @p0 .LBB2_2-.Ltmp1, $4  }
0x13a: {  	v0 =	vmax.bf16 v0, v5  }
0x13b: {  	v63 =	vunpack.i.l.bf16.f32 v0  }
0x13c: {  	v0 =	vunpack.i.u.bf16.f32 v0;
	[tilespmem:s14+$0x300] =	vst v63  }
0x13d: {  	s12 =	sadd.s32 $0x80, s12;
	s11 =	sadd.s32 $0x1, s11;
	[tilespmem:s14+$0x380] =	vst v0  }
0x13e: {  	s10 =	sadd.s32 $0x1, s10  }
0x13f: {  	p0 =	sne.s32 s10, s6  }
.Ltmp2:
0x140: {  	_ = 	snop;
	(pc) =	sbr.rel @p0 .LBB2_1-.Ltmp2, $4  }
0x141: {  	[hbm4b:s5+s2] =	stream.linear.scatter [tilespmem:s9], [sflag:$0x1], $0xC000, $0x38;
	[tilespmem:$0xF800] =	vst v63  }
0x142: {  	_ =	swait.ge [sflag:s7], $0xC000  }
0x143: {  	[sflag:s7] =	ssyncset.done $0x0  }
0x144: {  	[sflag:s7] =	ssyncadd.s32 $0xFFFF4000  }
0x145: {  	_ =	sfence.sel $0x180000  }
0x146: {  	[bflag:$0x0] =	sbarrier.arrive $0xFFFF  }
0x147: {  	p0 =	sne.s32 s1, $0x0;
	_ =	strace $0x90000047  }
0x148: {  	s0 =	sadd.s32 @!p0 $0x100000, s0;
	[bflag:$0x2] =	sbarrier.arrive $0xFFFF  }
0x149: {  	[sflag:s0] =	ssyncadd.tile.s32 @!p0 $0x1;
	_ =	shalt  }
.Lfunc_end2:
_tile_overlayer_lowered:
.L_overlay_start_2:
0x14a: {  	(tag) =	ssettag $0x2  }
0x14b: {  	s0 =	rddreg [dreg:$0x0];
	s2 =	stileid.u32  }
0x14c: {  	s1 =	rddreg [dreg:$0x1];
	p0 =	sne.s32 s2, $0x0  }
0x14d: {  	s3 =	rddreg [dreg:$0x2];
	[bflag:$0x3] =	sbarrier.arrive $0xFFFF;
	s2 =	simm.s32 @!p0 $0x1C01  }
0x14e: {  	[timem:s3], [sflag:s2] =	dma.local @!p0 [hbm:s0], s1  }
0x14f: {  	s0 =	simm.s32 @!p0 $0x1  }
0x150: {  	_ =	swait.ge @!p0 [sflag:s0], s1  }
0x151: {  	s1 =	ssub.s32 @!p0 $0x0, s1;
	[sflag:s0] =	ssyncset.done @!p0 $0x0  }
0x152: {  	[sflag:s0] =	ssyncadd.s32 @!p0 s1  }
0x153: {  	[bflag:$0x3] =	sbarrier.arrive $0xFFFF  }
0x154: {  	_ =	shalt  }

</sc_bundles>
